<compile_context>
chip_gen: v7x
topology: tpu7x:2x2x1
jax: 0.10.2.dev20260603
libtpu: 0.0.44.dev20260713+nightly
codegen_flags: <defaults>
</compile_context>

<pallas_src>
import functools

import jax
import jax.numpy as jnp
from jax import lax
from jax.experimental import pallas as pl
from jax.experimental.pallas import tpu as pltpu
from jax.experimental.pallas import tpu_sc as plsc

N = 10000
E = 320000
D = 128
T = 4

NC = 2
NS = 16
NW = NC * NS
BATCH = 128
NB = -(-E // (NW * BATCH))
EPW = NB * BATCH
EPAD = EPW * NW
ZCH = 128
RPT = -(-N // (NS * ZCH)) * ZCH
NPAD = RPT * NS
CHUNKS = RPT // ZCH

BN = 400


def _sc_aggregate(x, vecflat, gidx, didx, zrow):

    @functools.partial(
        pl.kernel,
        out_type=(
            jax.ShapeDtypeStruct((NC, NPAD, D), jnp.float32),
            jax.ShapeDtypeStruct((NC, 3, NPAD, D), jnp.float32),
        ),
        mesh=plsc.VectorSubcoreMesh(
            core_axis_name="c", subcore_axis_name="s",
            num_cores=NC, num_subcores=NS),
        scratch_types=[
            pltpu.VMEM_SHARED((NPAD, D), jnp.float32),
            pltpu.VMEM((NB, BATCH), jnp.int32),
            pltpu.VMEM((NB, BATCH), jnp.int32),
            pltpu.VMEM((BATCH, D), jnp.float32),
            pltpu.SemaphoreType.DMA,
            pltpu.SemaphoreType.DMA,
        ],
    )
    def k(x_hbm, vf_hbm, gidx_hbm, didx_hbm, zrow_hbm,
          aggx_hbm, aggv_hbm, acc, gi, di, buf, sem, ssem):
        c = lax.axis_index("c")
        s = lax.axis_index("s")
        wid = c * NS + s
        pltpu.sync_copy(didx_hbm.at[wid], di)
        for p in range(4):
            pltpu.sync_copy(zrow_hbm, buf)
            for kk in range(CHUNKS):
                pltpu.sync_copy(buf, acc.at[pl.ds(s * RPT + kk * ZCH, ZCH)])
            pltpu.sync_copy(gidx_hbm.at[p, wid], gi)
            plsc.subcore_barrier()
            tbl = x_hbm if p == 0 else vf_hbm

            def body(b, carry):
                pltpu.async_copy(tbl.at[gi.at[b]], buf, sem).wait()
                pltpu.async_copy(buf, acc.at[di.at[b]], ssem, add=True)
                return carry

            lax.fori_loop(0, NB, body, 0)

            def drain(b, carry):
                pltpu.make_async_copy(buf, acc.at[di.at[0]], ssem).wait()
                return carry

            lax.fori_loop(0, NB, drain, 0)
            plsc.subcore_barrier()
            for kk in range(CHUNKS):
                r = s * RPT + kk * ZCH
                pltpu.sync_copy(acc.at[pl.ds(r, ZCH)], buf)
                if p == 0:
                    pltpu.sync_copy(buf, aggx_hbm.at[c, pl.ds(r, ZCH)])
                else:
                    pltpu.sync_copy(buf, aggv_hbm.at[c, p - 1, pl.ds(r, ZCH)])
            plsc.subcore_barrier()

    return k(x, vecflat, gidx, didx, zrow)


def _tc_typed_matmul(an2, aggx_p, aggv_p, W_s, W_v):

    def body(an_ref, ax_ref, av_ref, ws_ref, wv_ref, s_out, v_out):
        f32 = jnp.float32
        an = an_ref[...]
        masks = [(an == t).astype(f32) for t in range(T)]
        ax = ax_ref[0] + ax_ref[1]
        s_acc = jnp.zeros((BN, D), f32)
        for t in range(T):
            s_acc += jnp.dot(ax * masks[t], ws_ref[t],
                             preferred_element_type=f32)
        s_out[...] = s_acc
        for comp in range(3):
            a = av_ref[0, comp] + av_ref[1, comp]
            acc = jnp.zeros((BN, D), f32)
            for t in range(T):
                acc += jnp.dot(a * masks[t], wv_ref[t],
                               preferred_element_type=f32)
            v_out[comp] = acc

    return pl.pallas_call(
        body,
        grid=(N // BN,),
        in_specs=[
            pl.BlockSpec((BN, 1), lambda i: (i, 0)),
            pl.BlockSpec((NC, BN, D), lambda i: (0, i, 0)),
            pl.BlockSpec((NC, 3, BN, D), lambda i: (0, 0, i, 0)),
            pl.BlockSpec((T, D, D), lambda i: (0, 0, 0)),
            pl.BlockSpec((T, D, D), lambda i: (0, 0, 0)),
        ],
        out_specs=[
            pl.BlockSpec((BN, D), lambda i: (i, 0)),
            pl.BlockSpec((3, BN, D), lambda i: (0, i, 0)),
        ],
        out_shape=[
            jax.ShapeDtypeStruct((N, D), jnp.float32),
            jax.ShapeDtypeStruct((3, N, D), jnp.float32),
        ],
    )(an2, aggx_p, aggv_p, W_s, W_v)


def kernel(x, vec, edge_index, atomic_number, W_s, W_v):
    src = edge_index[0]
    dst = edge_index[1]
    pad = EPAD - E
    srcp = jnp.concatenate([src, jnp.zeros((pad,), jnp.int32)])
    dstp = jnp.concatenate([dst, jnp.full((pad,), N, jnp.int32)])
    s3 = srcp * 3
    gidx = jnp.stack([srcp, s3, s3 + 1, s3 + 2]).reshape(4, NW, NB, BATCH)
    didx = dstp.reshape(NW, NB, BATCH)
    vecflat = vec.reshape(N * 3, D)
    zrow = jnp.zeros((ZCH, D), jnp.float32)

    aggx_p, aggv_p = _sc_aggregate(x, vecflat, gidx, didx, zrow)

    an2 = atomic_number.reshape(N, 1)
    srsts, v3 = _tc_typed_matmul(an2, aggx_p, aggv_p, W_s, W_v)
    vrsts = v3.transpose(1, 0, 2)
    return vrsts, srsts

# --- scband reference (transcript-rebuilt; emitter-appended) ---
"""Pipeline reference for scband-hetero-vertex-conv-69870527972050 (READ-ONLY COPY).

The authoritative reference and input builder live on the scoring server;
editing this copy changes nothing except your own understanding.
"""

import jax, jax.numpy as jnp
import numpy as np

N_NODES = 10000
N_EDGES = 320000
D_FEAT = 128
N_TYPES = 4


def setup_inputs(seed: int = 0) -> dict:
    key = jax.random.key(seed)
    ks = jax.random.split(key, 6)
    x = jax.random.normal(ks[0], (N_NODES, D_FEAT), dtype=jnp.float32)
    vec = jax.random.normal(ks[1], (N_NODES, 3, D_FEAT), dtype=jnp.float32)
    edge_index = jax.random.randint(ks[2], (2, N_EDGES), 0, N_NODES, dtype=jnp.int32)
    atomic_number = jax.random.randint(ks[3], (N_NODES,), 0, N_TYPES, dtype=jnp.int32)
    W_s = jax.random.normal(ks[4], (N_TYPES, D_FEAT, D_FEAT), dtype=jnp.float32) / np.sqrt(D_FEAT)
    W_v = jax.random.normal(ks[5], (N_TYPES, D_FEAT, D_FEAT), dtype=jnp.float32) / np.sqrt(D_FEAT)
    return {"x": x, "vec": vec, "edge_index": edge_index, "atomic_number": atomic_number, "W_s": W_s, "W_v": W_v}


def reference(x, vec, edge_index, atomic_number, W_s, W_v):
    # HeteroVertexConv: for each node type t, take the in-subgraph of nodes of
    # type t (edges whose dst node has that type), run the per-type conv on it,
    # and accumulate (vrst, srst) into the rows belonging to those nodes.
    N = x.shape[0]
    src = edge_index[0]
    dst = edge_index[1]
    srsts = jnp.zeros_like(x)
    vrsts = jnp.zeros_like(vec)
    for t in range(N_TYPES):
        node_mask = (atomic_number == t)            # nid = where(atomic_number == type)
        edge_w = node_mask[dst].astype(x.dtype)      # in_subgraph(data, nid): keep edges with dst in nid
        # per-type conv: gather src features, mask to subgraph, scatter-add to dst
        msg_x = x[src] * edge_w[:, None]
        agg_x = jax.ops.segment_sum(msg_x, dst, num_segments=N)
        msg_v = vec[src] * edge_w[:, None, None]
        agg_v = jax.ops.segment_sum(msg_v, dst, num_segments=N)
        srst = agg_x @ W_s[t]
        vrst = agg_v @ W_v[t]
        nm = node_mask.astype(x.dtype)
        # vrsts[nid] += vrst[nid]; srsts[nid] += srst[nid]
        srsts = srsts + srst * nm[:, None]
        vrsts = vrsts + vrst * nm[:, None, None]
    # data.vec = vrsts; data.x = srsts
    return vrsts, srsts

if __name__ == "__main__":
    import jax
    _d = setup_inputs()
    print(jax.jit(kernel)(*tuple(_d.values())))

</pallas_src>

<mosaic_0001>
#map = affine_map<(d0, d1) -> (0, 0)>
#map1 = affine_map<(d0, d1) -> (0, 0, 0, 0)>
#map2 = affine_map<(d0, d1) -> (0, 0, 0)>
module attributes {stable_mosaic.version = 14 : i64} {
  func.func @k(%arg0: i32, %arg1: i32, %arg2: memref<10000x128xf32, #tpu.memory_space<hbm>>, %arg3: memref<30000x128xf32, #tpu.memory_space<hbm>>, %arg4: memref<4x32x79x128xi32, #tpu.memory_space<hbm>>, %arg5: memref<32x79x128xi32, #tpu.memory_space<hbm>>, %arg6: memref<128x128xf32, #tpu.memory_space<hbm>>, %arg7: memref<2x10240x128xf32, #tpu.memory_space<hbm>>, %arg8: memref<2x3x10240x128xf32, #tpu.memory_space<hbm>>, %arg9: memref<10240x128xf32, #tpu.memory_space<vmem_shared>>, %arg10: memref<79x128xi32, #tpu.memory_space<vmem>>, %arg11: memref<79x128xi32, #tpu.memory_space<vmem>>, %arg12: memref<128x128xf32, #tpu.memory_space<vmem>>, %arg13: memref<!tpu.dma_semaphore, #tpu.memory_space<semaphore_mem>>, %arg14: memref<!tpu.dma_semaphore, #tpu.memory_space<semaphore_mem>>) attributes {dimension_semantics = [#tpu.dimension_semantics<core_parallel>, #tpu.dimension_semantics<subcore_parallel>], iteration_bounds = array<i64: 2, 16>, scalar_prefetch = 0 : i64, scratch_operands = 6 : i64, tpu.core_type = #tpu.core_type<sc_vector_subcore>, window_params = [{transform_indices = #map}, {transform_indices = #map}, {transform_indices = #map1}, {transform_indices = #map2}, {transform_indices = #map}, {transform_indices = #map2}, {transform_indices = #map1}]} {
    %mul3A = arith.constant 16 : i32
    %mul3A_0 = arith.muli %arg0, %mul3A : i32
    %add3A = arith.addi %mul3A_0, %arg1 : i32
    "tpu.region"() ({
      %run_scoped3A_237 = tpu.sem_alloc : memref<!tpu.dma_semaphore, #tpu.memory_space<semaphore_mem>>
      %dma_start3A = arith.constant 0 : i32
      %dma_start3A_238 = arith.constant 0 : i32
      %dma_start3A_239 = tpu.memref_slice %arg5[%add3A, %dma_start3A, %dma_start3A_238] : memref<32x79x128xi32, #tpu.memory_space<hbm>> -> memref<1x79x128xi32, #tpu.memory_space<hbm>>
      %dma_start3A_240 = tpu.memref_squeeze %dma_start3A_239 : memref<1x79x128xi32, #tpu.memory_space<hbm>> -> memref<79x128xi32, #tpu.memory_space<hbm>>
      %dma_start3A_241 = arith.constant 0 : i32
      %dma_start3A_242 = arith.constant 0 : i32
      %dma_start3A_243 = tpu.memref_slice %arg5[%add3A, %dma_start3A_241, %dma_start3A_242] : memref<32x79x128xi32, #tpu.memory_space<hbm>> -> memref<1x79x128xi32, #tpu.memory_space<hbm>>
      %dma_start3A_244 = tpu.memref_squeeze %dma_start3A_243 : memref<1x79x128xi32, #tpu.memory_space<hbm>> -> memref<79x128xi32, #tpu.memory_space<hbm>>
      tpu.enqueue_dma source(%dma_start3A_244 : memref<79x128xi32, #tpu.memory_space<hbm>>) target(%arg11 : memref<79x128xi32, #tpu.memory_space<vmem>>) target_semaphore(%run_scoped3A_237 : memref<!tpu.dma_semaphore, #tpu.memory_space<semaphore_mem>>)
      %dma_wait3A = arith.constant 0 : i32
      %dma_wait3A_245 = arith.constant 0 : i32
      %dma_wait3A_246 = tpu.memref_slice %arg5[%add3A, %dma_wait3A, %dma_wait3A_245] : memref<32x79x128xi32, #tpu.memory_space<hbm>> -> memref<1x79x128xi32, #tpu.memory_space<hbm>>
      %dma_wait3A_247 = tpu.memref_squeeze %dma_wait3A_246 : memref<1x79x128xi32, #tpu.memory_space<hbm>> -> memref<79x128xi32, #tpu.memory_space<hbm>>
      %dma_wait3A_248 = arith.constant 0 : i32
      %dma_wait3A_249 = arith.constant 0 : i32
      %dma_wait3A_250 = tpu.memref_slice %arg5[%add3A, %dma_wait3A_248, %dma_wait3A_249] : memref<32x79x128xi32, #tpu.memory_space<hbm>> -> memref<1x79x128xi32, #tpu.memory_space<hbm>>
      %dma_wait3A_251 = tpu.memref_squeeze %dma_wait3A_250 : memref<1x79x128xi32, #tpu.memory_space<hbm>> -> memref<79x128xi32, #tpu.memory_space<hbm>>
      tpu.wait_dma2 semaphore(%run_scoped3A_237 : memref<!tpu.dma_semaphore, #tpu.memory_space<semaphore_mem>>) src(%dma_wait3A_251 : memref<79x128xi32, #tpu.memory_space<hbm>>) dst(%arg11 : memref<79x128xi32, #tpu.memory_space<vmem>>)
      tpu.yield
    }) : () -> ()
    "tpu.region"() ({
      %run_scoped3A_237 = tpu.sem_alloc : memref<!tpu.dma_semaphore, #tpu.memory_space<semaphore_mem>>
      tpu.enqueue_dma source(%arg6 : memref<128x128xf32, #tpu.memory_space<hbm>>) target(%arg12 : memref<128x128xf32, #tpu.memory_space<vmem>>) target_semaphore(%run_scoped3A_237 : memref<!tpu.dma_semaphore, #tpu.memory_space<semaphore_mem>>)
      tpu.wait_dma2 semaphore(%run_scoped3A_237 : memref<!tpu.dma_semaphore, #tpu.memory_space<semaphore_mem>>) src(%arg6 : memref<128x128xf32, #tpu.memory_space<hbm>>) dst(%arg12 : memref<128x128xf32, #tpu.memory_space<vmem>>)
      tpu.yield
    }) : () -> ()
    %mul3A_1 = arith.constant 640 : i32
    %mul3A_2 = arith.muli %arg1, %mul3A_1 : i32
    %add3A_3 = arith.constant 0 : i32
    %add3A_4 = arith.addi %mul3A_2, %add3A_3 : i32
    "tpu.region"() ({
      %run_scoped3A_237 = tpu.sem_alloc : memref<!tpu.dma_semaphore, #tpu.memory_space<semaphore_mem>>
      %dma_start3A = arith.constant 0 : i32
      %dma_start3A_238 = tpu.memref_slice %arg9[%add3A_4, %dma_start3A] : memref<10240x128xf32, #tpu.memory_space<vmem_shared>> -> memref<128x128xf32, #tpu.memory_space<vmem_shared>>
      %dma_start3A_239 = arith.constant 0 : i32
      %dma_start3A_240 = tpu.memref_slice %arg9[%add3A_4, %dma_start3A_239] : memref<10240x128xf32, #tpu.memory_space<vmem_shared>> -> memref<128x128xf32, #tpu.memory_space<vmem_shared>>
      tpu.enqueue_dma source(%arg12 : memref<128x128xf32, #tpu.memory_space<vmem>>) target(%dma_start3A_240 : memref<128x128xf32, #tpu.memory_space<vmem_shared>>) target_semaphore(%run_scoped3A_237 : memref<!tpu.dma_semaphore, #tpu.memory_space<semaphore_mem>>)
      %dma_wait3A = arith.constant 0 : i32
      %dma_wait3A_241 = tpu.memref_slice %arg9[%add3A_4, %dma_wait3A] : memref<10240x128xf32, #tpu.memory_space<vmem_shared>> -> memref<128x128xf32, #tpu.memory_space<vmem_shared>>
      %dma_wait3A_242 = arith.constant 0 : i32
      %dma_wait3A_243 = tpu.memref_slice %arg9[%add3A_4, %dma_wait3A_242] : memref<10240x128xf32, #tpu.memory_space<vmem_shared>> -> memref<128x128xf32, #tpu.memory_space<vmem_shared>>
      tpu.wait_dma2 semaphore(%run_scoped3A_237 : memref<!tpu.dma_semaphore, #tpu.memory_space<semaphore_mem>>) src(%arg12 : memref<128x128xf32, #tpu.memory_space<vmem>>) dst(%dma_wait3A_243 : memref<128x128xf32, #tpu.memory_space<vmem_shared>>)
      tpu.yield
    }) : () -> ()
    %mul3A_5 = arith.constant 640 : i32
    %mul3A_6 = arith.muli %arg1, %mul3A_5 : i32
    %add3A_7 = arith.constant 128 : i32
    %add3A_8 = arith.addi %mul3A_6, %add3A_7 : i32
    "tpu.region"() ({
      %run_scoped3A_237 = tpu.sem_alloc : memref<!tpu.dma_semaphore, #tpu.memory_space<semaphore_mem>>
      %dma_start3A = arith.constant 0 : i32
      %dma_start3A_238 = tpu.memref_slice %arg9[%add3A_8, %dma_start3A] : memref<10240x128xf32, #tpu.memory_space<vmem_shared>> -> memref<128x128xf32, #tpu.memory_space<vmem_shared>>
      %dma_start3A_239 = arith.constant 0 : i32
      %dma_start3A_240 = tpu.memref_slice %arg9[%add3A_8, %dma_start3A_239] : memref<10240x128xf32, #tpu.memory_space<vmem_shared>> -> memref<128x128xf32, #tpu.memory_space<vmem_shared>>
      tpu.enqueue_dma source(%arg12 : memref<128x128xf32, #tpu.memory_space<vmem>>) target(%dma_start3A_240 : memref<128x128xf32, #tpu.memory_space<vmem_shared>>) target_semaphore(%run_scoped3A_237 : memref<!tpu.dma_semaphore, #tpu.memory_space<semaphore_mem>>)
      %dma_wait3A = arith.constant 0 : i32
      %dma_wait3A_241 = tpu.memref_slice %arg9[%add3A_8, %dma_wait3A] : memref<10240x128xf32, #tpu.memory_space<vmem_shared>> -> memref<128x128xf32, #tpu.memory_space<vmem_shared>>
      %dma_wait3A_242 = arith.constant 0 : i32
      %dma_wait3A_243 = tpu.memref_slice %arg9[%add3A_8, %dma_wait3A_242] : memref<10240x128xf32, #tpu.memory_space<vmem_shared>> -> memref<128x128xf32, #tpu.memory_space<vmem_shared>>
      tpu.wait_dma2 semaphore(%run_scoped3A_237 : memref<!tpu.dma_semaphore, #tpu.memory_space<semaphore_mem>>) src(%arg12 : memref<128x128xf32, #tpu.memory_space<vmem>>) dst(%dma_wait3A_243 : memref<128x128xf32, #tpu.memory_space<vmem_shared>>)
      tpu.yield
    }) : () -> ()
    %mul3A_9 = arith.constant 640 : i32
    %mul3A_10 = arith.muli %arg1, %mul3A_9 : i32
    %add3A_11 = arith.constant 256 : i32
    %add3A_12 = arith.addi %mul3A_10, %add3A_11 : i32
    "tpu.region"() ({
      %run_scoped3A_237 = tpu.sem_alloc : memref<!tpu.dma_semaphore, #tpu.memory_space<semaphore_mem>>
      %dma_start3A = arith.constant 0 : i32
      %dma_start3A_238 = tpu.memref_slice %arg9[%add3A_12, %dma_start3A] : memref<10240x128xf32, #tpu.memory_space<vmem_shared>> -> memref<128x128xf32, #tpu.memory_space<vmem_shared>>
      %dma_start3A_239 = arith.constant 0 : i32
      %dma_start3A_240 = tpu.memref_slice %arg9[%add3A_12, %dma_start3A_239] : memref<10240x128xf32, #tpu.memory_space<vmem_shared>> -> memref<128x128xf32, #tpu.memory_space<vmem_shared>>
      tpu.enqueue_dma source(%arg12 : memref<128x128xf32, #tpu.memory_space<vmem>>) target(%dma_start3A_240 : memref<128x128xf32, #tpu.memory_space<vmem_shared>>) target_semaphore(%run_scoped3A_237 : memref<!tpu.dma_semaphore, #tpu.memory_space<semaphore_mem>>)
      %dma_wait3A = arith.constant 0 : i32
      %dma_wait3A_241 = tpu.memref_slice %arg9[%add3A_12, %dma_wait3A] : memref<10240x128xf32, #tpu.memory_space<vmem_shared>> -> memref<128x128xf32, #tpu.memory_space<vmem_shared>>
      %dma_wait3A_242 = arith.constant 0 : i32
      %dma_wait3A_243 = tpu.memref_slice %arg9[%add3A_12, %dma_wait3A_242] : memref<10240x128xf32, #tpu.memory_space<vmem_shared>> -> memref<128x128xf32, #tpu.memory_space<vmem_shared>>
      tpu.wait_dma2 semaphore(%run_scoped3A_237 : memref<!tpu.dma_semaphore, #tpu.memory_space<semaphore_mem>>) src(%arg12 : memref<128x128xf32, #tpu.memory_space<vmem>>) dst(%dma_wait3A_243 : memref<128x128xf32, #tpu.memory_space<vmem_shared>>)
      tpu.yield
    }) : () -> ()
    %mul3A_13 = arith.constant 640 : i32
    %mul3A_14 = arith.muli %arg1, %mul3A_13 : i32
    %add3A_15 = arith.constant 384 : i32
    %add3A_16 = arith.addi %mul3A_14, %add3A_15 : i32
    "tpu.region"() ({
      %run_scoped3A_237 = tpu.sem_alloc : memref<!tpu.dma_semaphore, #tpu.memory_space<semaphore_mem>>
      %dma_start3A = arith.constant 0 : i32
      %dma_start3A_238 = tpu.memref_slice %arg9[%add3A_16, %dma_start3A] : memref<10240x128xf32, #tpu.memory_space<vmem_shared>> -> memref<128x128xf32, #tpu.memory_space<vmem_shared>>
      %dma_start3A_239 = arith.constant 0 : i32
      %dma_start3A_240 = tpu.memref_slice %arg9[%add3A_16, %dma_start3A_239] : memref<10240x128xf32, #tpu.memory_space<vmem_shared>> -> memref<128x128xf32, #tpu.memory_space<vmem_shared>>
      tpu.enqueue_dma source(%arg12 : memref<128x128xf32, #tpu.memory_space<vmem>>) target(%dma_start3A_240 : memref<128x128xf32, #tpu.memory_space<vmem_shared>>) target_semaphore(%run_scoped3A_237 : memref<!tpu.dma_semaphore, #tpu.memory_space<semaphore_mem>>)
      %dma_wait3A = arith.constant 0 : i32
      %dma_wait3A_241 = tpu.memref_slice %arg9[%add3A_16, %dma_wait3A] : memref<10240x128xf32, #tpu.memory_space<vmem_shared>> -> memref<128x128xf32, #tpu.memory_space<vmem_shared>>
      %dma_wait3A_242 = arith.constant 0 : i32
      %dma_wait3A_243 = tpu.memref_slice %arg9[%add3A_16, %dma_wait3A_242] : memref<10240x128xf32, #tpu.memory_space<vmem_shared>> -> memref<128x128xf32, #tpu.memory_space<vmem_shared>>
      tpu.wait_dma2 semaphore(%run_scoped3A_237 : memref<!tpu.dma_semaphore, #tpu.memory_space<semaphore_mem>>) src(%arg12 : memref<128x128xf32, #tpu.memory_space<vmem>>) dst(%dma_wait3A_243 : memref<128x128xf32, #tpu.memory_space<vmem_shared>>)
      tpu.yield
    }) : () -> ()
    %mul3A_17 = arith.constant 640 : i32
    %mul3A_18 = arith.muli %arg1, %mul3A_17 : i32
    %add3A_19 = arith.constant 512 : i32
    %add3A_20 = arith.addi %mul3A_18, %add3A_19 : i32
    "tpu.region"() ({
      %run_scoped3A_237 = tpu.sem_alloc : memref<!tpu.dma_semaphore, #tpu.memory_space<semaphore_mem>>
      %dma_start3A = arith.constant 0 : i32
      %dma_start3A_238 = tpu.memref_slice %arg9[%add3A_20, %dma_start3A] : memref<10240x128xf32, #tpu.memory_space<vmem_shared>> -> memref<128x128xf32, #tpu.memory_space<vmem_shared>>
      %dma_start3A_239 = arith.constant 0 : i32
      %dma_start3A_240 = tpu.memref_slice %arg9[%add3A_20, %dma_start3A_239] : memref<10240x128xf32, #tpu.memory_space<vmem_shared>> -> memref<128x128xf32, #tpu.memory_space<vmem_shared>>
      tpu.enqueue_dma source(%arg12 : memref<128x128xf32, #tpu.memory_space<vmem>>) target(%dma_start3A_240 : memref<128x128xf32, #tpu.memory_space<vmem_shared>>) target_semaphore(%run_scoped3A_237 : memref<!tpu.dma_semaphore, #tpu.memory_space<semaphore_mem>>)
      %dma_wait3A = arith.constant 0 : i32
      %dma_wait3A_241 = tpu.memref_slice %arg9[%add3A_20, %dma_wait3A] : memref<10240x128xf32, #tpu.memory_space<vmem_shared>> -> memref<128x128xf32, #tpu.memory_space<vmem_shared>>
      %dma_wait3A_242 = arith.constant 0 : i32
      %dma_wait3A_243 = tpu.memref_slice %arg9[%add3A_20, %dma_wait3A_242] : memref<10240x128xf32, #tpu.memory_space<vmem_shared>> -> memref<128x128xf32, #tpu.memory_space<vmem_shared>>
      tpu.wait_dma2 semaphore(%run_scoped3A_237 : memref<!tpu.dma_semaphore, #tpu.memory_space<semaphore_mem>>) src(%arg12 : memref<128x128xf32, #tpu.memory_space<vmem>>) dst(%dma_wait3A_243 : memref<128x128xf32, #tpu.memory_space<vmem_shared>>)
      tpu.yield
    }) : () -> ()
    %run_scoped3A = arith.constant 0 : i32
    "tpu.region"() ({
      %run_scoped3A_237 = tpu.sem_alloc : memref<!tpu.dma_semaphore, #tpu.memory_space<semaphore_mem>>
      %dma_start3A = arith.constant 0 : i32
      %dma_start3A_238 = arith.constant 0 : i32
      %dma_start3A_239 = tpu.memref_slice %arg4[%run_scoped3A, %add3A, %dma_start3A, %dma_start3A_238] : memref<4x32x79x128xi32, #tpu.memory_space<hbm>> -> memref<1x1x79x128xi32, #tpu.memory_space<hbm>>
      %dma_start3A_240 = tpu.memref_squeeze %dma_start3A_239 : memref<1x1x79x128xi32, #tpu.memory_space<hbm>> -> memref<79x128xi32, #tpu.memory_space<hbm>>
      %dma_start3A_241 = arith.constant 0 : i32
      %dma_start3A_242 = arith.constant 0 : i32
      %dma_start3A_243 = tpu.memref_slice %arg4[%run_scoped3A, %add3A, %dma_start3A_241, %dma_start3A_242] : memref<4x32x79x128xi32, #tpu.memory_space<hbm>> -> memref<1x1x79x128xi32, #tpu.memory_space<hbm>>
      %dma_start3A_244 = tpu.memref_squeeze %dma_start3A_243 : memref<1x1x79x128xi32, #tpu.memory_space<hbm>> -> memref<79x128xi32, #tpu.memory_space<hbm>>
      tpu.enqueue_dma source(%dma_start3A_244 : memref<79x128xi32, #tpu.memory_space<hbm>>) target(%arg10 : memref<79x128xi32, #tpu.memory_space<vmem>>) target_semaphore(%run_scoped3A_237 : memref<!tpu.dma_semaphore, #tpu.memory_space<semaphore_mem>>)
      %dma_wait3A = arith.constant 0 : i32
      %dma_wait3A_245 = arith.constant 0 : i32
      %dma_wait3A_246 = tpu.memref_slice %arg4[%run_scoped3A, %add3A, %dma_wait3A, %dma_wait3A_245] : memref<4x32x79x128xi32, #tpu.memory_space<hbm>> -> memref<1x1x79x128xi32, #tpu.memory_space<hbm>>
      %dma_wait3A_247 = tpu.memref_squeeze %dma_wait3A_246 : memref<1x1x79x128xi32, #tpu.memory_space<hbm>> -> memref<79x128xi32, #tpu.memory_space<hbm>>
      %dma_wait3A_248 = arith.constant 0 : i32
      %dma_wait3A_249 = arith.constant 0 : i32
      %dma_wait3A_250 = tpu.memref_slice %arg4[%run_scoped3A, %add3A, %dma_wait3A_248, %dma_wait3A_249] : memref<4x32x79x128xi32, #tpu.memory_space<hbm>> -> memref<1x1x79x128xi32, #tpu.memory_space<hbm>>
      %dma_wait3A_251 = tpu.memref_squeeze %dma_wait3A_250 : memref<1x1x79x128xi32, #tpu.memory_space<hbm>> -> memref<79x128xi32, #tpu.memory_space<hbm>>
      tpu.wait_dma2 semaphore(%run_scoped3A_237 : memref<!tpu.dma_semaphore, #tpu.memory_space<semaphore_mem>>) src(%dma_wait3A_251 : memref<79x128xi32, #tpu.memory_space<hbm>>) dst(%arg10 : memref<79x128xi32, #tpu.memory_space<vmem>>)
      tpu.yield
    }) : () -> ()
    %barrier3A = arith.constant 0 : index
    tpu.barrier barrier_id(%barrier3A)
    %scan3A = arith.constant 0 : i32
    %scan3A_21 = arith.constant 0 : i32
    %scan3A_22 = arith.constant 79 : i32
    %scan3A_23 = arith.addi %scan3A_21, %scan3A_22 : i32
    %scan3A_24 = arith.constant 1 : i32
    scf.for %scan3A_237 = %scan3A_21 to %scan3A_23 step %scan3A_24  : i32 {
      %dma_start3A = arith.constant 0 : i32
      %dma_start3A_238 = tpu.memref_slice %arg10[%scan3A_237, %dma_start3A] : memref<79x128xi32, #tpu.memory_space<vmem>> -> memref<1x128xi32, #tpu.memory_space<vmem>>
      %dma_start3A_239 = tpu.memref_squeeze %dma_start3A_238 : memref<1x128xi32, #tpu.memory_space<vmem>> -> memref<128xi32, #tpu.memory_space<vmem>>
      %dma_start3A_240 = arith.constant 0 : i32
      %dma_start3A_241 = arith.constant 0 : i32
      %dma_start3A_242 = tpu.memref_slice %arg2[%dma_start3A_240, %dma_start3A_241] : memref<10000x128xf32, #tpu.memory_space<hbm>> -> memref<10000x128xf32, #tpu.memory_space<hbm>>
      tpu.enqueue_indirect_dma source(%dma_start3A_242 : memref<10000x128xf32, #tpu.memory_space<hbm>>) target(%arg12 : memref<128x128xf32, #tpu.memory_space<vmem>>) offsets(%dma_start3A_239 : memref<128xi32, #tpu.memory_space<vmem>>) semaphore(%arg13 : memref<!tpu.dma_semaphore, #tpu.memory_space<semaphore_mem>>)
      %dma_wait3A = arith.constant 0 : i32
      %dma_wait3A_243 = tpu.memref_slice %arg10[%scan3A_237, %dma_wait3A] : memref<79x128xi32, #tpu.memory_space<vmem>> -> memref<1x128xi32, #tpu.memory_space<vmem>>
      %dma_wait3A_244 = tpu.memref_squeeze %dma_wait3A_243 : memref<1x128xi32, #tpu.memory_space<vmem>> -> memref<128xi32, #tpu.memory_space<vmem>>
      %dma_wait3A_245 = arith.constant 0 : i32
      %dma_wait3A_246 = arith.constant 0 : i32
      %dma_wait3A_247 = tpu.memref_slice %arg2[%dma_wait3A_245, %dma_wait3A_246] : memref<10000x128xf32, #tpu.memory_space<hbm>> -> memref<10000x128xf32, #tpu.memory_space<hbm>>
      tpu.wait_indirect_dma semaphore(%arg13 : memref<!tpu.dma_semaphore, #tpu.memory_space<semaphore_mem>>) src(%dma_wait3A_247 : memref<10000x128xf32, #tpu.memory_space<hbm>>) dst(%arg12 : memref<128x128xf32, #tpu.memory_space<vmem>>)
      %dma_start3A_248 = arith.constant 0 : i32
      %dma_start3A_249 = tpu.memref_slice %arg11[%scan3A_237, %dma_start3A_248] : memref<79x128xi32, #tpu.memory_space<vmem>> -> memref<1x128xi32, #tpu.memory_space<vmem>>
      %dma_start3A_250 = tpu.memref_squeeze %dma_start3A_249 : memref<1x128xi32, #tpu.memory_space<vmem>> -> memref<128xi32, #tpu.memory_space<vmem>>
      %dma_start3A_251 = arith.constant 0 : i32
      %dma_start3A_252 = arith.constant 0 : i32
      %dma_start3A_253 = tpu.memref_slice %arg9[%dma_start3A_251, %dma_start3A_252] : memref<10240x128xf32, #tpu.memory_space<vmem_shared>> -> memref<10240x128xf32, #tpu.memory_space<vmem_shared>>
      tpu.enqueue_indirect_dma source(%arg12 : memref<128x128xf32, #tpu.memory_space<vmem>>) target(%dma_start3A_253 : memref<10240x128xf32, #tpu.memory_space<vmem_shared>>) offsets(%dma_start3A_250 : memref<128xi32, #tpu.memory_space<vmem>>) semaphore(%arg14 : memref<!tpu.dma_semaphore, #tpu.memory_space<semaphore_mem>>) {add = true}
    }
    %scan3A_25 = arith.constant 79 : i32
    %scan3A_26 = arith.constant 0 : i32
    %scan3A_27 = arith.constant 0 : i32
    %scan3A_28 = arith.constant 79 : i32
    %scan3A_29 = arith.addi %scan3A_27, %scan3A_28 : i32
    %scan3A_30 = arith.constant 1 : i32
    scf.for %scan3A_237 = %scan3A_27 to %scan3A_29 step %scan3A_30  : i32 {
      %dma_wait3A = arith.constant 0 : i32
      %dma_wait3A_238 = arith.constant 0 : i32
      %dma_wait3A_239 = tpu.memref_slice %arg11[%dma_wait3A, %dma_wait3A_238] : memref<79x128xi32, #tpu.memory_space<vmem>> -> memref<1x128xi32, #tpu.memory_space<vmem>>
      %dma_wait3A_240 = tpu.memref_squeeze %dma_wait3A_239 : memref<1x128xi32, #tpu.memory_space<vmem>> -> memref<128xi32, #tpu.memory_space<vmem>>
      %dma_wait3A_241 = arith.constant 0 : i32
      %dma_wait3A_242 = arith.constant 0 : i32
      %dma_wait3A_243 = tpu.memref_slice %arg9[%dma_wait3A_241, %dma_wait3A_242] : memref<10240x128xf32, #tpu.memory_space<vmem_shared>> -> memref<10240x128xf32, #tpu.memory_space<vmem_shared>>
      tpu.wait_indirect_dma semaphore(%arg14 : memref<!tpu.dma_semaphore, #tpu.memory_space<semaphore_mem>>) src(%arg12 : memref<128x128xf32, #tpu.memory_space<vmem>>) dst(%dma_wait3A_243 : memref<10240x128xf32, #tpu.memory_space<vmem_shared>>)
    }
    %scan3A_31 = arith.constant 79 : i32
    %barrier3A_32 = arith.constant 0 : index
    tpu.barrier barrier_id(%barrier3A_32)
    %mul3A_33 = arith.constant 640 : i32
    %mul3A_34 = arith.muli %arg1, %mul3A_33 : i32
    %add3A_35 = arith.constant 0 : i32
    %add3A_36 = arith.addi %mul3A_34, %add3A_35 : i32
    "tpu.region"() ({
      %run_scoped3A_237 = tpu.sem_alloc : memref<!tpu.dma_semaphore, #tpu.memory_space<semaphore_mem>>
      %dma_start3A = arith.constant 0 : i32
      %dma_start3A_238 = tpu.memref_slice %arg9[%add3A_36, %dma_start3A] : memref<10240x128xf32, #tpu.memory_space<vmem_shared>> -> memref<128x128xf32, #tpu.memory_space<vmem_shared>>
      %dma_start3A_239 = arith.constant 0 : i32
      %dma_start3A_240 = tpu.memref_slice %arg9[%add3A_36, %dma_start3A_239] : memref<10240x128xf32, #tpu.memory_space<vmem_shared>> -> memref<128x128xf32, #tpu.memory_space<vmem_shared>>
      tpu.enqueue_dma source(%dma_start3A_240 : memref<128x128xf32, #tpu.memory_space<vmem_shared>>) target(%arg12 : memref<128x128xf32, #tpu.memory_space<vmem>>) target_semaphore(%run_scoped3A_237 : memref<!tpu.dma_semaphore, #tpu.memory_space<semaphore_mem>>)
      %dma_wait3A = arith.constant 0 : i32
      %dma_wait3A_241 = tpu.memref_slice %arg9[%add3A_36, %dma_wait3A] : memref<10240x128xf32, #tpu.memory_space<vmem_shared>> -> memref<128x128xf32, #tpu.memory_space<vmem_shared>>
      %dma_wait3A_242 = arith.constant 0 : i32
      %dma_wait3A_243 = tpu.memref_slice %arg9[%add3A_36, %dma_wait3A_242] : memref<10240x128xf32, #tpu.memory_space<vmem_shared>> -> memref<128x128xf32, #tpu.memory_space<vmem_shared>>
      tpu.wait_dma2 semaphore(%run_scoped3A_237 : memref<!tpu.dma_semaphore, #tpu.memory_space<semaphore_mem>>) src(%dma_wait3A_243 : memref<128x128xf32, #tpu.memory_space<vmem_shared>>) dst(%arg12 : memref<128x128xf32, #tpu.memory_space<vmem>>)
      tpu.yield
    }) : () -> ()
    "tpu.region"() ({
      %run_scoped3A_237 = tpu.sem_alloc : memref<!tpu.dma_semaphore, #tpu.memory_space<semaphore_mem>>
      %dma_start3A = arith.constant 0 : i32
      %dma_start3A_238 = tpu.memref_slice %arg7[%arg0, %add3A_36, %dma_start3A] : memref<2x10240x128xf32, #tpu.memory_space<hbm>> -> memref<1x128x128xf32, #tpu.memory_space<hbm>>
      %dma_start3A_239 = tpu.memref_squeeze %dma_start3A_238 : memref<1x128x128xf32, #tpu.memory_space<hbm>> -> memref<128x128xf32, #tpu.memory_space<hbm>>
      %dma_start3A_240 = arith.constant 0 : i32
      %dma_start3A_241 = tpu.memref_slice %arg7[%arg0, %add3A_36, %dma_start3A_240] : memref<2x10240x128xf32, #tpu.memory_space<hbm>> -> memref<1x128x128xf32, #tpu.memory_space<hbm>>
      %dma_start3A_242 = tpu.memref_squeeze %dma_start3A_241 : memref<1x128x128xf32, #tpu.memory_space<hbm>> -> memref<128x128xf32, #tpu.memory_space<hbm>>
      tpu.enqueue_dma source(%arg12 : memref<128x128xf32, #tpu.memory_space<vmem>>) target(%dma_start3A_242 : memref<128x128xf32, #tpu.memory_space<hbm>>) target_semaphore(%run_scoped3A_237 : memref<!tpu.dma_semaphore, #tpu.memory_space<semaphore_mem>>)
      %dma_wait3A = arith.constant 0 : i32
      %dma_wait3A_243 = tpu.memref_slice %arg7[%arg0, %add3A_36, %dma_wait3A] : memref<2x10240x128xf32, #tpu.memory_space<hbm>> -> memref<1x128x128xf32, #tpu.memory_space<hbm>>
      %dma_wait3A_244 = tpu.memref_squeeze %dma_wait3A_243 : memref<1x128x128xf32, #tpu.memory_space<hbm>> -> memref<128x128xf32, #tpu.memory_space<hbm>>
      %dma_wait3A_245 = arith.constant 0 : i32
      %dma_wait3A_246 = tpu.memref_slice %arg7[%arg0, %add3A_36, %dma_wait3A_245] : memref<2x10240x128xf32, #tpu.memory_space<hbm>> -> memref<1x128x128xf32, #tpu.memory_space<hbm>>
      %dma_wait3A_247 = tpu.memref_squeeze %dma_wait3A_246 : memref<1x128x128xf32, #tpu.memory_space<hbm>> -> memref<128x128xf32, #tpu.memory_space<hbm>>
      tpu.wait_dma2 semaphore(%run_scoped3A_237 : memref<!tpu.dma_semaphore, #tpu.memory_space<semaphore_mem>>) src(%arg12 : memref<128x128xf32, #tpu.memory_space<vmem>>) dst(%dma_wait3A_247 : memref<128x128xf32, #tpu.memory_space<hbm>>)
      tpu.yield
    }) : () -> ()
    %mul3A_37 = arith.constant 640 : i32
    %mul3A_38 = arith.muli %arg1, %mul3A_37 : i32
    %add3A_39 = arith.constant 128 : i32
    %add3A_40 = arith.addi %mul3A_38, %add3A_39 : i32
    "tpu.region"() ({
      %run_scoped3A_237 = tpu.sem_alloc : memref<!tpu.dma_semaphore, #tpu.memory_space<semaphore_mem>>
      %dma_start3A = arith.constant 0 : i32
      %dma_start3A_238 = tpu.memref_slice %arg9[%add3A_40, %dma_start3A] : memref<10240x128xf32, #tpu.memory_space<vmem_shared>> -> memref<128x128xf32, #tpu.memory_space<vmem_shared>>
      %dma_start3A_239 = arith.constant 0 : i32
      %dma_start3A_240 = tpu.memref_slice %arg9[%add3A_40, %dma_start3A_239] : memref<10240x128xf32, #tpu.memory_space<vmem_shared>> -> memref<128x128xf32, #tpu.memory_space<vmem_shared>>
      tpu.enqueue_dma source(%dma_start3A_240 : memref<128x128xf32, #tpu.memory_space<vmem_shared>>) target(%arg12 : memref<128x128xf32, #tpu.memory_space<vmem>>) target_semaphore(%run_scoped3A_237 : memref<!tpu.dma_semaphore, #tpu.memory_space<semaphore_mem>>)
      %dma_wait3A = arith.constant 0 : i32
      %dma_wait3A_241 = tpu.memref_slice %arg9[%add3A_40, %dma_wait3A] : memref<10240x128xf32, #tpu.memory_space<vmem_shared>> -> memref<128x128xf32, #tpu.memory_space<vmem_shared>>
      %dma_wait3A_242 = arith.constant 0 : i32
      %dma_wait3A_243 = tpu.memref_slice %arg9[%add3A_40, %dma_wait3A_242] : memref<10240x128xf32, #tpu.memory_space<vmem_shared>> -> memref<128x128xf32, #tpu.memory_space<vmem_shared>>
      tpu.wait_dma2 semaphore(%run_scoped3A_237 : memref<!tpu.dma_semaphore, #tpu.memory_space<semaphore_mem>>) src(%dma_wait3A_243 : memref<128x128xf32, #tpu.memory_space<vmem_shared>>) dst(%arg12 : memref<128x128xf32, #tpu.memory_space<vmem>>)
      tpu.yield
    }) : () -> ()
    "tpu.region"() ({
      %run_scoped3A_237 = tpu.sem_alloc : memref<!tpu.dma_semaphore, #tpu.memory_space<semaphore_mem>>
      %dma_start3A = arith.constant 0 : i32
      %dma_start3A_238 = tpu.memref_slice %arg7[%arg0, %add3A_40, %dma_start3A] : memref<2x10240x128xf32, #tpu.memory_space<hbm>> -> memref<1x128x128xf32, #tpu.memory_space<hbm>>
      %dma_start3A_239 = tpu.memref_squeeze %dma_start3A_238 : memref<1x128x128xf32, #tpu.memory_space<hbm>> -> memref<128x128xf32, #tpu.memory_space<hbm>>
      %dma_start3A_240 = arith.constant 0 : i32
      %dma_start3A_241 = tpu.memref_slice %arg7[%arg0, %add3A_40, %dma_start3A_240] : memref<2x10240x128xf32, #tpu.memory_space<hbm>> -> memref<1x128x128xf32, #tpu.memory_space<hbm>>
      %dma_start3A_242 = tpu.memref_squeeze %dma_start3A_241 : memref<1x128x128xf32, #tpu.memory_space<hbm>> -> memref<128x128xf32, #tpu.memory_space<hbm>>
      tpu.enqueue_dma source(%arg12 : memref<128x128xf32, #tpu.memory_space<vmem>>) target(%dma_start3A_242 : memref<128x128xf32, #tpu.memory_space<hbm>>) target_semaphore(%run_scoped3A_237 : memref<!tpu.dma_semaphore, #tpu.memory_space<semaphore_mem>>)
      %dma_wait3A = arith.constant 0 : i32
      %dma_wait3A_243 = tpu.memref_slice %arg7[%arg0, %add3A_40, %dma_wait3A] : memref<2x10240x128xf32, #tpu.memory_space<hbm>> -> memref<1x128x128xf32, #tpu.memory_space<hbm>>
      %dma_wait3A_244 = tpu.memref_squeeze %dma_wait3A_243 : memref<1x128x128xf32, #tpu.memory_space<hbm>> -> memref<128x128xf32, #tpu.memory_space<hbm>>
      %dma_wait3A_245 = arith.constant 0 : i32
      %dma_wait3A_246 = tpu.memref_slice %arg7[%arg0, %add3A_40, %dma_wait3A_245] : memref<2x10240x128xf32, #tpu.memory_space<hbm>> -> memref<1x128x128xf32, #tpu.memory_space<hbm>>
      %dma_wait3A_247 = tpu.memref_squeeze %dma_wait3A_246 : memref<1x128x128xf32, #tpu.memory_space<hbm>> -> memref<128x128xf32, #tpu.memory_space<hbm>>
      tpu.wait_dma2 semaphore(%run_scoped3A_237 : memref<!tpu.dma_semaphore, #tpu.memory_space<semaphore_mem>>) src(%arg12 : memref<128x128xf32, #tpu.memory_space<vmem>>) dst(%dma_wait3A_247 : memref<128x128xf32, #tpu.memory_space<hbm>>)
      tpu.yield
    }) : () -> ()
    %mul3A_41 = arith.constant 640 : i32
    %mul3A_42 = arith.muli %arg1, %mul3A_41 : i32
    %add3A_43 = arith.constant 256 : i32
    %add3A_44 = arith.addi %mul3A_42, %add3A_43 : i32
    "tpu.region"() ({
      %run_scoped3A_237 = tpu.sem_alloc : memref<!tpu.dma_semaphore, #tpu.memory_space<semaphore_mem>>
      %dma_start3A = arith.constant 0 : i32
      %dma_start3A_238 = tpu.memref_slice %arg9[%add3A_44, %dma_start3A] : memref<10240x128xf32, #tpu.memory_space<vmem_shared>> -> memref<128x128xf32, #tpu.memory_space<vmem_shared>>
      %dma_start3A_239 = arith.constant 0 : i32
      %dma_start3A_240 = tpu.memref_slice %arg9[%add3A_44, %dma_start3A_239] : memref<10240x128xf32, #tpu.memory_space<vmem_shared>> -> memref<128x128xf32, #tpu.memory_space<vmem_shared>>
      tpu.enqueue_dma source(%dma_start3A_240 : memref<128x128xf32, #tpu.memory_space<vmem_shared>>) target(%arg12 : memref<128x128xf32, #tpu.memory_space<vmem>>) target_semaphore(%run_scoped3A_237 : memref<!tpu.dma_semaphore, #tpu.memory_space<semaphore_mem>>)
      %dma_wait3A = arith.constant 0 : i32
      %dma_wait3A_241 = tpu.memref_slice %arg9[%add3A_44, %dma_wait3A] : memref<10240x128xf32, #tpu.memory_space<vmem_shared>> -> memref<128x128xf32, #tpu.memory_space<vmem_shared>>
      %dma_wait3A_242 = arith.constant 0 : i32
      %dma_wait3A_243 = tpu.memref_slice %arg9[%add3A_44, %dma_wait3A_242] : memref<10240x128xf32, #tpu.memory_space<vmem_shared>> -> memref<128x128xf32, #tpu.memory_space<vmem_shared>>
      tpu.wait_dma2 semaphore(%run_scoped3A_237 : memref<!tpu.dma_semaphore, #tpu.memory_space<semaphore_mem>>) src(%dma_wait3A_243 : memref<128x128xf32, #tpu.memory_space<vmem_shared>>) dst(%arg12 : memref<128x128xf32, #tpu.memory_space<vmem>>)
      tpu.yield
    }) : () -> ()
    "tpu.region"() ({
      %run_scoped3A_237 = tpu.sem_alloc : memref<!tpu.dma_semaphore, #tpu.memory_space<semaphore_mem>>
      %dma_start3A = arith.constant 0 : i32
      %dma_start3A_238 = tpu.memref_slice %arg7[%arg0, %add3A_44, %dma_start3A] : memref<2x10240x128xf32, #tpu.memory_space<hbm>> -> memref<1x128x128xf32, #tpu.memory_space<hbm>>
      %dma_start3A_239 = tpu.memref_squeeze %dma_start3A_238 : memref<1x128x128xf32, #tpu.memory_space<hbm>> -> memref<128x128xf32, #tpu.memory_space<hbm>>
      %dma_start3A_240 = arith.constant 0 : i32
      %dma_start3A_241 = tpu.memref_slice %arg7[%arg0, %add3A_44, %dma_start3A_240] : memref<2x10240x128xf32, #tpu.memory_space<hbm>> -> memref<1x128x128xf32, #tpu.memory_space<hbm>>
      %dma_start3A_242 = tpu.memref_squeeze %dma_start3A_241 : memref<1x128x128xf32, #tpu.memory_space<hbm>> -> memref<128x128xf32, #tpu.memory_space<hbm>>
      tpu.enqueue_dma source(%arg12 : memref<128x128xf32, #tpu.memory_space<vmem>>) target(%dma_start3A_242 : memref<128x128xf32, #tpu.memory_space<hbm>>) target_semaphore(%run_scoped3A_237 : memref<!tpu.dma_semaphore, #tpu.memory_space<semaphore_mem>>)
      %dma_wait3A = arith.constant 0 : i32
      %dma_wait3A_243 = tpu.memref_slice %arg7[%arg0, %add3A_44, %dma_wait3A] : memref<2x10240x128xf32, #tpu.memory_space<hbm>> -> memref<1x128x128xf32, #tpu.memory_space<hbm>>
      %dma_wait3A_244 = tpu.memref_squeeze %dma_wait3A_243 : memref<1x128x128xf32, #tpu.memory_space<hbm>> -> memref<128x128xf32, #tpu.memory_space<hbm>>
      %dma_wait3A_245 = arith.constant 0 : i32
      %dma_wait3A_246 = tpu.memref_slice %arg7[%arg0, %add3A_44, %dma_wait3A_245] : memref<2x10240x128xf32, #tpu.memory_space<hbm>> -> memref<1x128x128xf32, #tpu.memory_space<hbm>>
      %dma_wait3A_247 = tpu.memref_squeeze %dma_wait3A_246 : memref<1x128x128xf32, #tpu.memory_space<hbm>> -> memref<128x128xf32, #tpu.memory_space<hbm>>
      tpu.wait_dma2 semaphore(%run_scoped3A_237 : memref<!tpu.dma_semaphore, #tpu.memory_space<semaphore_mem>>) src(%arg12 : memref<128x128xf32, #tpu.memory_space<vmem>>) dst(%dma_wait3A_247 : memref<128x128xf32, #tpu.memory_space<hbm>>)
      tpu.yield
    }) : () -> ()
    %mul3A_45 = arith.constant 640 : i32
    %mul3A_46 = arith.muli %arg1, %mul3A_45 : i32
    %add3A_47 = arith.constant 384 : i32
    %add3A_48 = arith.addi %mul3A_46, %add3A_47 : i32
    "tpu.region"() ({
      %run_scoped3A_237 = tpu.sem_alloc : memref<!tpu.dma_semaphore, #tpu.memory_space<semaphore_mem>>
      %dma_start3A = arith.constant 0 : i32
      %dma_start3A_238 = tpu.memref_slice %arg9[%add3A_48, %dma_start3A] : memref<10240x128xf32, #tpu.memory_space<vmem_shared>> -> memref<128x128xf32, #tpu.memory_space<vmem_shared>>
      %dma_start3A_239 = arith.constant 0 : i32
      %dma_start3A_240 = tpu.memref_slice %arg9[%add3A_48, %dma_start3A_239] : memref<10240x128xf32, #tpu.memory_space<vmem_shared>> -> memref<128x128xf32, #tpu.memory_space<vmem_shared>>
      tpu.enqueue_dma source(%dma_start3A_240 : memref<128x128xf32, #tpu.memory_space<vmem_shared>>) target(%arg12 : memref<128x128xf32, #tpu.memory_space<vmem>>) target_semaphore(%run_scoped3A_237 : memref<!tpu.dma_semaphore, #tpu.memory_space<semaphore_mem>>)
      %dma_wait3A = arith.constant 0 : i32
      %dma_wait3A_241 = tpu.memref_slice %arg9[%add3A_48, %dma_wait3A] : memref<10240x128xf32, #tpu.memory_space<vmem_shared>> -> memref<128x128xf32, #tpu.memory_space<vmem_shared>>
      %dma_wait3A_242 = arith.constant 0 : i32
      %dma_wait3A_243 = tpu.memref_slice %arg9[%add3A_48, %dma_wait3A_242] : memref<10240x128xf32, #tpu.memory_space<vmem_shared>> -> memref<128x128xf32, #tpu.memory_space<vmem_shared>>
      tpu.wait_dma2 semaphore(%run_scoped3A_237 : memref<!tpu.dma_semaphore, #tpu.memory_space<semaphore_mem>>) src(%dma_wait3A_243 : memref<128x128xf32, #tpu.memory_space<vmem_shared>>) dst(%arg12 : memref<128x128xf32, #tpu.memory_space<vmem>>)
      tpu.yield
    }) : () -> ()
    "tpu.region"() ({
      %run_scoped3A_237 = tpu.sem_alloc : memref<!tpu.dma_semaphore, #tpu.memory_space<semaphore_mem>>
      %dma_start3A = arith.constant 0 : i32
      %dma_start3A_238 = tpu.memref_slice %arg7[%arg0, %add3A_48, %dma_start3A] : memref<2x10240x128xf32, #tpu.memory_space<hbm>> -> memref<1x128x128xf32, #tpu.memory_space<hbm>>
      %dma_start3A_239 = tpu.memref_squeeze %dma_start3A_238 : memref<1x128x128xf32, #tpu.memory_space<hbm>> -> memref<128x128xf32, #tpu.memory_space<hbm>>
      %dma_start3A_240 = arith.constant 0 : i32
      %dma_start3A_241 = tpu.memref_slice %arg7[%arg0, %add3A_48, %dma_start3A_240] : memref<2x10240x128xf32, #tpu.memory_space<hbm>> -> memref<1x128x128xf32, #tpu.memory_space<hbm>>
      %dma_start3A_242 = tpu.memref_squeeze %dma_start3A_241 : memref<1x128x128xf32, #tpu.memory_space<hbm>> -> memref<128x128xf32, #tpu.memory_space<hbm>>
      tpu.enqueue_dma source(%arg12 : memref<128x128xf32, #tpu.memory_space<vmem>>) target(%dma_start3A_242 : memref<128x128xf32, #tpu.memory_space<hbm>>) target_semaphore(%run_scoped3A_237 : memref<!tpu.dma_semaphore, #tpu.memory_space<semaphore_mem>>)
      %dma_wait3A = arith.constant 0 : i32
      %dma_wait3A_243 = tpu.memref_slice %arg7[%arg0, %add3A_48, %dma_wait3A] : memref<2x10240x128xf32, #tpu.memory_space<hbm>> -> memref<1x128x128xf32, #tpu.memory_space<hbm>>
      %dma_wait3A_244 = tpu.memref_squeeze %dma_wait3A_243 : memref<1x128x128xf32, #tpu.memory_space<hbm>> -> memref<128x128xf32, #tpu.memory_space<hbm>>
      %dma_wait3A_245 = arith.constant 0 : i32
      %dma_wait3A_246 = tpu.memref_slice %arg7[%arg0, %add3A_48, %dma_wait3A_245] : memref<2x10240x128xf32, #tpu.memory_space<hbm>> -> memref<1x128x128xf32, #tpu.memory_space<hbm>>
      %dma_wait3A_247 = tpu.memref_squeeze %dma_wait3A_246 : memref<1x128x128xf32, #tpu.memory_space<hbm>> -> memref<128x128xf32, #tpu.memory_space<hbm>>
      tpu.wait_dma2 semaphore(%run_scoped3A_237 : memref<!tpu.dma_semaphore, #tpu.memory_space<semaphore_mem>>) src(%arg12 : memref<128x128xf32, #tpu.memory_space<vmem>>) dst(%dma_wait3A_247 : memref<128x128xf32, #tpu.memory_space<hbm>>)
      tpu.yield
    }) : () -> ()
    %mul3A_49 = arith.constant 640 : i32
    %mul3A_50 = arith.muli %arg1, %mul3A_49 : i32
    %add3A_51 = arith.constant 512 : i32
    %add3A_52 = arith.addi %mul3A_50, %add3A_51 : i32
    "tpu.region"() ({
      %run_scoped3A_237 = tpu.sem_alloc : memref<!tpu.dma_semaphore, #tpu.memory_space<semaphore_mem>>
      %dma_start3A = arith.constant 0 : i32
      %dma_start3A_238 = tpu.memref_slice %arg9[%add3A_52, %dma_start3A] : memref<10240x128xf32, #tpu.memory_space<vmem_shared>> -> memref<128x128xf32, #tpu.memory_space<vmem_shared>>
      %dma_start3A_239 = arith.constant 0 : i32
      %dma_start3A_240 = tpu.memref_slice %arg9[%add3A_52, %dma_start3A_239] : memref<10240x128xf32, #tpu.memory_space<vmem_shared>> -> memref<128x128xf32, #tpu.memory_space<vmem_shared>>
      tpu.enqueue_dma source(%dma_start3A_240 : memref<128x128xf32, #tpu.memory_space<vmem_shared>>) target(%arg12 : memref<128x128xf32, #tpu.memory_space<vmem>>) target_semaphore(%run_scoped3A_237 : memref<!tpu.dma_semaphore, #tpu.memory_space<semaphore_mem>>)
      %dma_wait3A = arith.constant 0 : i32
      %dma_wait3A_241 = tpu.memref_slice %arg9[%add3A_52, %dma_wait3A] : memref<10240x128xf32, #tpu.memory_space<vmem_shared>> -> memref<128x128xf32, #tpu.memory_space<vmem_shared>>
      %dma_wait3A_242 = arith.constant 0 : i32
      %dma_wait3A_243 = tpu.memref_slice %arg9[%add3A_52, %dma_wait3A_242] : memref<10240x128xf32, #tpu.memory_space<vmem_shared>> -> memref<128x128xf32, #tpu.memory_space<vmem_shared>>
      tpu.wait_dma2 semaphore(%run_scoped3A_237 : memref<!tpu.dma_semaphore, #tpu.memory_space<semaphore_mem>>) src(%dma_wait3A_243 : memref<128x128xf32, #tpu.memory_space<vmem_shared>>) dst(%arg12 : memref<128x128xf32, #tpu.memory_space<vmem>>)
      tpu.yield
    }) : () -> ()
    "tpu.region"() ({
      %run_scoped3A_237 = tpu.sem_alloc : memref<!tpu.dma_semaphore, #tpu.memory_space<semaphore_mem>>
      %dma_start3A = arith.constant 0 : i32
      %dma_start3A_238 = tpu.memref_slice %arg7[%arg0, %add3A_52, %dma_start3A] : memref<2x10240x128xf32, #tpu.memory_space<hbm>> -> memref<1x128x128xf32, #tpu.memory_space<hbm>>
      %dma_start3A_239 = tpu.memref_squeeze %dma_start3A_238 : memref<1x128x128xf32, #tpu.memory_space<hbm>> -> memref<128x128xf32, #tpu.memory_space<hbm>>
      %dma_start3A_240 = arith.constant 0 : i32
      %dma_start3A_241 = tpu.memref_slice %arg7[%arg0, %add3A_52, %dma_start3A_240] : memref<2x10240x128xf32, #tpu.memory_space<hbm>> -> memref<1x128x128xf32, #tpu.memory_space<hbm>>
      %dma_start3A_242 = tpu.memref_squeeze %dma_start3A_241 : memref<1x128x128xf32, #tpu.memory_space<hbm>> -> memref<128x128xf32, #tpu.memory_space<hbm>>
      tpu.enqueue_dma source(%arg12 : memref<128x128xf32, #tpu.memory_space<vmem>>) target(%dma_start3A_242 : memref<128x128xf32, #tpu.memory_space<hbm>>) target_semaphore(%run_scoped3A_237 : memref<!tpu.dma_semaphore, #tpu.memory_space<semaphore_mem>>)
      %dma_wait3A = arith.constant 0 : i32
      %dma_wait3A_243 = tpu.memref_slice %arg7[%arg0, %add3A_52, %dma_wait3A] : memref<2x10240x128xf32, #tpu.memory_space<hbm>> -> memref<1x128x128xf32, #tpu.memory_space<hbm>>
      %dma_wait3A_244 = tpu.memref_squeeze %dma_wait3A_243 : memref<1x128x128xf32, #tpu.memory_space<hbm>> -> memref<128x128xf32, #tpu.memory_space<hbm>>
      %dma_wait3A_245 = arith.constant 0 : i32
      %dma_wait3A_246 = tpu.memref_slice %arg7[%arg0, %add3A_52, %dma_wait3A_245] : memref<2x10240x128xf32, #tpu.memory_space<hbm>> -> memref<1x128x128xf32, #tpu.memory_space<hbm>>
      %dma_wait3A_247 = tpu.memref_squeeze %dma_wait3A_246 : memref<1x128x128xf32, #tpu.memory_space<hbm>> -> memref<128x128xf32, #tpu.memory_space<hbm>>
      tpu.wait_dma2 semaphore(%run_scoped3A_237 : memref<!tpu.dma_semaphore, #tpu.memory_space<semaphore_mem>>) src(%arg12 : memref<128x128xf32, #tpu.memory_space<vmem>>) dst(%dma_wait3A_247 : memref<128x128xf32, #tpu.memory_space<hbm>>)
      tpu.yield
    }) : () -> ()
    %barrier3A_53 = arith.constant 0 : index
    tpu.barrier barrier_id(%barrier3A_53)
    "tpu.region"() ({
      %run_scoped3A_237 = tpu.sem_alloc : memref<!tpu.dma_semaphore, #tpu.memory_space<semaphore_mem>>
      tpu.enqueue_dma source(%arg6 : memref<128x128xf32, #tpu.memory_space<hbm>>) target(%arg12 : memref<128x128xf32, #tpu.memory_space<vmem>>) target_semaphore(%run_scoped3A_237 : memref<!tpu.dma_semaphore, #tpu.memory_space<semaphore_mem>>)
      tpu.wait_dma2 semaphore(%run_scoped3A_237 : memref<!tpu.dma_semaphore, #tpu.memory_space<semaphore_mem>>) src(%arg6 : memref<128x128xf32, #tpu.memory_space<hbm>>) dst(%arg12 : memref<128x128xf32, #tpu.memory_space<vmem>>)
      tpu.yield
    }) : () -> ()
    %mul3A_54 = arith.constant 640 : i32
    %mul3A_55 = arith.muli %arg1, %mul3A_54 : i32
    %add3A_56 = arith.constant 0 : i32
    %add3A_57 = arith.addi %mul3A_55, %add3A_56 : i32
    "tpu.region"() ({
      %run_scoped3A_237 = tpu.sem_alloc : memref<!tpu.dma_semaphore, #tpu.memory_space<semaphore_mem>>
      %dma_start3A = arith.constant 0 : i32
      %dma_start3A_238 = tpu.memref_slice %arg9[%add3A_57, %dma_start3A] : memref<10240x128xf32, #tpu.memory_space<vmem_shared>> -> memref<128x128xf32, #tpu.memory_space<vmem_shared>>
      %dma_start3A_239 = arith.constant 0 : i32
      %dma_start3A_240 = tpu.memref_slice %arg9[%add3A_57, %dma_start3A_239] : memref<10240x128xf32, #tpu.memory_space<vmem_shared>> -> memref<128x128xf32, #tpu.memory_space<vmem_shared>>
      tpu.enqueue_dma source(%arg12 : memref<128x128xf32, #tpu.memory_space<vmem>>) target(%dma_start3A_240 : memref<128x128xf32, #tpu.memory_space<vmem_shared>>) target_semaphore(%run_scoped3A_237 : memref<!tpu.dma_semaphore, #tpu.memory_space<semaphore_mem>>)
      %dma_wait3A = arith.constant 0 : i32
      %dma_wait3A_241 = tpu.memref_slice %arg9[%add3A_57, %dma_wait3A] : memref<10240x128xf32, #tpu.memory_space<vmem_shared>> -> memref<128x128xf32, #tpu.memory_space<vmem_shared>>
      %dma_wait3A_242 = arith.constant 0 : i32
      %dma_wait3A_243 = tpu.memref_slice %arg9[%add3A_57, %dma_wait3A_242] : memref<10240x128xf32, #tpu.memory_space<vmem_shared>> -> memref<128x128xf32, #tpu.memory_space<vmem_shared>>
      tpu.wait_dma2 semaphore(%run_scoped3A_237 : memref<!tpu.dma_semaphore, #tpu.memory_space<semaphore_mem>>) src(%arg12 : memref<128x128xf32, #tpu.memory_space<vmem>>) dst(%dma_wait3A_243 : memref<128x128xf32, #tpu.memory_space<vmem_shared>>)
      tpu.yield
    }) : () -> ()
    %mul3A_58 = arith.constant 640 : i32
    %mul3A_59 = arith.muli %arg1, %mul3A_58 : i32
    %add3A_60 = arith.constant 128 : i32
    %add3A_61 = arith.addi %mul3A_59, %add3A_60 : i32
    "tpu.region"() ({
      %run_scoped3A_237 = tpu.sem_alloc : memref<!tpu.dma_semaphore, #tpu.memory_space<semaphore_mem>>
      %dma_start3A = arith.constant 0 : i32
      %dma_start3A_238 = tpu.memref_slice %arg9[%add3A_61, %dma_start3A] : memref<10240x128xf32, #tpu.memory_space<vmem_shared>> -> memref<128x128xf32, #tpu.memory_space<vmem_shared>>
      %dma_start3A_239 = arith.constant 0 : i32
      %dma_start3A_240 = tpu.memref_slice %arg9[%add3A_61, %dma_start3A_239] : memref<10240x128xf32, #tpu.memory_space<vmem_shared>> -> memref<128x128xf32, #tpu.memory_space<vmem_shared>>
      tpu.enqueue_dma source(%arg12 : memref<128x128xf32, #tpu.memory_space<vmem>>) target(%dma_start3A_240 : memref<128x128xf32, #tpu.memory_space<vmem_shared>>) target_semaphore(%run_scoped3A_237 : memref<!tpu.dma_semaphore, #tpu.memory_space<semaphore_mem>>)
      %dma_wait3A = arith.constant 0 : i32
      %dma_wait3A_241 = tpu.memref_slice %arg9[%add3A_61, %dma_wait3A] : memref<10240x128xf32, #tpu.memory_space<vmem_shared>> -> memref<128x128xf32, #tpu.memory_space<vmem_shared>>
      %dma_wait3A_242 = arith.constant 0 : i32
      %dma_wait3A_243 = tpu.memref_slice %arg9[%add3A_61, %dma_wait3A_242] : memref<10240x128xf32, #tpu.memory_space<vmem_shared>> -> memref<128x128xf32, #tpu.memory_space<vmem_shared>>
      tpu.wait_dma2 semaphore(%run_scoped3A_237 : memref<!tpu.dma_semaphore, #tpu.memory_space<semaphore_mem>>) src(%arg12 : memref<128x128xf32, #tpu.memory_space<vmem>>) dst(%dma_wait3A_243 : memref<128x128xf32, #tpu.memory_space<vmem_shared>>)
      tpu.yield
    }) : () -> ()
    %mul3A_62 = arith.constant 640 : i32
    %mul3A_63 = arith.muli %arg1, %mul3A_62 : i32
    %add3A_64 = arith.constant 256 : i32
    %add3A_65 = arith.addi %mul3A_63, %add3A_64 : i32
    "tpu.region"() ({
      %run_scoped3A_237 = tpu.sem_alloc : memref<!tpu.dma_semaphore, #tpu.memory_space<semaphore_mem>>
      %dma_start3A = arith.constant 0 : i32
      %dma_start3A_238 = tpu.memref_slice %arg9[%add3A_65, %dma_start3A] : memref<10240x128xf32, #tpu.memory_space<vmem_shared>> -> memref<128x128xf32, #tpu.memory_space<vmem_shared>>
      %dma_start3A_239 = arith.constant 0 : i32
      %dma_start3A_240 = tpu.memref_slice %arg9[%add3A_65, %dma_start3A_239] : memref<10240x128xf32, #tpu.memory_space<vmem_shared>> -> memref<128x128xf32, #tpu.memory_space<vmem_shared>>
      tpu.enqueue_dma source(%arg12 : memref<128x128xf32, #tpu.memory_space<vmem>>) target(%dma_start3A_240 : memref<128x128xf32, #tpu.memory_space<vmem_shared>>) target_semaphore(%run_scoped3A_237 : memref<!tpu.dma_semaphore, #tpu.memory_space<semaphore_mem>>)
      %dma_wait3A = arith.constant 0 : i32
      %dma_wait3A_241 = tpu.memref_slice %arg9[%add3A_65, %dma_wait3A] : memref<10240x128xf32, #tpu.memory_space<vmem_shared>> -> memref<128x128xf32, #tpu.memory_space<vmem_shared>>
      %dma_wait3A_242 = arith.constant 0 : i32
      %dma_wait3A_243 = tpu.memref_slice %arg9[%add3A_65, %dma_wait3A_242] : memref<10240x128xf32, #tpu.memory_space<vmem_shared>> -> memref<128x128xf32, #tpu.memory_space<vmem_shared>>
      tpu.wait_dma2 semaphore(%run_scoped3A_237 : memref<!tpu.dma_semaphore, #tpu.memory_space<semaphore_mem>>) src(%arg12 : memref<128x128xf32, #tpu.memory_space<vmem>>) dst(%dma_wait3A_243 : memref<128x128xf32, #tpu.memory_space<vmem_shared>>)
      tpu.yield
    }) : () -> ()
    %mul3A_66 = arith.constant 640 : i32
    %mul3A_67 = arith.muli %arg1, %mul3A_66 : i32
    %add3A_68 = arith.constant 384 : i32
    %add3A_69 = arith.addi %mul3A_67, %add3A_68 : i32
    "tpu.region"() ({
      %run_scoped3A_237 = tpu.sem_alloc : memref<!tpu.dma_semaphore, #tpu.memory_space<semaphore_mem>>
      %dma_start3A = arith.constant 0 : i32
      %dma_start3A_238 = tpu.memref_slice %arg9[%add3A_69, %dma_start3A] : memref<10240x128xf32, #tpu.memory_space<vmem_shared>> -> memref<128x128xf32, #tpu.memory_space<vmem_shared>>
      %dma_start3A_239 = arith.constant 0 : i32
      %dma_start3A_240 = tpu.memref_slice %arg9[%add3A_69, %dma_start3A_239] : memref<10240x128xf32, #tpu.memory_space<vmem_shared>> -> memref<128x128xf32, #tpu.memory_space<vmem_shared>>
      tpu.enqueue_dma source(%arg12 : memref<128x128xf32, #tpu.memory_space<vmem>>) target(%dma_start3A_240 : memref<128x128xf32, #tpu.memory_space<vmem_shared>>) target_semaphore(%run_scoped3A_237 : memref<!tpu.dma_semaphore, #tpu.memory_space<semaphore_mem>>)
      %dma_wait3A = arith.constant 0 : i32
      %dma_wait3A_241 = tpu.memref_slice %arg9[%add3A_69, %dma_wait3A] : memref<10240x128xf32, #tpu.memory_space<vmem_shared>> -> memref<128x128xf32, #tpu.memory_space<vmem_shared>>
      %dma_wait3A_242 = arith.constant 0 : i32
      %dma_wait3A_243 = tpu.memref_slice %arg9[%add3A_69, %dma_wait3A_242] : memref<10240x128xf32, #tpu.memory_space<vmem_shared>> -> memref<128x128xf32, #tpu.memory_space<vmem_shared>>
      tpu.wait_dma2 semaphore(%run_scoped3A_237 : memref<!tpu.dma_semaphore, #tpu.memory_space<semaphore_mem>>) src(%arg12 : memref<128x128xf32, #tpu.memory_space<vmem>>) dst(%dma_wait3A_243 : memref<128x128xf32, #tpu.memory_space<vmem_shared>>)
      tpu.yield
    }) : () -> ()
    %mul3A_70 = arith.constant 640 : i32
    %mul3A_71 = arith.muli %arg1, %mul3A_70 : i32
    %add3A_72 = arith.constant 512 : i32
    %add3A_73 = arith.addi %mul3A_71, %add3A_72 : i32
    "tpu.region"() ({
      %run_scoped3A_237 = tpu.sem_alloc : memref<!tpu.dma_semaphore, #tpu.memory_space<semaphore_mem>>
      %dma_start3A = arith.constant 0 : i32
      %dma_start3A_238 = tpu.memref_slice %arg9[%add3A_73, %dma_start3A] : memref<10240x128xf32, #tpu.memory_space<vmem_shared>> -> memref<128x128xf32, #tpu.memory_space<vmem_shared>>
      %dma_start3A_239 = arith.constant 0 : i32
      %dma_start3A_240 = tpu.memref_slice %arg9[%add3A_73, %dma_start3A_239] : memref<10240x128xf32, #tpu.memory_space<vmem_shared>> -> memref<128x128xf32, #tpu.memory_space<vmem_shared>>
      tpu.enqueue_dma source(%arg12 : memref<128x128xf32, #tpu.memory_space<vmem>>) target(%dma_start3A_240 : memref<128x128xf32, #tpu.memory_space<vmem_shared>>) target_semaphore(%run_scoped3A_237 : memref<!tpu.dma_semaphore, #tpu.memory_space<semaphore_mem>>)
      %dma_wait3A = arith.constant 0 : i32
      %dma_wait3A_241 = tpu.memref_slice %arg9[%add3A_73, %dma_wait3A] : memref<10240x128xf32, #tpu.memory_space<vmem_shared>> -> memref<128x128xf32, #tpu.memory_space<vmem_shared>>
      %dma_wait3A_242 = arith.constant 0 : i32
      %dma_wait3A_243 = tpu.memref_slice %arg9[%add3A_73, %dma_wait3A_242] : memref<10240x128xf32, #tpu.memory_space<vmem_shared>> -> memref<128x128xf32, #tpu.memory_space<vmem_shared>>
      tpu.wait_dma2 semaphore(%run_scoped3A_237 : memref<!tpu.dma_semaphore, #tpu.memory_space<semaphore_mem>>) src(%arg12 : memref<128x128xf32, #tpu.memory_space<vmem>>) dst(%dma_wait3A_243 : memref<128x128xf32, #tpu.memory_space<vmem_shared>>)
      tpu.yield
    }) : () -> ()
    %run_scoped3A_74 = arith.constant 1 : i32
    "tpu.region"() ({
      %run_scoped3A_237 = tpu.sem_alloc : memref<!tpu.dma_semaphore, #tpu.memory_space<semaphore_mem>>
      %dma_start3A = arith.constant 0 : i32
      %dma_start3A_238 = arith.constant 0 : i32
      %dma_start3A_239 = tpu.memref_slice %arg4[%run_scoped3A_74, %add3A, %dma_start3A, %dma_start3A_238] : memref<4x32x79x128xi32, #tpu.memory_space<hbm>> -> memref<1x1x79x128xi32, #tpu.memory_space<hbm>>
      %dma_start3A_240 = tpu.memref_squeeze %dma_start3A_239 : memref<1x1x79x128xi32, #tpu.memory_space<hbm>> -> memref<79x128xi32, #tpu.memory_space<hbm>>
      %dma_start3A_241 = arith.constant 0 : i32
      %dma_start3A_242 = arith.constant 0 : i32
      %dma_start3A_243 = tpu.memref_slice %arg4[%run_scoped3A_74, %add3A, %dma_start3A_241, %dma_start3A_242] : memref<4x32x79x128xi32, #tpu.memory_space<hbm>> -> memref<1x1x79x128xi32, #tpu.memory_space<hbm>>
      %dma_start3A_244 = tpu.memref_squeeze %dma_start3A_243 : memref<1x1x79x128xi32, #tpu.memory_space<hbm>> -> memref<79x128xi32, #tpu.memory_space<hbm>>
      tpu.enqueue_dma source(%dma_start3A_244 : memref<79x128xi32, #tpu.memory_space<hbm>>) target(%arg10 : memref<79x128xi32, #tpu.memory_space<vmem>>) target_semaphore(%run_scoped3A_237 : memref<!tpu.dma_semaphore, #tpu.memory_space<semaphore_mem>>)
      %dma_wait3A = arith.constant 0 : i32
      %dma_wait3A_245 = arith.constant 0 : i32
      %dma_wait3A_246 = tpu.memref_slice %arg4[%run_scoped3A_74, %add3A, %dma_wait3A, %dma_wait3A_245] : memref<4x32x79x128xi32, #tpu.memory_space<hbm>> -> memref<1x1x79x128xi32, #tpu.memory_space<hbm>>
      %dma_wait3A_247 = tpu.memref_squeeze %dma_wait3A_246 : memref<1x1x79x128xi32, #tpu.memory_space<hbm>> -> memref<79x128xi32, #tpu.memory_space<hbm>>
      %dma_wait3A_248 = arith.constant 0 : i32
      %dma_wait3A_249 = arith.constant 0 : i32
      %dma_wait3A_250 = tpu.memref_slice %arg4[%run_scoped3A_74, %add3A, %dma_wait3A_248, %dma_wait3A_249] : memref<4x32x79x128xi32, #tpu.memory_space<hbm>> -> memref<1x1x79x128xi32, #tpu.memory_space<hbm>>
      %dma_wait3A_251 = tpu.memref_squeeze %dma_wait3A_250 : memref<1x1x79x128xi32, #tpu.memory_space<hbm>> -> memref<79x128xi32, #tpu.memory_space<hbm>>
      tpu.wait_dma2 semaphore(%run_scoped3A_237 : memref<!tpu.dma_semaphore, #tpu.memory_space<semaphore_mem>>) src(%dma_wait3A_251 : memref<79x128xi32, #tpu.memory_space<hbm>>) dst(%arg10 : memref<79x128xi32, #tpu.memory_space<vmem>>)
      tpu.yield
    }) : () -> ()
    %barrier3A_75 = arith.constant 0 : index
    tpu.barrier barrier_id(%barrier3A_75)
    %scan3A_76 = arith.constant 0 : i32
    %scan3A_77 = arith.constant 0 : i32
    %scan3A_78 = arith.constant 79 : i32
    %scan3A_79 = arith.addi %scan3A_77, %scan3A_78 : i32
    %scan3A_80 = arith.constant 1 : i32
    scf.for %scan3A_237 = %scan3A_77 to %scan3A_79 step %scan3A_80  : i32 {
      %dma_start3A = arith.constant 0 : i32
      %dma_start3A_238 = tpu.memref_slice %arg10[%scan3A_237, %dma_start3A] : memref<79x128xi32, #tpu.memory_space<vmem>> -> memref<1x128xi32, #tpu.memory_space<vmem>>
      %dma_start3A_239 = tpu.memref_squeeze %dma_start3A_238 : memref<1x128xi32, #tpu.memory_space<vmem>> -> memref<128xi32, #tpu.memory_space<vmem>>
      %dma_start3A_240 = arith.constant 0 : i32
      %dma_start3A_241 = arith.constant 0 : i32
      %dma_start3A_242 = tpu.memref_slice %arg3[%dma_start3A_240, %dma_start3A_241] : memref<30000x128xf32, #tpu.memory_space<hbm>> -> memref<30000x128xf32, #tpu.memory_space<hbm>>
      tpu.enqueue_indirect_dma source(%dma_start3A_242 : memref<30000x128xf32, #tpu.memory_space<hbm>>) target(%arg12 : memref<128x128xf32, #tpu.memory_space<vmem>>) offsets(%dma_start3A_239 : memref<128xi32, #tpu.memory_space<vmem>>) semaphore(%arg13 : memref<!tpu.dma_semaphore, #tpu.memory_space<semaphore_mem>>)
      %dma_wait3A = arith.constant 0 : i32
      %dma_wait3A_243 = tpu.memref_slice %arg10[%scan3A_237, %dma_wait3A] : memref<79x128xi32, #tpu.memory_space<vmem>> -> memref<1x128xi32, #tpu.memory_space<vmem>>
      %dma_wait3A_244 = tpu.memref_squeeze %dma_wait3A_243 : memref<1x128xi32, #tpu.memory_space<vmem>> -> memref<128xi32, #tpu.memory_space<vmem>>
      %dma_wait3A_245 = arith.constant 0 : i32
      %dma_wait3A_246 = arith.constant 0 : i32
      %dma_wait3A_247 = tpu.memref_slice %arg3[%dma_wait3A_245, %dma_wait3A_246] : memref<30000x128xf32, #tpu.memory_space<hbm>> -> memref<30000x128xf32, #tpu.memory_space<hbm>>
      tpu.wait_indirect_dma semaphore(%arg13 : memref<!tpu.dma_semaphore, #tpu.memory_space<semaphore_mem>>) src(%dma_wait3A_247 : memref<30000x128xf32, #tpu.memory_space<hbm>>) dst(%arg12 : memref<128x128xf32, #tpu.memory_space<vmem>>)
      %dma_start3A_248 = arith.constant 0 : i32
      %dma_start3A_249 = tpu.memref_slice %arg11[%scan3A_237, %dma_start3A_248] : memref<79x128xi32, #tpu.memory_space<vmem>> -> memref<1x128xi32, #tpu.memory_space<vmem>>
      %dma_start3A_250 = tpu.memref_squeeze %dma_start3A_249 : memref<1x128xi32, #tpu.memory_space<vmem>> -> memref<128xi32, #tpu.memory_space<vmem>>
      %dma_start3A_251 = arith.constant 0 : i32
      %dma_start3A_252 = arith.constant 0 : i32
      %dma_start3A_253 = tpu.memref_slice %arg9[%dma_start3A_251, %dma_start3A_252] : memref<10240x128xf32, #tpu.memory_space<vmem_shared>> -> memref<10240x128xf32, #tpu.memory_space<vmem_shared>>
      tpu.enqueue_indirect_dma source(%arg12 : memref<128x128xf32, #tpu.memory_space<vmem>>) target(%dma_start3A_253 : memref<10240x128xf32, #tpu.memory_space<vmem_shared>>) offsets(%dma_start3A_250 : memref<128xi32, #tpu.memory_space<vmem>>) semaphore(%arg14 : memref<!tpu.dma_semaphore, #tpu.memory_space<semaphore_mem>>) {add = true}
    }
    %scan3A_81 = arith.constant 79 : i32
    %scan3A_82 = arith.constant 0 : i32
    %scan3A_83 = arith.constant 0 : i32
    %scan3A_84 = arith.constant 79 : i32
    %scan3A_85 = arith.addi %scan3A_83, %scan3A_84 : i32
    %scan3A_86 = arith.constant 1 : i32
    scf.for %scan3A_237 = %scan3A_83 to %scan3A_85 step %scan3A_86  : i32 {
      %dma_wait3A = arith.constant 0 : i32
      %dma_wait3A_238 = arith.constant 0 : i32
      %dma_wait3A_239 = tpu.memref_slice %arg11[%dma_wait3A, %dma_wait3A_238] : memref<79x128xi32, #tpu.memory_space<vmem>> -> memref<1x128xi32, #tpu.memory_space<vmem>>
      %dma_wait3A_240 = tpu.memref_squeeze %dma_wait3A_239 : memref<1x128xi32, #tpu.memory_space<vmem>> -> memref<128xi32, #tpu.memory_space<vmem>>
      %dma_wait3A_241 = arith.constant 0 : i32
      %dma_wait3A_242 = arith.constant 0 : i32
      %dma_wait3A_243 = tpu.memref_slice %arg9[%dma_wait3A_241, %dma_wait3A_242] : memref<10240x128xf32, #tpu.memory_space<vmem_shared>> -> memref<10240x128xf32, #tpu.memory_space<vmem_shared>>
      tpu.wait_indirect_dma semaphore(%arg14 : memref<!tpu.dma_semaphore, #tpu.memory_space<semaphore_mem>>) src(%arg12 : memref<128x128xf32, #tpu.memory_space<vmem>>) dst(%dma_wait3A_243 : memref<10240x128xf32, #tpu.memory_space<vmem_shared>>)
    }
    %scan3A_87 = arith.constant 79 : i32
    %barrier3A_88 = arith.constant 0 : index
    tpu.barrier barrier_id(%barrier3A_88)
    %mul3A_89 = arith.constant 640 : i32
    %mul3A_90 = arith.muli %arg1, %mul3A_89 : i32
    %add3A_91 = arith.constant 0 : i32
    %add3A_92 = arith.addi %mul3A_90, %add3A_91 : i32
    "tpu.region"() ({
      %run_scoped3A_237 = tpu.sem_alloc : memref<!tpu.dma_semaphore, #tpu.memory_space<semaphore_mem>>
      %dma_start3A = arith.constant 0 : i32
      %dma_start3A_238 = tpu.memref_slice %arg9[%add3A_92, %dma_start3A] : memref<10240x128xf32, #tpu.memory_space<vmem_shared>> -> memref<128x128xf32, #tpu.memory_space<vmem_shared>>
      %dma_start3A_239 = arith.constant 0 : i32
      %dma_start3A_240 = tpu.memref_slice %arg9[%add3A_92, %dma_start3A_239] : memref<10240x128xf32, #tpu.memory_space<vmem_shared>> -> memref<128x128xf32, #tpu.memory_space<vmem_shared>>
      tpu.enqueue_dma source(%dma_start3A_240 : memref<128x128xf32, #tpu.memory_space<vmem_shared>>) target(%arg12 : memref<128x128xf32, #tpu.memory_space<vmem>>) target_semaphore(%run_scoped3A_237 : memref<!tpu.dma_semaphore, #tpu.memory_space<semaphore_mem>>)
      %dma_wait3A = arith.constant 0 : i32
      %dma_wait3A_241 = tpu.memref_slice %arg9[%add3A_92, %dma_wait3A] : memref<10240x128xf32, #tpu.memory_space<vmem_shared>> -> memref<128x128xf32, #tpu.memory_space<vmem_shared>>
      %dma_wait3A_242 = arith.constant 0 : i32
      %dma_wait3A_243 = tpu.memref_slice %arg9[%add3A_92, %dma_wait3A_242] : memref<10240x128xf32, #tpu.memory_space<vmem_shared>> -> memref<128x128xf32, #tpu.memory_space<vmem_shared>>
      tpu.wait_dma2 semaphore(%run_scoped3A_237 : memref<!tpu.dma_semaphore, #tpu.memory_space<semaphore_mem>>) src(%dma_wait3A_243 : memref<128x128xf32, #tpu.memory_space<vmem_shared>>) dst(%arg12 : memref<128x128xf32, #tpu.memory_space<vmem>>)
      tpu.yield
    }) : () -> ()
    %run_scoped3A_93 = arith.constant 0 : i32
    "tpu.region"() ({
      %run_scoped3A_237 = tpu.sem_alloc : memref<!tpu.dma_semaphore, #tpu.memory_space<semaphore_mem>>
      %dma_start3A = arith.constant 0 : i32
      %dma_start3A_238 = tpu.memref_slice %arg8[%arg0, %run_scoped3A_93, %add3A_92, %dma_start3A] : memref<2x3x10240x128xf32, #tpu.memory_space<hbm>> -> memref<1x1x128x128xf32, #tpu.memory_space<hbm>>
      %dma_start3A_239 = tpu.memref_squeeze %dma_start3A_238 : memref<1x1x128x128xf32, #tpu.memory_space<hbm>> -> memref<128x128xf32, #tpu.memory_space<hbm>>
      %dma_start3A_240 = arith.constant 0 : i32
      %dma_start3A_241 = tpu.memref_slice %arg8[%arg0, %run_scoped3A_93, %add3A_92, %dma_start3A_240] : memref<2x3x10240x128xf32, #tpu.memory_space<hbm>> -> memref<1x1x128x128xf32, #tpu.memory_space<hbm>>
      %dma_start3A_242 = tpu.memref_squeeze %dma_start3A_241 : memref<1x1x128x128xf32, #tpu.memory_space<hbm>> -> memref<128x128xf32, #tpu.memory_space<hbm>>
      tpu.enqueue_dma source(%arg12 : memref<128x128xf32, #tpu.memory_space<vmem>>) target(%dma_start3A_242 : memref<128x128xf32, #tpu.memory_space<hbm>>) target_semaphore(%run_scoped3A_237 : memref<!tpu.dma_semaphore, #tpu.memory_space<semaphore_mem>>)
      %dma_wait3A = arith.constant 0 : i32
      %dma_wait3A_243 = tpu.memref_slice %arg8[%arg0, %run_scoped3A_93, %add3A_92, %dma_wait3A] : memref<2x3x10240x128xf32, #tpu.memory_space<hbm>> -> memref<1x1x128x128xf32, #tpu.memory_space<hbm>>
      %dma_wait3A_244 = tpu.memref_squeeze %dma_wait3A_243 : memref<1x1x128x128xf32, #tpu.memory_space<hbm>> -> memref<128x128xf32, #tpu.memory_space<hbm>>
      %dma_wait3A_245 = arith.constant 0 : i32
      %dma_wait3A_246 = tpu.memref_slice %arg8[%arg0, %run_scoped3A_93, %add3A_92, %dma_wait3A_245] : memref<2x3x10240x128xf32, #tpu.memory_space<hbm>> -> memref<1x1x128x128xf32, #tpu.memory_space<hbm>>
      %dma_wait3A_247 = tpu.memref_squeeze %dma_wait3A_246 : memref<1x1x128x128xf32, #tpu.memory_space<hbm>> -> memref<128x128xf32, #tpu.memory_space<hbm>>
      tpu.wait_dma2 semaphore(%run_scoped3A_237 : memref<!tpu.dma_semaphore, #tpu.memory_space<semaphore_mem>>) src(%arg12 : memref<128x128xf32, #tpu.memory_space<vmem>>) dst(%dma_wait3A_247 : memref<128x128xf32, #tpu.memory_space<hbm>>)
      tpu.yield
    }) : () -> ()
    %mul3A_94 = arith.constant 640 : i32
    %mul3A_95 = arith.muli %arg1, %mul3A_94 : i32
    %add3A_96 = arith.constant 128 : i32
    %add3A_97 = arith.addi %mul3A_95, %add3A_96 : i32
    "tpu.region"() ({
      %run_scoped3A_237 = tpu.sem_alloc : memref<!tpu.dma_semaphore, #tpu.memory_space<semaphore_mem>>
      %dma_start3A = arith.constant 0 : i32
      %dma_start3A_238 = tpu.memref_slice %arg9[%add3A_97, %dma_start3A] : memref<10240x128xf32, #tpu.memory_space<vmem_shared>> -> memref<128x128xf32, #tpu.memory_space<vmem_shared>>
      %dma_start3A_239 = arith.constant 0 : i32
      %dma_start3A_240 = tpu.memref_slice %arg9[%add3A_97, %dma_start3A_239] : memref<10240x128xf32, #tpu.memory_space<vmem_shared>> -> memref<128x128xf32, #tpu.memory_space<vmem_shared>>
      tpu.enqueue_dma source(%dma_start3A_240 : memref<128x128xf32, #tpu.memory_space<vmem_shared>>) target(%arg12 : memref<128x128xf32, #tpu.memory_space<vmem>>) target_semaphore(%run_scoped3A_237 : memref<!tpu.dma_semaphore, #tpu.memory_space<semaphore_mem>>)
      %dma_wait3A = arith.constant 0 : i32
      %dma_wait3A_241 = tpu.memref_slice %arg9[%add3A_97, %dma_wait3A] : memref<10240x128xf32, #tpu.memory_space<vmem_shared>> -> memref<128x128xf32, #tpu.memory_space<vmem_shared>>
      %dma_wait3A_242 = arith.constant 0 : i32
      %dma_wait3A_243 = tpu.memref_slice %arg9[%add3A_97, %dma_wait3A_242] : memref<10240x128xf32, #tpu.memory_space<vmem_shared>> -> memref<128x128xf32, #tpu.memory_space<vmem_shared>>
      tpu.wait_dma2 semaphore(%run_scoped3A_237 : memref<!tpu.dma_semaphore, #tpu.memory_space<semaphore_mem>>) src(%dma_wait3A_243 : memref<128x128xf32, #tpu.memory_space<vmem_shared>>) dst(%arg12 : memref<128x128xf32, #tpu.memory_space<vmem>>)
      tpu.yield
    }) : () -> ()
    %run_scoped3A_98 = arith.constant 0 : i32
    "tpu.region"() ({
      %run_scoped3A_237 = tpu.sem_alloc : memref<!tpu.dma_semaphore, #tpu.memory_space<semaphore_mem>>
      %dma_start3A = arith.constant 0 : i32
      %dma_start3A_238 = tpu.memref_slice %arg8[%arg0, %run_scoped3A_98, %add3A_97, %dma_start3A] : memref<2x3x10240x128xf32, #tpu.memory_space<hbm>> -> memref<1x1x128x128xf32, #tpu.memory_space<hbm>>
      %dma_start3A_239 = tpu.memref_squeeze %dma_start3A_238 : memref<1x1x128x128xf32, #tpu.memory_space<hbm>> -> memref<128x128xf32, #tpu.memory_space<hbm>>
      %dma_start3A_240 = arith.constant 0 : i32
      %dma_start3A_241 = tpu.memref_slice %arg8[%arg0, %run_scoped3A_98, %add3A_97, %dma_start3A_240] : memref<2x3x10240x128xf32, #tpu.memory_space<hbm>> -> memref<1x1x128x128xf32, #tpu.memory_space<hbm>>
      %dma_start3A_242 = tpu.memref_squeeze %dma_start3A_241 : memref<1x1x128x128xf32, #tpu.memory_space<hbm>> -> memref<128x128xf32, #tpu.memory_space<hbm>>
      tpu.enqueue_dma source(%arg12 : memref<128x128xf32, #tpu.memory_space<vmem>>) target(%dma_start3A_242 : memref<128x128xf32, #tpu.memory_space<hbm>>) target_semaphore(%run_scoped3A_237 : memref<!tpu.dma_semaphore, #tpu.memory_space<semaphore_mem>>)
      %dma_wait3A = arith.constant 0 : i32
      %dma_wait3A_243 = tpu.memref_slice %arg8[%arg0, %run_scoped3A_98, %add3A_97, %dma_wait3A] : memref<2x3x10240x128xf32, #tpu.memory_space<hbm>> -> memref<1x1x128x128xf32, #tpu.memory_space<hbm>>
      %dma_wait3A_244 = tpu.memref_squeeze %dma_wait3A_243 : memref<1x1x128x128xf32, #tpu.memory_space<hbm>> -> memref<128x128xf32, #tpu.memory_space<hbm>>
      %dma_wait3A_245 = arith.constant 0 : i32
      %dma_wait3A_246 = tpu.memref_slice %arg8[%arg0, %run_scoped3A_98, %add3A_97, %dma_wait3A_245] : memref<2x3x10240x128xf32, #tpu.memory_space<hbm>> -> memref<1x1x128x128xf32, #tpu.memory_space<hbm>>
      %dma_wait3A_247 = tpu.memref_squeeze %dma_wait3A_246 : memref<1x1x128x128xf32, #tpu.memory_space<hbm>> -> memref<128x128xf32, #tpu.memory_space<hbm>>
      tpu.wait_dma2 semaphore(%run_scoped3A_237 : memref<!tpu.dma_semaphore, #tpu.memory_space<semaphore_mem>>) src(%arg12 : memref<128x128xf32, #tpu.memory_space<vmem>>) dst(%dma_wait3A_247 : memref<128x128xf32, #tpu.memory_space<hbm>>)
      tpu.yield
    }) : () -> ()
    %mul3A_99 = arith.constant 640 : i32
    %mul3A_100 = arith.muli %arg1, %mul3A_99 : i32
    %add3A_101 = arith.constant 256 : i32
    %add3A_102 = arith.addi %mul3A_100, %add3A_101 : i32
    "tpu.region"() ({
      %run_scoped3A_237 = tpu.sem_alloc : memref<!tpu.dma_semaphore, #tpu.memory_space<semaphore_mem>>
      %dma_start3A = arith.constant 0 : i32
      %dma_start3A_238 = tpu.memref_slice %arg9[%add3A_102, %dma_start3A] : memref<10240x128xf32, #tpu.memory_space<vmem_shared>> -> memref<128x128xf32, #tpu.memory_space<vmem_shared>>
      %dma_start3A_239 = arith.constant 0 : i32
      %dma_start3A_240 = tpu.memref_slice %arg9[%add3A_102, %dma_start3A_239] : memref<10240x128xf32, #tpu.memory_space<vmem_shared>> -> memref<128x128xf32, #tpu.memory_space<vmem_shared>>
      tpu.enqueue_dma source(%dma_start3A_240 : memref<128x128xf32, #tpu.memory_space<vmem_shared>>) target(%arg12 : memref<128x128xf32, #tpu.memory_space<vmem>>) target_semaphore(%run_scoped3A_237 : memref<!tpu.dma_semaphore, #tpu.memory_space<semaphore_mem>>)
      %dma_wait3A = arith.constant 0 : i32
      %dma_wait3A_241 = tpu.memref_slice %arg9[%add3A_102, %dma_wait3A] : memref<10240x128xf32, #tpu.memory_space<vmem_shared>> -> memref<128x128xf32, #tpu.memory_space<vmem_shared>>
      %dma_wait3A_242 = arith.constant 0 : i32
      %dma_wait3A_243 = tpu.memref_slice %arg9[%add3A_102, %dma_wait3A_242] : memref<10240x128xf32, #tpu.memory_space<vmem_shared>> -> memref<128x128xf32, #tpu.memory_space<vmem_shared>>
      tpu.wait_dma2 semaphore(%run_scoped3A_237 : memref<!tpu.dma_semaphore, #tpu.memory_space<semaphore_mem>>) src(%dma_wait3A_243 : memref<128x128xf32, #tpu.memory_space<vmem_shared>>) dst(%arg12 : memref<128x128xf32, #tpu.memory_space<vmem>>)
      tpu.yield
    }) : () -> ()
    %run_scoped3A_103 = arith.constant 0 : i32
    "tpu.region"() ({
      %run_scoped3A_237 = tpu.sem_alloc : memref<!tpu.dma_semaphore, #tpu.memory_space<semaphore_mem>>
      %dma_start3A = arith.constant 0 : i32
      %dma_start3A_238 = tpu.memref_slice %arg8[%arg0, %run_scoped3A_103, %add3A_102, %dma_start3A] : memref<2x3x10240x128xf32, #tpu.memory_space<hbm>> -> memref<1x1x128x128xf32, #tpu.memory_space<hbm>>
      %dma_start3A_239 = tpu.memref_squeeze %dma_start3A_238 : memref<1x1x128x128xf32, #tpu.memory_space<hbm>> -> memref<128x128xf32, #tpu.memory_space<hbm>>
      %dma_start3A_240 = arith.constant 0 : i32
      %dma_start3A_241 = tpu.memref_slice %arg8[%arg0, %run_scoped3A_103, %add3A_102, %dma_start3A_240] : memref<2x3x10240x128xf32, #tpu.memory_space<hbm>> -> memref<1x1x128x128xf32, #tpu.memory_space<hbm>>
      %dma_start3A_242 = tpu.memref_squeeze %dma_start3A_241 : memref<1x1x128x128xf32, #tpu.memory_space<hbm>> -> memref<128x128xf32, #tpu.memory_space<hbm>>
      tpu.enqueue_dma source(%arg12 : memref<128x128xf32, #tpu.memory_space<vmem>>) target(%dma_start3A_242 : memref<128x128xf32, #tpu.memory_space<hbm>>) target_semaphore(%run_scoped3A_237 : memref<!tpu.dma_semaphore, #tpu.memory_space<semaphore_mem>>)
      %dma_wait3A = arith.constant 0 : i32
      %dma_wait3A_243 = tpu.memref_slice %arg8[%arg0, %run_scoped3A_103, %add3A_102, %dma_wait3A] : memref<2x3x10240x128xf32, #tpu.memory_space<hbm>> -> memref<1x1x128x128xf32, #tpu.memory_space<hbm>>
      %dma_wait3A_244 = tpu.memref_squeeze %dma_wait3A_243 : memref<1x1x128x128xf32, #tpu.memory_space<hbm>> -> memref<128x128xf32, #tpu.memory_space<hbm>>
      %dma_wait3A_245 = arith.constant 0 : i32
      %dma_wait3A_246 = tpu.memref_slice %arg8[%arg0, %run_scoped3A_103, %add3A_102, %dma_wait3A_245] : memref<2x3x10240x128xf32, #tpu.memory_space<hbm>> -> memref<1x1x128x128xf32, #tpu.memory_space<hbm>>
      %dma_wait3A_247 = tpu.memref_squeeze %dma_wait3A_246 : memref<1x1x128x128xf32, #tpu.memory_space<hbm>> -> memref<128x128xf32, #tpu.memory_space<hbm>>
      tpu.wait_dma2 semaphore(%run_scoped3A_237 : memref<!tpu.dma_semaphore, #tpu.memory_space<semaphore_mem>>) src(%arg12 : memref<128x128xf32, #tpu.memory_space<vmem>>) dst(%dma_wait3A_247 : memref<128x128xf32, #tpu.memory_space<hbm>>)
      tpu.yield
    }) : () -> ()
    %mul3A_104 = arith.constant 640 : i32
    %mul3A_105 = arith.muli %arg1, %mul3A_104 : i32
    %add3A_106 = arith.constant 384 : i32
    %add3A_107 = arith.addi %mul3A_105, %add3A_106 : i32
    "tpu.region"() ({
      %run_scoped3A_237 = tpu.sem_alloc : memref<!tpu.dma_semaphore, #tpu.memory_space<semaphore_mem>>
      %dma_start3A = arith.constant 0 : i32
      %dma_start3A_238 = tpu.memref_slice %arg9[%add3A_107, %dma_start3A] : memref<10240x128xf32, #tpu.memory_space<vmem_shared>> -> memref<128x128xf32, #tpu.memory_space<vmem_shared>>
      %dma_start3A_239 = arith.constant 0 : i32
      %dma_start3A_240 = tpu.memref_slice %arg9[%add3A_107, %dma_start3A_239] : memref<10240x128xf32, #tpu.memory_space<vmem_shared>> -> memref<128x128xf32, #tpu.memory_space<vmem_shared>>
      tpu.enqueue_dma source(%dma_start3A_240 : memref<128x128xf32, #tpu.memory_space<vmem_shared>>) target(%arg12 : memref<128x128xf32, #tpu.memory_space<vmem>>) target_semaphore(%run_scoped3A_237 : memref<!tpu.dma_semaphore, #tpu.memory_space<semaphore_mem>>)
      %dma_wait3A = arith.constant 0 : i32
      %dma_wait3A_241 = tpu.memref_slice %arg9[%add3A_107, %dma_wait3A] : memref<10240x128xf32, #tpu.memory_space<vmem_shared>> -> memref<128x128xf32, #tpu.memory_space<vmem_shared>>
      %dma_wait3A_242 = arith.constant 0 : i32
      %dma_wait3A_243 = tpu.memref_slice %arg9[%add3A_107, %dma_wait3A_242] : memref<10240x128xf32, #tpu.memory_space<vmem_shared>> -> memref<128x128xf32, #tpu.memory_space<vmem_shared>>
      tpu.wait_dma2 semaphore(%run_scoped3A_237 : memref<!tpu.dma_semaphore, #tpu.memory_space<semaphore_mem>>) src(%dma_wait3A_243 : memref<128x128xf32, #tpu.memory_space<vmem_shared>>) dst(%arg12 : memref<128x128xf32, #tpu.memory_space<vmem>>)
      tpu.yield
    }) : () -> ()
    %run_scoped3A_108 = arith.constant 0 : i32
    "tpu.region"() ({
      %run_scoped3A_237 = tpu.sem_alloc : memref<!tpu.dma_semaphore, #tpu.memory_space<semaphore_mem>>
      %dma_start3A = arith.constant 0 : i32
      %dma_start3A_238 = tpu.memref_slice %arg8[%arg0, %run_scoped3A_108, %add3A_107, %dma_start3A] : memref<2x3x10240x128xf32, #tpu.memory_space<hbm>> -> memref<1x1x128x128xf32, #tpu.memory_space<hbm>>
      %dma_start3A_239 = tpu.memref_squeeze %dma_start3A_238 : memref<1x1x128x128xf32, #tpu.memory_space<hbm>> -> memref<128x128xf32, #tpu.memory_space<hbm>>
      %dma_start3A_240 = arith.constant 0 : i32
      %dma_start3A_241 = tpu.memref_slice %arg8[%arg0, %run_scoped3A_108, %add3A_107, %dma_start3A_240] : memref<2x3x10240x128xf32, #tpu.memory_space<hbm>> -> memref<1x1x128x128xf32, #tpu.memory_space<hbm>>
      %dma_start3A_242 = tpu.memref_squeeze %dma_start3A_241 : memref<1x1x128x128xf32, #tpu.memory_space<hbm>> -> memref<128x128xf32, #tpu.memory_space<hbm>>
      tpu.enqueue_dma source(%arg12 : memref<128x128xf32, #tpu.memory_space<vmem>>) target(%dma_start3A_242 : memref<128x128xf32, #tpu.memory_space<hbm>>) target_semaphore(%run_scoped3A_237 : memref<!tpu.dma_semaphore, #tpu.memory_space<semaphore_mem>>)
      %dma_wait3A = arith.constant 0 : i32
      %dma_wait3A_243 = tpu.memref_slice %arg8[%arg0, %run_scoped3A_108, %add3A_107, %dma_wait3A] : memref<2x3x10240x128xf32, #tpu.memory_space<hbm>> -> memref<1x1x128x128xf32, #tpu.memory_space<hbm>>
      %dma_wait3A_244 = tpu.memref_squeeze %dma_wait3A_243 : memref<1x1x128x128xf32, #tpu.memory_space<hbm>> -> memref<128x128xf32, #tpu.memory_space<hbm>>
      %dma_wait3A_245 = arith.constant 0 : i32
      %dma_wait3A_246 = tpu.memref_slice %arg8[%arg0, %run_scoped3A_108, %add3A_107, %dma_wait3A_245] : memref<2x3x10240x128xf32, #tpu.memory_space<hbm>> -> memref<1x1x128x128xf32, #tpu.memory_space<hbm>>
      %dma_wait3A_247 = tpu.memref_squeeze %dma_wait3A_246 : memref<1x1x128x128xf32, #tpu.memory_space<hbm>> -> memref<128x128xf32, #tpu.memory_space<hbm>>
      tpu.wait_dma2 semaphore(%run_scoped3A_237 : memref<!tpu.dma_semaphore, #tpu.memory_space<semaphore_mem>>) src(%arg12 : memref<128x128xf32, #tpu.memory_space<vmem>>) dst(%dma_wait3A_247 : memref<128x128xf32, #tpu.memory_space<hbm>>)
      tpu.yield
    }) : () -> ()
    %mul3A_109 = arith.constant 640 : i32
    %mul3A_110 = arith.muli %arg1, %mul3A_109 : i32
    %add3A_111 = arith.constant 512 : i32
    %add3A_112 = arith.addi %mul3A_110, %add3A_111 : i32
    "tpu.region"() ({
      %run_scoped3A_237 = tpu.sem_alloc : memref<!tpu.dma_semaphore, #tpu.memory_space<semaphore_mem>>
      %dma_start3A = arith.constant 0 : i32
      %dma_start3A_238 = tpu.memref_slice %arg9[%add3A_112, %dma_start3A] : memref<10240x128xf32, #tpu.memory_space<vmem_shared>> -> memref<128x128xf32, #tpu.memory_space<vmem_shared>>
      %dma_start3A_239 = arith.constant 0 : i32
      %dma_start3A_240 = tpu.memref_slice %arg9[%add3A_112, %dma_start3A_239] : memref<10240x128xf32, #tpu.memory_space<vmem_shared>> -> memref<128x128xf32, #tpu.memory_space<vmem_shared>>
      tpu.enqueue_dma source(%dma_start3A_240 : memref<128x128xf32, #tpu.memory_space<vmem_shared>>) target(%arg12 : memref<128x128xf32, #tpu.memory_space<vmem>>) target_semaphore(%run_scoped3A_237 : memref<!tpu.dma_semaphore, #tpu.memory_space<semaphore_mem>>)
      %dma_wait3A = arith.constant 0 : i32
      %dma_wait3A_241 = tpu.memref_slice %arg9[%add3A_112, %dma_wait3A] : memref<10240x128xf32, #tpu.memory_space<vmem_shared>> -> memref<128x128xf32, #tpu.memory_space<vmem_shared>>
      %dma_wait3A_242 = arith.constant 0 : i32
      %dma_wait3A_243 = tpu.memref_slice %arg9[%add3A_112, %dma_wait3A_242] : memref<10240x128xf32, #tpu.memory_space<vmem_shared>> -> memref<128x128xf32, #tpu.memory_space<vmem_shared>>
      tpu.wait_dma2 semaphore(%run_scoped3A_237 : memref<!tpu.dma_semaphore, #tpu.memory_space<semaphore_mem>>) src(%dma_wait3A_243 : memref<128x128xf32, #tpu.memory_space<vmem_shared>>) dst(%arg12 : memref<128x128xf32, #tpu.memory_space<vmem>>)
      tpu.yield
    }) : () -> ()
    %run_scoped3A_113 = arith.constant 0 : i32
    "tpu.region"() ({
      %run_scoped3A_237 = tpu.sem_alloc : memref<!tpu.dma_semaphore, #tpu.memory_space<semaphore_mem>>
      %dma_start3A = arith.constant 0 : i32
      %dma_start3A_238 = tpu.memref_slice %arg8[%arg0, %run_scoped3A_113, %add3A_112, %dma_start3A] : memref<2x3x10240x128xf32, #tpu.memory_space<hbm>> -> memref<1x1x128x128xf32, #tpu.memory_space<hbm>>
      %dma_start3A_239 = tpu.memref_squeeze %dma_start3A_238 : memref<1x1x128x128xf32, #tpu.memory_space<hbm>> -> memref<128x128xf32, #tpu.memory_space<hbm>>
      %dma_start3A_240 = arith.constant 0 : i32
      %dma_start3A_241 = tpu.memref_slice %arg8[%arg0, %run_scoped3A_113, %add3A_112, %dma_start3A_240] : memref<2x3x10240x128xf32, #tpu.memory_space<hbm>> -> memref<1x1x128x128xf32, #tpu.memory_space<hbm>>
      %dma_start3A_242 = tpu.memref_squeeze %dma_start3A_241 : memref<1x1x128x128xf32, #tpu.memory_space<hbm>> -> memref<128x128xf32, #tpu.memory_space<hbm>>
      tpu.enqueue_dma source(%arg12 : memref<128x128xf32, #tpu.memory_space<vmem>>) target(%dma_start3A_242 : memref<128x128xf32, #tpu.memory_space<hbm>>) target_semaphore(%run_scoped3A_237 : memref<!tpu.dma_semaphore, #tpu.memory_space<semaphore_mem>>)
      %dma_wait3A = arith.constant 0 : i32
      %dma_wait3A_243 = tpu.memref_slice %arg8[%arg0, %run_scoped3A_113, %add3A_112, %dma_wait3A] : memref<2x3x10240x128xf32, #tpu.memory_space<hbm>> -> memref<1x1x128x128xf32, #tpu.memory_space<hbm>>
      %dma_wait3A_244 = tpu.memref_squeeze %dma_wait3A_243 : memref<1x1x128x128xf32, #tpu.memory_space<hbm>> -> memref<128x128xf32, #tpu.memory_space<hbm>>
      %dma_wait3A_245 = arith.constant 0 : i32
      %dma_wait3A_246 = tpu.memref_slice %arg8[%arg0, %run_scoped3A_113, %add3A_112, %dma_wait3A_245] : memref<2x3x10240x128xf32, #tpu.memory_space<hbm>> -> memref<1x1x128x128xf32, #tpu.memory_space<hbm>>
      %dma_wait3A_247 = tpu.memref_squeeze %dma_wait3A_246 : memref<1x1x128x128xf32, #tpu.memory_space<hbm>> -> memref<128x128xf32, #tpu.memory_space<hbm>>
      tpu.wait_dma2 semaphore(%run_scoped3A_237 : memref<!tpu.dma_semaphore, #tpu.memory_space<semaphore_mem>>) src(%arg12 : memref<128x128xf32, #tpu.memory_space<vmem>>) dst(%dma_wait3A_247 : memref<128x128xf32, #tpu.memory_space<hbm>>)
      tpu.yield
    }) : () -> ()
    %barrier3A_114 = arith.constant 0 : index
    tpu.barrier barrier_id(%barrier3A_114)
    "tpu.region"() ({
      %run_scoped3A_237 = tpu.sem_alloc : memref<!tpu.dma_semaphore, #tpu.memory_space<semaphore_mem>>
      tpu.enqueue_dma source(%arg6 : memref<128x128xf32, #tpu.memory_space<hbm>>) target(%arg12 : memref<128x128xf32, #tpu.memory_space<vmem>>) target_semaphore(%run_scoped3A_237 : memref<!tpu.dma_semaphore, #tpu.memory_space<semaphore_mem>>)
      tpu.wait_dma2 semaphore(%run_scoped3A_237 : memref<!tpu.dma_semaphore, #tpu.memory_space<semaphore_mem>>) src(%arg6 : memref<128x128xf32, #tpu.memory_space<hbm>>) dst(%arg12 : memref<128x128xf32, #tpu.memory_space<vmem>>)
      tpu.yield
    }) : () -> ()
    %mul3A_115 = arith.constant 640 : i32
    %mul3A_116 = arith.muli %arg1, %mul3A_115 : i32
    %add3A_117 = arith.constant 0 : i32
    %add3A_118 = arith.addi %mul3A_116, %add3A_117 : i32
    "tpu.region"() ({
      %run_scoped3A_237 = tpu.sem_alloc : memref<!tpu.dma_semaphore, #tpu.memory_space<semaphore_mem>>
      %dma_start3A = arith.constant 0 : i32
      %dma_start3A_238 = tpu.memref_slice %arg9[%add3A_118, %dma_start3A] : memref<10240x128xf32, #tpu.memory_space<vmem_shared>> -> memref<128x128xf32, #tpu.memory_space<vmem_shared>>
      %dma_start3A_239 = arith.constant 0 : i32
      %dma_start3A_240 = tpu.memref_slice %arg9[%add3A_118, %dma_start3A_239] : memref<10240x128xf32, #tpu.memory_space<vmem_shared>> -> memref<128x128xf32, #tpu.memory_space<vmem_shared>>
      tpu.enqueue_dma source(%arg12 : memref<128x128xf32, #tpu.memory_space<vmem>>) target(%dma_start3A_240 : memref<128x128xf32, #tpu.memory_space<vmem_shared>>) target_semaphore(%run_scoped3A_237 : memref<!tpu.dma_semaphore, #tpu.memory_space<semaphore_mem>>)
      %dma_wait3A = arith.constant 0 : i32
      %dma_wait3A_241 = tpu.memref_slice %arg9[%add3A_118, %dma_wait3A] : memref<10240x128xf32, #tpu.memory_space<vmem_shared>> -> memref<128x128xf32, #tpu.memory_space<vmem_shared>>
      %dma_wait3A_242 = arith.constant 0 : i32
      %dma_wait3A_243 = tpu.memref_slice %arg9[%add3A_118, %dma_wait3A_242] : memref<10240x128xf32, #tpu.memory_space<vmem_shared>> -> memref<128x128xf32, #tpu.memory_space<vmem_shared>>
      tpu.wait_dma2 semaphore(%run_scoped3A_237 : memref<!tpu.dma_semaphore, #tpu.memory_space<semaphore_mem>>) src(%arg12 : memref<128x128xf32, #tpu.memory_space<vmem>>) dst(%dma_wait3A_243 : memref<128x128xf32, #tpu.memory_space<vmem_shared>>)
      tpu.yield
    }) : () -> ()
    %mul3A_119 = arith.constant 640 : i32
    %mul3A_120 = arith.muli %arg1, %mul3A_119 : i32
    %add3A_121 = arith.constant 128 : i32
    %add3A_122 = arith.addi %mul3A_120, %add3A_121 : i32
    "tpu.region"() ({
      %run_scoped3A_237 = tpu.sem_alloc : memref<!tpu.dma_semaphore, #tpu.memory_space<semaphore_mem>>
      %dma_start3A = arith.constant 0 : i32
      %dma_start3A_238 = tpu.memref_slice %arg9[%add3A_122, %dma_start3A] : memref<10240x128xf32, #tpu.memory_space<vmem_shared>> -> memref<128x128xf32, #tpu.memory_space<vmem_shared>>
      %dma_start3A_239 = arith.constant 0 : i32
      %dma_start3A_240 = tpu.memref_slice %arg9[%add3A_122, %dma_start3A_239] : memref<10240x128xf32, #tpu.memory_space<vmem_shared>> -> memref<128x128xf32, #tpu.memory_space<vmem_shared>>
      tpu.enqueue_dma source(%arg12 : memref<128x128xf32, #tpu.memory_space<vmem>>) target(%dma_start3A_240 : memref<128x128xf32, #tpu.memory_space<vmem_shared>>) target_semaphore(%run_scoped3A_237 : memref<!tpu.dma_semaphore, #tpu.memory_space<semaphore_mem>>)
      %dma_wait3A = arith.constant 0 : i32
      %dma_wait3A_241 = tpu.memref_slice %arg9[%add3A_122, %dma_wait3A] : memref<10240x128xf32, #tpu.memory_space<vmem_shared>> -> memref<128x128xf32, #tpu.memory_space<vmem_shared>>
      %dma_wait3A_242 = arith.constant 0 : i32
      %dma_wait3A_243 = tpu.memref_slice %arg9[%add3A_122, %dma_wait3A_242] : memref<10240x128xf32, #tpu.memory_space<vmem_shared>> -> memref<128x128xf32, #tpu.memory_space<vmem_shared>>
      tpu.wait_dma2 semaphore(%run_scoped3A_237 : memref<!tpu.dma_semaphore, #tpu.memory_space<semaphore_mem>>) src(%arg12 : memref<128x128xf32, #tpu.memory_space<vmem>>) dst(%dma_wait3A_243 : memref<128x128xf32, #tpu.memory_space<vmem_shared>>)
      tpu.yield
    }) : () -> ()
    %mul3A_123 = arith.constant 640 : i32
    %mul3A_124 = arith.muli %arg1, %mul3A_123 : i32
    %add3A_125 = arith.constant 256 : i32
    %add3A_126 = arith.addi %mul3A_124, %add3A_125 : i32
    "tpu.region"() ({
      %run_scoped3A_237 = tpu.sem_alloc : memref<!tpu.dma_semaphore, #tpu.memory_space<semaphore_mem>>
      %dma_start3A = arith.constant 0 : i32
      %dma_start3A_238 = tpu.memref_slice %arg9[%add3A_126, %dma_start3A] : memref<10240x128xf32, #tpu.memory_space<vmem_shared>> -> memref<128x128xf32, #tpu.memory_space<vmem_shared>>
      %dma_start3A_239 = arith.constant 0 : i32
      %dma_start3A_240 = tpu.memref_slice %arg9[%add3A_126, %dma_start3A_239] : memref<10240x128xf32, #tpu.memory_space<vmem_shared>> -> memref<128x128xf32, #tpu.memory_space<vmem_shared>>
      tpu.enqueue_dma source(%arg12 : memref<128x128xf32, #tpu.memory_space<vmem>>) target(%dma_start3A_240 : memref<128x128xf32, #tpu.memory_space<vmem_shared>>) target_semaphore(%run_scoped3A_237 : memref<!tpu.dma_semaphore, #tpu.memory_space<semaphore_mem>>)
      %dma_wait3A = arith.constant 0 : i32
      %dma_wait3A_241 = tpu.memref_slice %arg9[%add3A_126, %dma_wait3A] : memref<10240x128xf32, #tpu.memory_space<vmem_shared>> -> memref<128x128xf32, #tpu.memory_space<vmem_shared>>
      %dma_wait3A_242 = arith.constant 0 : i32
      %dma_wait3A_243 = tpu.memref_slice %arg9[%add3A_126, %dma_wait3A_242] : memref<10240x128xf32, #tpu.memory_space<vmem_shared>> -> memref<128x128xf32, #tpu.memory_space<vmem_shared>>
      tpu.wait_dma2 semaphore(%run_scoped3A_237 : memref<!tpu.dma_semaphore, #tpu.memory_space<semaphore_mem>>) src(%arg12 : memref<128x128xf32, #tpu.memory_space<vmem>>) dst(%dma_wait3A_243 : memref<128x128xf32, #tpu.memory_space<vmem_shared>>)
      tpu.yield
    }) : () -> ()
    %mul3A_127 = arith.constant 640 : i32
    %mul3A_128 = arith.muli %arg1, %mul3A_127 : i32
    %add3A_129 = arith.constant 384 : i32
    %add3A_130 = arith.addi %mul3A_128, %add3A_129 : i32
    "tpu.region"() ({
      %run_scoped3A_237 = tpu.sem_alloc : memref<!tpu.dma_semaphore, #tpu.memory_space<semaphore_mem>>
      %dma_start3A = arith.constant 0 : i32
      %dma_start3A_238 = tpu.memref_slice %arg9[%add3A_130, %dma_start3A] : memref<10240x128xf32, #tpu.memory_space<vmem_shared>> -> memref<128x128xf32, #tpu.memory_space<vmem_shared>>
      %dma_start3A_239 = arith.constant 0 : i32
      %dma_start3A_240 = tpu.memref_slice %arg9[%add3A_130, %dma_start3A_239] : memref<10240x128xf32, #tpu.memory_space<vmem_shared>> -> memref<128x128xf32, #tpu.memory_space<vmem_shared>>
      tpu.enqueue_dma source(%arg12 : memref<128x128xf32, #tpu.memory_space<vmem>>) target(%dma_start3A_240 : memref<128x128xf32, #tpu.memory_space<vmem_shared>>) target_semaphore(%run_scoped3A_237 : memref<!tpu.dma_semaphore, #tpu.memory_space<semaphore_mem>>)
      %dma_wait3A = arith.constant 0 : i32
      %dma_wait3A_241 = tpu.memref_slice %arg9[%add3A_130, %dma_wait3A] : memref<10240x128xf32, #tpu.memory_space<vmem_shared>> -> memref<128x128xf32, #tpu.memory_space<vmem_shared>>
      %dma_wait3A_242 = arith.constant 0 : i32
      %dma_wait3A_243 = tpu.memref_slice %arg9[%add3A_130, %dma_wait3A_242] : memref<10240x128xf32, #tpu.memory_space<vmem_shared>> -> memref<128x128xf32, #tpu.memory_space<vmem_shared>>
      tpu.wait_dma2 semaphore(%run_scoped3A_237 : memref<!tpu.dma_semaphore, #tpu.memory_space<semaphore_mem>>) src(%arg12 : memref<128x128xf32, #tpu.memory_space<vmem>>) dst(%dma_wait3A_243 : memref<128x128xf32, #tpu.memory_space<vmem_shared>>)
      tpu.yield
    }) : () -> ()
    %mul3A_131 = arith.constant 640 : i32
    %mul3A_132 = arith.muli %arg1, %mul3A_131 : i32
    %add3A_133 = arith.constant 512 : i32
    %add3A_134 = arith.addi %mul3A_132, %add3A_133 : i32
    "tpu.region"() ({
      %run_scoped3A_237 = tpu.sem_alloc : memref<!tpu.dma_semaphore, #tpu.memory_space<semaphore_mem>>
      %dma_start3A = arith.constant 0 : i32
      %dma_start3A_238 = tpu.memref_slice %arg9[%add3A_134, %dma_start3A] : memref<10240x128xf32, #tpu.memory_space<vmem_shared>> -> memref<128x128xf32, #tpu.memory_space<vmem_shared>>
      %dma_start3A_239 = arith.constant 0 : i32
      %dma_start3A_240 = tpu.memref_slice %arg9[%add3A_134, %dma_start3A_239] : memref<10240x128xf32, #tpu.memory_space<vmem_shared>> -> memref<128x128xf32, #tpu.memory_space<vmem_shared>>
      tpu.enqueue_dma source(%arg12 : memref<128x128xf32, #tpu.memory_space<vmem>>) target(%dma_start3A_240 : memref<128x128xf32, #tpu.memory_space<vmem_shared>>) target_semaphore(%run_scoped3A_237 : memref<!tpu.dma_semaphore, #tpu.memory_space<semaphore_mem>>)
      %dma_wait3A = arith.constant 0 : i32
      %dma_wait3A_241 = tpu.memref_slice %arg9[%add3A_134, %dma_wait3A] : memref<10240x128xf32, #tpu.memory_space<vmem_shared>> -> memref<128x128xf32, #tpu.memory_space<vmem_shared>>
      %dma_wait3A_242 = arith.constant 0 : i32
      %dma_wait3A_243 = tpu.memref_slice %arg9[%add3A_134, %dma_wait3A_242] : memref<10240x128xf32, #tpu.memory_space<vmem_shared>> -> memref<128x128xf32, #tpu.memory_space<vmem_shared>>
      tpu.wait_dma2 semaphore(%run_scoped3A_237 : memref<!tpu.dma_semaphore, #tpu.memory_space<semaphore_mem>>) src(%arg12 : memref<128x128xf32, #tpu.memory_space<vmem>>) dst(%dma_wait3A_243 : memref<128x128xf32, #tpu.memory_space<vmem_shared>>)
      tpu.yield
    }) : () -> ()
    %run_scoped3A_135 = arith.constant 2 : i32
    "tpu.region"() ({
      %run_scoped3A_237 = tpu.sem_alloc : memref<!tpu.dma_semaphore, #tpu.memory_space<semaphore_mem>>
      %dma_start3A = arith.constant 0 : i32
      %dma_start3A_238 = arith.constant 0 : i32
      %dma_start3A_239 = tpu.memref_slice %arg4[%run_scoped3A_135, %add3A, %dma_start3A, %dma_start3A_238] : memref<4x32x79x128xi32, #tpu.memory_space<hbm>> -> memref<1x1x79x128xi32, #tpu.memory_space<hbm>>
      %dma_start3A_240 = tpu.memref_squeeze %dma_start3A_239 : memref<1x1x79x128xi32, #tpu.memory_space<hbm>> -> memref<79x128xi32, #tpu.memory_space<hbm>>
      %dma_start3A_241 = arith.constant 0 : i32
      %dma_start3A_242 = arith.constant 0 : i32
      %dma_start3A_243 = tpu.memref_slice %arg4[%run_scoped3A_135, %add3A, %dma_start3A_241, %dma_start3A_242] : memref<4x32x79x128xi32, #tpu.memory_space<hbm>> -> memref<1x1x79x128xi32, #tpu.memory_space<hbm>>
      %dma_start3A_244 = tpu.memref_squeeze %dma_start3A_243 : memref<1x1x79x128xi32, #tpu.memory_space<hbm>> -> memref<79x128xi32, #tpu.memory_space<hbm>>
      tpu.enqueue_dma source(%dma_start3A_244 : memref<79x128xi32, #tpu.memory_space<hbm>>) target(%arg10 : memref<79x128xi32, #tpu.memory_space<vmem>>) target_semaphore(%run_scoped3A_237 : memref<!tpu.dma_semaphore, #tpu.memory_space<semaphore_mem>>)
      %dma_wait3A = arith.constant 0 : i32
      %dma_wait3A_245 = arith.constant 0 : i32
      %dma_wait3A_246 = tpu.memref_slice %arg4[%run_scoped3A_135, %add3A, %dma_wait3A, %dma_wait3A_245] : memref<4x32x79x128xi32, #tpu.memory_space<hbm>> -> memref<1x1x79x128xi32, #tpu.memory_space<hbm>>
      %dma_wait3A_247 = tpu.memref_squeeze %dma_wait3A_246 : memref<1x1x79x128xi32, #tpu.memory_space<hbm>> -> memref<79x128xi32, #tpu.memory_space<hbm>>
      %dma_wait3A_248 = arith.constant 0 : i32
      %dma_wait3A_249 = arith.constant 0 : i32
      %dma_wait3A_250 = tpu.memref_slice %arg4[%run_scoped3A_135, %add3A, %dma_wait3A_248, %dma_wait3A_249] : memref<4x32x79x128xi32, #tpu.memory_space<hbm>> -> memref<1x1x79x128xi32, #tpu.memory_space<hbm>>
      %dma_wait3A_251 = tpu.memref_squeeze %dma_wait3A_250 : memref<1x1x79x128xi32, #tpu.memory_space<hbm>> -> memref<79x128xi32, #tpu.memory_space<hbm>>
      tpu.wait_dma2 semaphore(%run_scoped3A_237 : memref<!tpu.dma_semaphore, #tpu.memory_space<semaphore_mem>>) src(%dma_wait3A_251 : memref<79x128xi32, #tpu.memory_space<hbm>>) dst(%arg10 : memref<79x128xi32, #tpu.memory_space<vmem>>)
      tpu.yield
    }) : () -> ()
    %barrier3A_136 = arith.constant 0 : index
    tpu.barrier barrier_id(%barrier3A_136)
    %scan3A_137 = arith.constant 0 : i32
    %scan3A_138 = arith.constant 0 : i32
    %scan3A_139 = arith.constant 79 : i32
    %scan3A_140 = arith.addi %scan3A_138, %scan3A_139 : i32
    %scan3A_141 = arith.constant 1 : i32
    scf.for %scan3A_237 = %scan3A_138 to %scan3A_140 step %scan3A_141  : i32 {
      %dma_start3A = arith.constant 0 : i32
      %dma_start3A_238 = tpu.memref_slice %arg10[%scan3A_237, %dma_start3A] : memref<79x128xi32, #tpu.memory_space<vmem>> -> memref<1x128xi32, #tpu.memory_space<vmem>>
      %dma_start3A_239 = tpu.memref_squeeze %dma_start3A_238 : memref<1x128xi32, #tpu.memory_space<vmem>> -> memref<128xi32, #tpu.memory_space<vmem>>
      %dma_start3A_240 = arith.constant 0 : i32
      %dma_start3A_241 = arith.constant 0 : i32
      %dma_start3A_242 = tpu.memref_slice %arg3[%dma_start3A_240, %dma_start3A_241] : memref<30000x128xf32, #tpu.memory_space<hbm>> -> memref<30000x128xf32, #tpu.memory_space<hbm>>
      tpu.enqueue_indirect_dma source(%dma_start3A_242 : memref<30000x128xf32, #tpu.memory_space<hbm>>) target(%arg12 : memref<128x128xf32, #tpu.memory_space<vmem>>) offsets(%dma_start3A_239 : memref<128xi32, #tpu.memory_space<vmem>>) semaphore(%arg13 : memref<!tpu.dma_semaphore, #tpu.memory_space<semaphore_mem>>)
      %dma_wait3A = arith.constant 0 : i32
      %dma_wait3A_243 = tpu.memref_slice %arg10[%scan3A_237, %dma_wait3A] : memref<79x128xi32, #tpu.memory_space<vmem>> -> memref<1x128xi32, #tpu.memory_space<vmem>>
      %dma_wait3A_244 = tpu.memref_squeeze %dma_wait3A_243 : memref<1x128xi32, #tpu.memory_space<vmem>> -> memref<128xi32, #tpu.memory_space<vmem>>
      %dma_wait3A_245 = arith.constant 0 : i32
      %dma_wait3A_246 = arith.constant 0 : i32
      %dma_wait3A_247 = tpu.memref_slice %arg3[%dma_wait3A_245, %dma_wait3A_246] : memref<30000x128xf32, #tpu.memory_space<hbm>> -> memref<30000x128xf32, #tpu.memory_space<hbm>>
      tpu.wait_indirect_dma semaphore(%arg13 : memref<!tpu.dma_semaphore, #tpu.memory_space<semaphore_mem>>) src(%dma_wait3A_247 : memref<30000x128xf32, #tpu.memory_space<hbm>>) dst(%arg12 : memref<128x128xf32, #tpu.memory_space<vmem>>)
      %dma_start3A_248 = arith.constant 0 : i32
      %dma_start3A_249 = tpu.memref_slice %arg11[%scan3A_237, %dma_start3A_248] : memref<79x128xi32, #tpu.memory_space<vmem>> -> memref<1x128xi32, #tpu.memory_space<vmem>>
      %dma_start3A_250 = tpu.memref_squeeze %dma_start3A_249 : memref<1x128xi32, #tpu.memory_space<vmem>> -> memref<128xi32, #tpu.memory_space<vmem>>
      %dma_start3A_251 = arith.constant 0 : i32
      %dma_start3A_252 = arith.constant 0 : i32
      %dma_start3A_253 = tpu.memref_slice %arg9[%dma_start3A_251, %dma_start3A_252] : memref<10240x128xf32, #tpu.memory_space<vmem_shared>> -> memref<10240x128xf32, #tpu.memory_space<vmem_shared>>
      tpu.enqueue_indirect_dma source(%arg12 : memref<128x128xf32, #tpu.memory_space<vmem>>) target(%dma_start3A_253 : memref<10240x128xf32, #tpu.memory_space<vmem_shared>>) offsets(%dma_start3A_250 : memref<128xi32, #tpu.memory_space<vmem>>) semaphore(%arg14 : memref<!tpu.dma_semaphore, #tpu.memory_space<semaphore_mem>>) {add = true}
    }
    %scan3A_142 = arith.constant 79 : i32
    %scan3A_143 = arith.constant 0 : i32
    %scan3A_144 = arith.constant 0 : i32
    %scan3A_145 = arith.constant 79 : i32
    %scan3A_146 = arith.addi %scan3A_144, %scan3A_145 : i32
    %scan3A_147 = arith.constant 1 : i32
    scf.for %scan3A_237 = %scan3A_144 to %scan3A_146 step %scan3A_147  : i32 {
      %dma_wait3A = arith.constant 0 : i32
      %dma_wait3A_238 = arith.constant 0 : i32
      %dma_wait3A_239 = tpu.memref_slice %arg11[%dma_wait3A, %dma_wait3A_238] : memref<79x128xi32, #tpu.memory_space<vmem>> -> memref<1x128xi32, #tpu.memory_space<vmem>>
      %dma_wait3A_240 = tpu.memref_squeeze %dma_wait3A_239 : memref<1x128xi32, #tpu.memory_space<vmem>> -> memref<128xi32, #tpu.memory_space<vmem>>
      %dma_wait3A_241 = arith.constant 0 : i32
      %dma_wait3A_242 = arith.constant 0 : i32
      %dma_wait3A_243 = tpu.memref_slice %arg9[%dma_wait3A_241, %dma_wait3A_242] : memref<10240x128xf32, #tpu.memory_space<vmem_shared>> -> memref<10240x128xf32, #tpu.memory_space<vmem_shared>>
      tpu.wait_indirect_dma semaphore(%arg14 : memref<!tpu.dma_semaphore, #tpu.memory_space<semaphore_mem>>) src(%arg12 : memref<128x128xf32, #tpu.memory_space<vmem>>) dst(%dma_wait3A_243 : memref<10240x128xf32, #tpu.memory_space<vmem_shared>>)
    }
    %scan3A_148 = arith.constant 79 : i32
    %barrier3A_149 = arith.constant 0 : index
    tpu.barrier barrier_id(%barrier3A_149)
    %mul3A_150 = arith.constant 640 : i32
    %mul3A_151 = arith.muli %arg1, %mul3A_150 : i32
    %add3A_152 = arith.constant 0 : i32
    %add3A_153 = arith.addi %mul3A_151, %add3A_152 : i32
    "tpu.region"() ({
      %run_scoped3A_237 = tpu.sem_alloc : memref<!tpu.dma_semaphore, #tpu.memory_space<semaphore_mem>>
      %dma_start3A = arith.constant 0 : i32
      %dma_start3A_238 = tpu.memref_slice %arg9[%add3A_153, %dma_start3A] : memref<10240x128xf32, #tpu.memory_space<vmem_shared>> -> memref<128x128xf32, #tpu.memory_space<vmem_shared>>
      %dma_start3A_239 = arith.constant 0 : i32
      %dma_start3A_240 = tpu.memref_slice %arg9[%add3A_153, %dma_start3A_239] : memref<10240x128xf32, #tpu.memory_space<vmem_shared>> -> memref<128x128xf32, #tpu.memory_space<vmem_shared>>
      tpu.enqueue_dma source(%dma_start3A_240 : memref<128x128xf32, #tpu.memory_space<vmem_shared>>) target(%arg12 : memref<128x128xf32, #tpu.memory_space<vmem>>) target_semaphore(%run_scoped3A_237 : memref<!tpu.dma_semaphore, #tpu.memory_space<semaphore_mem>>)
      %dma_wait3A = arith.constant 0 : i32
      %dma_wait3A_241 = tpu.memref_slice %arg9[%add3A_153, %dma_wait3A] : memref<10240x128xf32, #tpu.memory_space<vmem_shared>> -> memref<128x128xf32, #tpu.memory_space<vmem_shared>>
      %dma_wait3A_242 = arith.constant 0 : i32
      %dma_wait3A_243 = tpu.memref_slice %arg9[%add3A_153, %dma_wait3A_242] : memref<10240x128xf32, #tpu.memory_space<vmem_shared>> -> memref<128x128xf32, #tpu.memory_space<vmem_shared>>
      tpu.wait_dma2 semaphore(%run_scoped3A_237 : memref<!tpu.dma_semaphore, #tpu.memory_space<semaphore_mem>>) src(%dma_wait3A_243 : memref<128x128xf32, #tpu.memory_space<vmem_shared>>) dst(%arg12 : memref<128x128xf32, #tpu.memory_space<vmem>>)
      tpu.yield
    }) : () -> ()
    %run_scoped3A_154 = arith.constant 1 : i32
    "tpu.region"() ({
      %run_scoped3A_237 = tpu.sem_alloc : memref<!tpu.dma_semaphore, #tpu.memory_space<semaphore_mem>>
      %dma_start3A = arith.constant 0 : i32
      %dma_start3A_238 = tpu.memref_slice %arg8[%arg0, %run_scoped3A_154, %add3A_153, %dma_start3A] : memref<2x3x10240x128xf32, #tpu.memory_space<hbm>> -> memref<1x1x128x128xf32, #tpu.memory_space<hbm>>
      %dma_start3A_239 = tpu.memref_squeeze %dma_start3A_238 : memref<1x1x128x128xf32, #tpu.memory_space<hbm>> -> memref<128x128xf32, #tpu.memory_space<hbm>>
      %dma_start3A_240 = arith.constant 0 : i32
      %dma_start3A_241 = tpu.memref_slice %arg8[%arg0, %run_scoped3A_154, %add3A_153, %dma_start3A_240] : memref<2x3x10240x128xf32, #tpu.memory_space<hbm>> -> memref<1x1x128x128xf32, #tpu.memory_space<hbm>>
      %dma_start3A_242 = tpu.memref_squeeze %dma_start3A_241 : memref<1x1x128x128xf32, #tpu.memory_space<hbm>> -> memref<128x128xf32, #tpu.memory_space<hbm>>
      tpu.enqueue_dma source(%arg12 : memref<128x128xf32, #tpu.memory_space<vmem>>) target(%dma_start3A_242 : memref<128x128xf32, #tpu.memory_space<hbm>>) target_semaphore(%run_scoped3A_237 : memref<!tpu.dma_semaphore, #tpu.memory_space<semaphore_mem>>)
      %dma_wait3A = arith.constant 0 : i32
      %dma_wait3A_243 = tpu.memref_slice %arg8[%arg0, %run_scoped3A_154, %add3A_153, %dma_wait3A] : memref<2x3x10240x128xf32, #tpu.memory_space<hbm>> -> memref<1x1x128x128xf32, #tpu.memory_space<hbm>>
      %dma_wait3A_244 = tpu.memref_squeeze %dma_wait3A_243 : memref<1x1x128x128xf32, #tpu.memory_space<hbm>> -> memref<128x128xf32, #tpu.memory_space<hbm>>
      %dma_wait3A_245 = arith.constant 0 : i32
      %dma_wait3A_246 = tpu.memref_slice %arg8[%arg0, %run_scoped3A_154, %add3A_153, %dma_wait3A_245] : memref<2x3x10240x128xf32, #tpu.memory_space<hbm>> -> memref<1x1x128x128xf32, #tpu.memory_space<hbm>>
      %dma_wait3A_247 = tpu.memref_squeeze %dma_wait3A_246 : memref<1x1x128x128xf32, #tpu.memory_space<hbm>> -> memref<128x128xf32, #tpu.memory_space<hbm>>
      tpu.wait_dma2 semaphore(%run_scoped3A_237 : memref<!tpu.dma_semaphore, #tpu.memory_space<semaphore_mem>>) src(%arg12 : memref<128x128xf32, #tpu.memory_space<vmem>>) dst(%dma_wait3A_247 : memref<128x128xf32, #tpu.memory_space<hbm>>)
      tpu.yield
    }) : () -> ()
    %mul3A_155 = arith.constant 640 : i32
    %mul3A_156 = arith.muli %arg1, %mul3A_155 : i32
    %add3A_157 = arith.constant 128 : i32
    %add3A_158 = arith.addi %mul3A_156, %add3A_157 : i32
    "tpu.region"() ({
      %run_scoped3A_237 = tpu.sem_alloc : memref<!tpu.dma_semaphore, #tpu.memory_space<semaphore_mem>>
      %dma_start3A = arith.constant 0 : i32
      %dma_start3A_238 = tpu.memref_slice %arg9[%add3A_158, %dma_start3A] : memref<10240x128xf32, #tpu.memory_space<vmem_shared>> -> memref<128x128xf32, #tpu.memory_space<vmem_shared>>
      %dma_start3A_239 = arith.constant 0 : i32
      %dma_start3A_240 = tpu.memref_slice %arg9[%add3A_158, %dma_start3A_239] : memref<10240x128xf32, #tpu.memory_space<vmem_shared>> -> memref<128x128xf32, #tpu.memory_space<vmem_shared>>
      tpu.enqueue_dma source(%dma_start3A_240 : memref<128x128xf32, #tpu.memory_space<vmem_shared>>) target(%arg12 : memref<128x128xf32, #tpu.memory_space<vmem>>) target_semaphore(%run_scoped3A_237 : memref<!tpu.dma_semaphore, #tpu.memory_space<semaphore_mem>>)
      %dma_wait3A = arith.constant 0 : i32
      %dma_wait3A_241 = tpu.memref_slice %arg9[%add3A_158, %dma_wait3A] : memref<10240x128xf32, #tpu.memory_space<vmem_shared>> -> memref<128x128xf32, #tpu.memory_space<vmem_shared>>
      %dma_wait3A_242 = arith.constant 0 : i32
      %dma_wait3A_243 = tpu.memref_slice %arg9[%add3A_158, %dma_wait3A_242] : memref<10240x128xf32, #tpu.memory_space<vmem_shared>> -> memref<128x128xf32, #tpu.memory_space<vmem_shared>>
      tpu.wait_dma2 semaphore(%run_scoped3A_237 : memref<!tpu.dma_semaphore, #tpu.memory_space<semaphore_mem>>) src(%dma_wait3A_243 : memref<128x128xf32, #tpu.memory_space<vmem_shared>>) dst(%arg12 : memref<128x128xf32, #tpu.memory_space<vmem>>)
      tpu.yield
    }) : () -> ()
    %run_scoped3A_159 = arith.constant 1 : i32
    "tpu.region"() ({
      %run_scoped3A_237 = tpu.sem_alloc : memref<!tpu.dma_semaphore, #tpu.memory_space<semaphore_mem>>
      %dma_start3A = arith.constant 0 : i32
      %dma_start3A_238 = tpu.memref_slice %arg8[%arg0, %run_scoped3A_159, %add3A_158, %dma_start3A] : memref<2x3x10240x128xf32, #tpu.memory_space<hbm>> -> memref<1x1x128x128xf32, #tpu.memory_space<hbm>>
      %dma_start3A_239 = tpu.memref_squeeze %dma_start3A_238 : memref<1x1x128x128xf32, #tpu.memory_space<hbm>> -> memref<128x128xf32, #tpu.memory_space<hbm>>
      %dma_start3A_240 = arith.constant 0 : i32
      %dma_start3A_241 = tpu.memref_slice %arg8[%arg0, %run_scoped3A_159, %add3A_158, %dma_start3A_240] : memref<2x3x10240x128xf32, #tpu.memory_space<hbm>> -> memref<1x1x128x128xf32, #tpu.memory_space<hbm>>
      %dma_start3A_242 = tpu.memref_squeeze %dma_start3A_241 : memref<1x1x128x128xf32, #tpu.memory_space<hbm>> -> memref<128x128xf32, #tpu.memory_space<hbm>>
      tpu.enqueue_dma source(%arg12 : memref<128x128xf32, #tpu.memory_space<vmem>>) target(%dma_start3A_242 : memref<128x128xf32, #tpu.memory_space<hbm>>) target_semaphore(%run_scoped3A_237 : memref<!tpu.dma_semaphore, #tpu.memory_space<semaphore_mem>>)
      %dma_wait3A = arith.constant 0 : i32
      %dma_wait3A_243 = tpu.memref_slice %arg8[%arg0, %run_scoped3A_159, %add3A_158, %dma_wait3A] : memref<2x3x10240x128xf32, #tpu.memory_space<hbm>> -> memref<1x1x128x128xf32, #tpu.memory_space<hbm>>
      %dma_wait3A_244 = tpu.memref_squeeze %dma_wait3A_243 : memref<1x1x128x128xf32, #tpu.memory_space<hbm>> -> memref<128x128xf32, #tpu.memory_space<hbm>>
      %dma_wait3A_245 = arith.constant 0 : i32
      %dma_wait3A_246 = tpu.memref_slice %arg8[%arg0, %run_scoped3A_159, %add3A_158, %dma_wait3A_245] : memref<2x3x10240x128xf32, #tpu.memory_space<hbm>> -> memref<1x1x128x128xf32, #tpu.memory_space<hbm>>
      %dma_wait3A_247 = tpu.memref_squeeze %dma_wait3A_246 : memref<1x1x128x128xf32, #tpu.memory_space<hbm>> -> memref<128x128xf32, #tpu.memory_space<hbm>>
      tpu.wait_dma2 semaphore(%run_scoped3A_237 : memref<!tpu.dma_semaphore, #tpu.memory_space<semaphore_mem>>) src(%arg12 : memref<128x128xf32, #tpu.memory_space<vmem>>) dst(%dma_wait3A_247 : memref<128x128xf32, #tpu.memory_space<hbm>>)
      tpu.yield
    }) : () -> ()
    %mul3A_160 = arith.constant 640 : i32
    %mul3A_161 = arith.muli %arg1, %mul3A_160 : i32
    %add3A_162 = arith.constant 256 : i32
    %add3A_163 = arith.addi %mul3A_161, %add3A_162 : i32
    "tpu.region"() ({
      %run_scoped3A_237 = tpu.sem_alloc : memref<!tpu.dma_semaphore, #tpu.memory_space<semaphore_mem>>
      %dma_start3A = arith.constant 0 : i32
      %dma_start3A_238 = tpu.memref_slice %arg9[%add3A_163, %dma_start3A] : memref<10240x128xf32, #tpu.memory_space<vmem_shared>> -> memref<128x128xf32, #tpu.memory_space<vmem_shared>>
      %dma_start3A_239 = arith.constant 0 : i32
      %dma_start3A_240 = tpu.memref_slice %arg9[%add3A_163, %dma_start3A_239] : memref<10240x128xf32, #tpu.memory_space<vmem_shared>> -> memref<128x128xf32, #tpu.memory_space<vmem_shared>>
      tpu.enqueue_dma source(%dma_start3A_240 : memref<128x128xf32, #tpu.memory_space<vmem_shared>>) target(%arg12 : memref<128x128xf32, #tpu.memory_space<vmem>>) target_semaphore(%run_scoped3A_237 : memref<!tpu.dma_semaphore, #tpu.memory_space<semaphore_mem>>)
      %dma_wait3A = arith.constant 0 : i32
      %dma_wait3A_241 = tpu.memref_slice %arg9[%add3A_163, %dma_wait3A] : memref<10240x128xf32, #tpu.memory_space<vmem_shared>> -> memref<128x128xf32, #tpu.memory_space<vmem_shared>>
      %dma_wait3A_242 = arith.constant 0 : i32
      %dma_wait3A_243 = tpu.memref_slice %arg9[%add3A_163, %dma_wait3A_242] : memref<10240x128xf32, #tpu.memory_space<vmem_shared>> -> memref<128x128xf32, #tpu.memory_space<vmem_shared>>
      tpu.wait_dma2 semaphore(%run_scoped3A_237 : memref<!tpu.dma_semaphore, #tpu.memory_space<semaphore_mem>>) src(%dma_wait3A_243 : memref<128x128xf32, #tpu.memory_space<vmem_shared>>) dst(%arg12 : memref<128x128xf32, #tpu.memory_space<vmem>>)
      tpu.yield
    }) : () -> ()
    %run_scoped3A_164 = arith.constant 1 : i32
    "tpu.region"() ({
      %run_scoped3A_237 = tpu.sem_alloc : memref<!tpu.dma_semaphore, #tpu.memory_space<semaphore_mem>>
      %dma_start3A = arith.constant 0 : i32
      %dma_start3A_238 = tpu.memref_slice %arg8[%arg0, %run_scoped3A_164, %add3A_163, %dma_start3A] : memref<2x3x10240x128xf32, #tpu.memory_space<hbm>> -> memref<1x1x128x128xf32, #tpu.memory_space<hbm>>
      %dma_start3A_239 = tpu.memref_squeeze %dma_start3A_238 : memref<1x1x128x128xf32, #tpu.memory_space<hbm>> -> memref<128x128xf32, #tpu.memory_space<hbm>>
      %dma_start3A_240 = arith.constant 0 : i32
      %dma_start3A_241 = tpu.memref_slice %arg8[%arg0, %run_scoped3A_164, %add3A_163, %dma_start3A_240] : memref<2x3x10240x128xf32, #tpu.memory_space<hbm>> -> memref<1x1x128x128xf32, #tpu.memory_space<hbm>>
      %dma_start3A_242 = tpu.memref_squeeze %dma_start3A_241 : memref<1x1x128x128xf32, #tpu.memory_space<hbm>> -> memref<128x128xf32, #tpu.memory_space<hbm>>
      tpu.enqueue_dma source(%arg12 : memref<128x128xf32, #tpu.memory_space<vmem>>) target(%dma_start3A_242 : memref<128x128xf32, #tpu.memory_space<hbm>>) target_semaphore(%run_scoped3A_237 : memref<!tpu.dma_semaphore, #tpu.memory_space<semaphore_mem>>)
      %dma_wait3A = arith.constant 0 : i32
      %dma_wait3A_243 = tpu.memref_slice %arg8[%arg0, %run_scoped3A_164, %add3A_163, %dma_wait3A] : memref<2x3x10240x128xf32, #tpu.memory_space<hbm>> -> memref<1x1x128x128xf32, #tpu.memory_space<hbm>>
      %dma_wait3A_244 = tpu.memref_squeeze %dma_wait3A_243 : memref<1x1x128x128xf32, #tpu.memory_space<hbm>> -> memref<128x128xf32, #tpu.memory_space<hbm>>
      %dma_wait3A_245 = arith.constant 0 : i32
      %dma_wait3A_246 = tpu.memref_slice %arg8[%arg0, %run_scoped3A_164, %add3A_163, %dma_wait3A_245] : memref<2x3x10240x128xf32, #tpu.memory_space<hbm>> -> memref<1x1x128x128xf32, #tpu.memory_space<hbm>>
      %dma_wait3A_247 = tpu.memref_squeeze %dma_wait3A_246 : memref<1x1x128x128xf32, #tpu.memory_space<hbm>> -> memref<128x128xf32, #tpu.memory_space<hbm>>
      tpu.wait_dma2 semaphore(%run_scoped3A_237 : memref<!tpu.dma_semaphore, #tpu.memory_space<semaphore_mem>>) src(%arg12 : memref<128x128xf32, #tpu.memory_space<vmem>>) dst(%dma_wait3A_247 : memref<128x128xf32, #tpu.memory_space<hbm>>)
      tpu.yield
    }) : () -> ()
    %mul3A_165 = arith.constant 640 : i32
    %mul3A_166 = arith.muli %arg1, %mul3A_165 : i32
    %add3A_167 = arith.constant 384 : i32
    %add3A_168 = arith.addi %mul3A_166, %add3A_167 : i32
    "tpu.region"() ({
      %run_scoped3A_237 = tpu.sem_alloc : memref<!tpu.dma_semaphore, #tpu.memory_space<semaphore_mem>>
      %dma_start3A = arith.constant 0 : i32
      %dma_start3A_238 = tpu.memref_slice %arg9[%add3A_168, %dma_start3A] : memref<10240x128xf32, #tpu.memory_space<vmem_shared>> -> memref<128x128xf32, #tpu.memory_space<vmem_shared>>
      %dma_start3A_239 = arith.constant 0 : i32
      %dma_start3A_240 = tpu.memref_slice %arg9[%add3A_168, %dma_start3A_239] : memref<10240x128xf32, #tpu.memory_space<vmem_shared>> -> memref<128x128xf32, #tpu.memory_space<vmem_shared>>
      tpu.enqueue_dma source(%dma_start3A_240 : memref<128x128xf32, #tpu.memory_space<vmem_shared>>) target(%arg12 : memref<128x128xf32, #tpu.memory_space<vmem>>) target_semaphore(%run_scoped3A_237 : memref<!tpu.dma_semaphore, #tpu.memory_space<semaphore_mem>>)
      %dma_wait3A = arith.constant 0 : i32
      %dma_wait3A_241 = tpu.memref_slice %arg9[%add3A_168, %dma_wait3A] : memref<10240x128xf32, #tpu.memory_space<vmem_shared>> -> memref<128x128xf32, #tpu.memory_space<vmem_shared>>
      %dma_wait3A_242 = arith.constant 0 : i32
      %dma_wait3A_243 = tpu.memref_slice %arg9[%add3A_168, %dma_wait3A_242] : memref<10240x128xf32, #tpu.memory_space<vmem_shared>> -> memref<128x128xf32, #tpu.memory_space<vmem_shared>>
      tpu.wait_dma2 semaphore(%run_scoped3A_237 : memref<!tpu.dma_semaphore, #tpu.memory_space<semaphore_mem>>) src(%dma_wait3A_243 : memref<128x128xf32, #tpu.memory_space<vmem_shared>>) dst(%arg12 : memref<128x128xf32, #tpu.memory_space<vmem>>)
      tpu.yield
    }) : () -> ()
    %run_scoped3A_169 = arith.constant 1 : i32
    "tpu.region"() ({
      %run_scoped3A_237 = tpu.sem_alloc : memref<!tpu.dma_semaphore, #tpu.memory_space<semaphore_mem>>
      %dma_start3A = arith.constant 0 : i32
      %dma_start3A_238 = tpu.memref_slice %arg8[%arg0, %run_scoped3A_169, %add3A_168, %dma_start3A] : memref<2x3x10240x128xf32, #tpu.memory_space<hbm>> -> memref<1x1x128x128xf32, #tpu.memory_space<hbm>>
      %dma_start3A_239 = tpu.memref_squeeze %dma_start3A_238 : memref<1x1x128x128xf32, #tpu.memory_space<hbm>> -> memref<128x128xf32, #tpu.memory_space<hbm>>
      %dma_start3A_240 = arith.constant 0 : i32
      %dma_start3A_241 = tpu.memref_slice %arg8[%arg0, %run_scoped3A_169, %add3A_168, %dma_start3A_240] : memref<2x3x10240x128xf32, #tpu.memory_space<hbm>> -> memref<1x1x128x128xf32, #tpu.memory_space<hbm>>
      %dma_start3A_242 = tpu.memref_squeeze %dma_start3A_241 : memref<1x1x128x128xf32, #tpu.memory_space<hbm>> -> memref<128x128xf32, #tpu.memory_space<hbm>>
      tpu.enqueue_dma source(%arg12 : memref<128x128xf32, #tpu.memory_space<vmem>>) target(%dma_start3A_242 : memref<128x128xf32, #tpu.memory_space<hbm>>) target_semaphore(%run_scoped3A_237 : memref<!tpu.dma_semaphore, #tpu.memory_space<semaphore_mem>>)
      %dma_wait3A = arith.constant 0 : i32
      %dma_wait3A_243 = tpu.memref_slice %arg8[%arg0, %run_scoped3A_169, %add3A_168, %dma_wait3A] : memref<2x3x10240x128xf32, #tpu.memory_space<hbm>> -> memref<1x1x128x128xf32, #tpu.memory_space<hbm>>
      %dma_wait3A_244 = tpu.memref_squeeze %dma_wait3A_243 : memref<1x1x128x128xf32, #tpu.memory_space<hbm>> -> memref<128x128xf32, #tpu.memory_space<hbm>>
      %dma_wait3A_245 = arith.constant 0 : i32
      %dma_wait3A_246 = tpu.memref_slice %arg8[%arg0, %run_scoped3A_169, %add3A_168, %dma_wait3A_245] : memref<2x3x10240x128xf32, #tpu.memory_space<hbm>> -> memref<1x1x128x128xf32, #tpu.memory_space<hbm>>
      %dma_wait3A_247 = tpu.memref_squeeze %dma_wait3A_246 : memref<1x1x128x128xf32, #tpu.memory_space<hbm>> -> memref<128x128xf32, #tpu.memory_space<hbm>>
      tpu.wait_dma2 semaphore(%run_scoped3A_237 : memref<!tpu.dma_semaphore, #tpu.memory_space<semaphore_mem>>) src(%arg12 : memref<128x128xf32, #tpu.memory_space<vmem>>) dst(%dma_wait3A_247 : memref<128x128xf32, #tpu.memory_space<hbm>>)
      tpu.yield
    }) : () -> ()
    %mul3A_170 = arith.constant 640 : i32
    %mul3A_171 = arith.muli %arg1, %mul3A_170 : i32
    %add3A_172 = arith.constant 512 : i32
    %add3A_173 = arith.addi %mul3A_171, %add3A_172 : i32
    "tpu.region"() ({
      %run_scoped3A_237 = tpu.sem_alloc : memref<!tpu.dma_semaphore, #tpu.memory_space<semaphore_mem>>
      %dma_start3A = arith.constant 0 : i32
      %dma_start3A_238 = tpu.memref_slice %arg9[%add3A_173, %dma_start3A] : memref<10240x128xf32, #tpu.memory_space<vmem_shared>> -> memref<128x128xf32, #tpu.memory_space<vmem_shared>>
      %dma_start3A_239 = arith.constant 0 : i32
      %dma_start3A_240 = tpu.memref_slice %arg9[%add3A_173, %dma_start3A_239] : memref<10240x128xf32, #tpu.memory_space<vmem_shared>> -> memref<128x128xf32, #tpu.memory_space<vmem_shared>>
      tpu.enqueue_dma source(%dma_start3A_240 : memref<128x128xf32, #tpu.memory_space<vmem_shared>>) target(%arg12 : memref<128x128xf32, #tpu.memory_space<vmem>>) target_semaphore(%run_scoped3A_237 : memref<!tpu.dma_semaphore, #tpu.memory_space<semaphore_mem>>)
      %dma_wait3A = arith.constant 0 : i32
      %dma_wait3A_241 = tpu.memref_slice %arg9[%add3A_173, %dma_wait3A] : memref<10240x128xf32, #tpu.memory_space<vmem_shared>> -> memref<128x128xf32, #tpu.memory_space<vmem_shared>>
      %dma_wait3A_242 = arith.constant 0 : i32
      %dma_wait3A_243 = tpu.memref_slice %arg9[%add3A_173, %dma_wait3A_242] : memref<10240x128xf32, #tpu.memory_space<vmem_shared>> -> memref<128x128xf32, #tpu.memory_space<vmem_shared>>
      tpu.wait_dma2 semaphore(%run_scoped3A_237 : memref<!tpu.dma_semaphore, #tpu.memory_space<semaphore_mem>>) src(%dma_wait3A_243 : memref<128x128xf32, #tpu.memory_space<vmem_shared>>) dst(%arg12 : memref<128x128xf32, #tpu.memory_space<vmem>>)
      tpu.yield
    }) : () -> ()
    %run_scoped3A_174 = arith.constant 1 : i32
    "tpu.region"() ({
      %run_scoped3A_237 = tpu.sem_alloc : memref<!tpu.dma_semaphore, #tpu.memory_space<semaphore_mem>>
      %dma_start3A = arith.constant 0 : i32
      %dma_start3A_238 = tpu.memref_slice %arg8[%arg0, %run_scoped3A_174, %add3A_173, %dma_start3A] : memref<2x3x10240x128xf32, #tpu.memory_space<hbm>> -> memref<1x1x128x128xf32, #tpu.memory_space<hbm>>
      %dma_start3A_239 = tpu.memref_squeeze %dma_start3A_238 : memref<1x1x128x128xf32, #tpu.memory_space<hbm>> -> memref<128x128xf32, #tpu.memory_space<hbm>>
      %dma_start3A_240 = arith.constant 0 : i32
      %dma_start3A_241 = tpu.memref_slice %arg8[%arg0, %run_scoped3A_174, %add3A_173, %dma_start3A_240] : memref<2x3x10240x128xf32, #tpu.memory_space<hbm>> -> memref<1x1x128x128xf32, #tpu.memory_space<hbm>>
      %dma_start3A_242 = tpu.memref_squeeze %dma_start3A_241 : memref<1x1x128x128xf32, #tpu.memory_space<hbm>> -> memref<128x128xf32, #tpu.memory_space<hbm>>
      tpu.enqueue_dma source(%arg12 : memref<128x128xf32, #tpu.memory_space<vmem>>) target(%dma_start3A_242 : memref<128x128xf32, #tpu.memory_space<hbm>>) target_semaphore(%run_scoped3A_237 : memref<!tpu.dma_semaphore, #tpu.memory_space<semaphore_mem>>)
      %dma_wait3A = arith.constant 0 : i32
      %dma_wait3A_243 = tpu.memref_slice %arg8[%arg0, %run_scoped3A_174, %add3A_173, %dma_wait3A] : memref<2x3x10240x128xf32, #tpu.memory_space<hbm>> -> memref<1x1x128x128xf32, #tpu.memory_space<hbm>>
      %dma_wait3A_244 = tpu.memref_squeeze %dma_wait3A_243 : memref<1x1x128x128xf32, #tpu.memory_space<hbm>> -> memref<128x128xf32, #tpu.memory_space<hbm>>
      %dma_wait3A_245 = arith.constant 0 : i32
      %dma_wait3A_246 = tpu.memref_slice %arg8[%arg0, %run_scoped3A_174, %add3A_173, %dma_wait3A_245] : memref<2x3x10240x128xf32, #tpu.memory_space<hbm>> -> memref<1x1x128x128xf32, #tpu.memory_space<hbm>>
      %dma_wait3A_247 = tpu.memref_squeeze %dma_wait3A_246 : memref<1x1x128x128xf32, #tpu.memory_space<hbm>> -> memref<128x128xf32, #tpu.memory_space<hbm>>
      tpu.wait_dma2 semaphore(%run_scoped3A_237 : memref<!tpu.dma_semaphore, #tpu.memory_space<semaphore_mem>>) src(%arg12 : memref<128x128xf32, #tpu.memory_space<vmem>>) dst(%dma_wait3A_247 : memref<128x128xf32, #tpu.memory_space<hbm>>)
      tpu.yield
    }) : () -> ()
    %barrier3A_175 = arith.constant 0 : index
    tpu.barrier barrier_id(%barrier3A_175)
    "tpu.region"() ({
      %run_scoped3A_237 = tpu.sem_alloc : memref<!tpu.dma_semaphore, #tpu.memory_space<semaphore_mem>>
      tpu.enqueue_dma source(%arg6 : memref<128x128xf32, #tpu.memory_space<hbm>>) target(%arg12 : memref<128x128xf32, #tpu.memory_space<vmem>>) target_semaphore(%run_scoped3A_237 : memref<!tpu.dma_semaphore, #tpu.memory_space<semaphore_mem>>)
      tpu.wait_dma2 semaphore(%run_scoped3A_237 : memref<!tpu.dma_semaphore, #tpu.memory_space<semaphore_mem>>) src(%arg6 : memref<128x128xf32, #tpu.memory_space<hbm>>) dst(%arg12 : memref<128x128xf32, #tpu.memory_space<vmem>>)
      tpu.yield
    }) : () -> ()
    %mul3A_176 = arith.constant 640 : i32
    %mul3A_177 = arith.muli %arg1, %mul3A_176 : i32
    %add3A_178 = arith.constant 0 : i32
    %add3A_179 = arith.addi %mul3A_177, %add3A_178 : i32
    "tpu.region"() ({
      %run_scoped3A_237 = tpu.sem_alloc : memref<!tpu.dma_semaphore, #tpu.memory_space<semaphore_mem>>
      %dma_start3A = arith.constant 0 : i32
      %dma_start3A_238 = tpu.memref_slice %arg9[%add3A_179, %dma_start3A] : memref<10240x128xf32, #tpu.memory_space<vmem_shared>> -> memref<128x128xf32, #tpu.memory_space<vmem_shared>>
      %dma_start3A_239 = arith.constant 0 : i32
      %dma_start3A_240 = tpu.memref_slice %arg9[%add3A_179, %dma_start3A_239] : memref<10240x128xf32, #tpu.memory_space<vmem_shared>> -> memref<128x128xf32, #tpu.memory_space<vmem_shared>>
      tpu.enqueue_dma source(%arg12 : memref<128x128xf32, #tpu.memory_space<vmem>>) target(%dma_start3A_240 : memref<128x128xf32, #tpu.memory_space<vmem_shared>>) target_semaphore(%run_scoped3A_237 : memref<!tpu.dma_semaphore, #tpu.memory_space<semaphore_mem>>)
      %dma_wait3A = arith.constant 0 : i32
      %dma_wait3A_241 = tpu.memref_slice %arg9[%add3A_179, %dma_wait3A] : memref<10240x128xf32, #tpu.memory_space<vmem_shared>> -> memref<128x128xf32, #tpu.memory_space<vmem_shared>>
      %dma_wait3A_242 = arith.constant 0 : i32
      %dma_wait3A_243 = tpu.memref_slice %arg9[%add3A_179, %dma_wait3A_242] : memref<10240x128xf32, #tpu.memory_space<vmem_shared>> -> memref<128x128xf32, #tpu.memory_space<vmem_shared>>
      tpu.wait_dma2 semaphore(%run_scoped3A_237 : memref<!tpu.dma_semaphore, #tpu.memory_space<semaphore_mem>>) src(%arg12 : memref<128x128xf32, #tpu.memory_space<vmem>>) dst(%dma_wait3A_243 : memref<128x128xf32, #tpu.memory_space<vmem_shared>>)
      tpu.yield
    }) : () -> ()
    %mul3A_180 = arith.constant 640 : i32
    %mul3A_181 = arith.muli %arg1, %mul3A_180 : i32
    %add3A_182 = arith.constant 128 : i32
    %add3A_183 = arith.addi %mul3A_181, %add3A_182 : i32
    "tpu.region"() ({
      %run_scoped3A_237 = tpu.sem_alloc : memref<!tpu.dma_semaphore, #tpu.memory_space<semaphore_mem>>
      %dma_start3A = arith.constant 0 : i32
      %dma_start3A_238 = tpu.memref_slice %arg9[%add3A_183, %dma_start3A] : memref<10240x128xf32, #tpu.memory_space<vmem_shared>> -> memref<128x128xf32, #tpu.memory_space<vmem_shared>>
      %dma_start3A_239 = arith.constant 0 : i32
      %dma_start3A_240 = tpu.memref_slice %arg9[%add3A_183, %dma_start3A_239] : memref<10240x128xf32, #tpu.memory_space<vmem_shared>> -> memref<128x128xf32, #tpu.memory_space<vmem_shared>>
      tpu.enqueue_dma source(%arg12 : memref<128x128xf32, #tpu.memory_space<vmem>>) target(%dma_start3A_240 : memref<128x128xf32, #tpu.memory_space<vmem_shared>>) target_semaphore(%run_scoped3A_237 : memref<!tpu.dma_semaphore, #tpu.memory_space<semaphore_mem>>)
      %dma_wait3A = arith.constant 0 : i32
      %dma_wait3A_241 = tpu.memref_slice %arg9[%add3A_183, %dma_wait3A] : memref<10240x128xf32, #tpu.memory_space<vmem_shared>> -> memref<128x128xf32, #tpu.memory_space<vmem_shared>>
      %dma_wait3A_242 = arith.constant 0 : i32
      %dma_wait3A_243 = tpu.memref_slice %arg9[%add3A_183, %dma_wait3A_242] : memref<10240x128xf32, #tpu.memory_space<vmem_shared>> -> memref<128x128xf32, #tpu.memory_space<vmem_shared>>
      tpu.wait_dma2 semaphore(%run_scoped3A_237 : memref<!tpu.dma_semaphore, #tpu.memory_space<semaphore_mem>>) src(%arg12 : memref<128x128xf32, #tpu.memory_space<vmem>>) dst(%dma_wait3A_243 : memref<128x128xf32, #tpu.memory_space<vmem_shared>>)
      tpu.yield
    }) : () -> ()
    %mul3A_184 = arith.constant 640 : i32
    %mul3A_185 = arith.muli %arg1, %mul3A_184 : i32
    %add3A_186 = arith.constant 256 : i32
    %add3A_187 = arith.addi %mul3A_185, %add3A_186 : i32
    "tpu.region"() ({
      %run_scoped3A_237 = tpu.sem_alloc : memref<!tpu.dma_semaphore, #tpu.memory_space<semaphore_mem>>
      %dma_start3A = arith.constant 0 : i32
      %dma_start3A_238 = tpu.memref_slice %arg9[%add3A_187, %dma_start3A] : memref<10240x128xf32, #tpu.memory_space<vmem_shared>> -> memref<128x128xf32, #tpu.memory_space<vmem_shared>>
      %dma_start3A_239 = arith.constant 0 : i32
      %dma_start3A_240 = tpu.memref_slice %arg9[%add3A_187, %dma_start3A_239] : memref<10240x128xf32, #tpu.memory_space<vmem_shared>> -> memref<128x128xf32, #tpu.memory_space<vmem_shared>>
      tpu.enqueue_dma source(%arg12 : memref<128x128xf32, #tpu.memory_space<vmem>>) target(%dma_start3A_240 : memref<128x128xf32, #tpu.memory_space<vmem_shared>>) target_semaphore(%run_scoped3A_237 : memref<!tpu.dma_semaphore, #tpu.memory_space<semaphore_mem>>)
      %dma_wait3A = arith.constant 0 : i32
      %dma_wait3A_241 = tpu.memref_slice %arg9[%add3A_187, %dma_wait3A] : memref<10240x128xf32, #tpu.memory_space<vmem_shared>> -> memref<128x128xf32, #tpu.memory_space<vmem_shared>>
      %dma_wait3A_242 = arith.constant 0 : i32
      %dma_wait3A_243 = tpu.memref_slice %arg9[%add3A_187, %dma_wait3A_242] : memref<10240x128xf32, #tpu.memory_space<vmem_shared>> -> memref<128x128xf32, #tpu.memory_space<vmem_shared>>
      tpu.wait_dma2 semaphore(%run_scoped3A_237 : memref<!tpu.dma_semaphore, #tpu.memory_space<semaphore_mem>>) src(%arg12 : memref<128x128xf32, #tpu.memory_space<vmem>>) dst(%dma_wait3A_243 : memref<128x128xf32, #tpu.memory_space<vmem_shared>>)
      tpu.yield
    }) : () -> ()
    %mul3A_188 = arith.constant 640 : i32
    %mul3A_189 = arith.muli %arg1, %mul3A_188 : i32
    %add3A_190 = arith.constant 384 : i32
    %add3A_191 = arith.addi %mul3A_189, %add3A_190 : i32
    "tpu.region"() ({
      %run_scoped3A_237 = tpu.sem_alloc : memref<!tpu.dma_semaphore, #tpu.memory_space<semaphore_mem>>
      %dma_start3A = arith.constant 0 : i32
      %dma_start3A_238 = tpu.memref_slice %arg9[%add3A_191, %dma_start3A] : memref<10240x128xf32, #tpu.memory_space<vmem_shared>> -> memref<128x128xf32, #tpu.memory_space<vmem_shared>>
      %dma_start3A_239 = arith.constant 0 : i32
      %dma_start3A_240 = tpu.memref_slice %arg9[%add3A_191, %dma_start3A_239] : memref<10240x128xf32, #tpu.memory_space<vmem_shared>> -> memref<128x128xf32, #tpu.memory_space<vmem_shared>>
      tpu.enqueue_dma source(%arg12 : memref<128x128xf32, #tpu.memory_space<vmem>>) target(%dma_start3A_240 : memref<128x128xf32, #tpu.memory_space<vmem_shared>>) target_semaphore(%run_scoped3A_237 : memref<!tpu.dma_semaphore, #tpu.memory_space<semaphore_mem>>)
      %dma_wait3A = arith.constant 0 : i32
      %dma_wait3A_241 = tpu.memref_slice %arg9[%add3A_191, %dma_wait3A] : memref<10240x128xf32, #tpu.memory_space<vmem_shared>> -> memref<128x128xf32, #tpu.memory_space<vmem_shared>>
      %dma_wait3A_242 = arith.constant 0 : i32
      %dma_wait3A_243 = tpu.memref_slice %arg9[%add3A_191, %dma_wait3A_242] : memref<10240x128xf32, #tpu.memory_space<vmem_shared>> -> memref<128x128xf32, #tpu.memory_space<vmem_shared>>
      tpu.wait_dma2 semaphore(%run_scoped3A_237 : memref<!tpu.dma_semaphore, #tpu.memory_space<semaphore_mem>>) src(%arg12 : memref<128x128xf32, #tpu.memory_space<vmem>>) dst(%dma_wait3A_243 : memref<128x128xf32, #tpu.memory_space<vmem_shared>>)
      tpu.yield
    }) : () -> ()
    %mul3A_192 = arith.constant 640 : i32
    %mul3A_193 = arith.muli %arg1, %mul3A_192 : i32
    %add3A_194 = arith.constant 512 : i32
    %add3A_195 = arith.addi %mul3A_193, %add3A_194 : i32
    "tpu.region"() ({
      %run_scoped3A_237 = tpu.sem_alloc : memref<!tpu.dma_semaphore, #tpu.memory_space<semaphore_mem>>
      %dma_start3A = arith.constant 0 : i32
      %dma_start3A_238 = tpu.memref_slice %arg9[%add3A_195, %dma_start3A] : memref<10240x128xf32, #tpu.memory_space<vmem_shared>> -> memref<128x128xf32, #tpu.memory_space<vmem_shared>>
      %dma_start3A_239 = arith.constant 0 : i32
      %dma_start3A_240 = tpu.memref_slice %arg9[%add3A_195, %dma_start3A_239] : memref<10240x128xf32, #tpu.memory_space<vmem_shared>> -> memref<128x128xf32, #tpu.memory_space<vmem_shared>>
      tpu.enqueue_dma source(%arg12 : memref<128x128xf32, #tpu.memory_space<vmem>>) target(%dma_start3A_240 : memref<128x128xf32, #tpu.memory_space<vmem_shared>>) target_semaphore(%run_scoped3A_237 : memref<!tpu.dma_semaphore, #tpu.memory_space<semaphore_mem>>)
      %dma_wait3A = arith.constant 0 : i32
      %dma_wait3A_241 = tpu.memref_slice %arg9[%add3A_195, %dma_wait3A] : memref<10240x128xf32, #tpu.memory_space<vmem_shared>> -> memref<128x128xf32, #tpu.memory_space<vmem_shared>>
      %dma_wait3A_242 = arith.constant 0 : i32
      %dma_wait3A_243 = tpu.memref_slice %arg9[%add3A_195, %dma_wait3A_242] : memref<10240x128xf32, #tpu.memory_space<vmem_shared>> -> memref<128x128xf32, #tpu.memory_space<vmem_shared>>
      tpu.wait_dma2 semaphore(%run_scoped3A_237 : memref<!tpu.dma_semaphore, #tpu.memory_space<semaphore_mem>>) src(%arg12 : memref<128x128xf32, #tpu.memory_space<vmem>>) dst(%dma_wait3A_243 : memref<128x128xf32, #tpu.memory_space<vmem_shared>>)
      tpu.yield
    }) : () -> ()
    %run_scoped3A_196 = arith.constant 3 : i32
    "tpu.region"() ({
      %run_scoped3A_237 = tpu.sem_alloc : memref<!tpu.dma_semaphore, #tpu.memory_space<semaphore_mem>>
      %dma_start3A = arith.constant 0 : i32
      %dma_start3A_238 = arith.constant 0 : i32
      %dma_start3A_239 = tpu.memref_slice %arg4[%run_scoped3A_196, %add3A, %dma_start3A, %dma_start3A_238] : memref<4x32x79x128xi32, #tpu.memory_space<hbm>> -> memref<1x1x79x128xi32, #tpu.memory_space<hbm>>
      %dma_start3A_240 = tpu.memref_squeeze %dma_start3A_239 : memref<1x1x79x128xi32, #tpu.memory_space<hbm>> -> memref<79x128xi32, #tpu.memory_space<hbm>>
      %dma_start3A_241 = arith.constant 0 : i32
      %dma_start3A_242 = arith.constant 0 : i32
      %dma_start3A_243 = tpu.memref_slice %arg4[%run_scoped3A_196, %add3A, %dma_start3A_241, %dma_start3A_242] : memref<4x32x79x128xi32, #tpu.memory_space<hbm>> -> memref<1x1x79x128xi32, #tpu.memory_space<hbm>>
      %dma_start3A_244 = tpu.memref_squeeze %dma_start3A_243 : memref<1x1x79x128xi32, #tpu.memory_space<hbm>> -> memref<79x128xi32, #tpu.memory_space<hbm>>
      tpu.enqueue_dma source(%dma_start3A_244 : memref<79x128xi32, #tpu.memory_space<hbm>>) target(%arg10 : memref<79x128xi32, #tpu.memory_space<vmem>>) target_semaphore(%run_scoped3A_237 : memref<!tpu.dma_semaphore, #tpu.memory_space<semaphore_mem>>)
      %dma_wait3A = arith.constant 0 : i32
      %dma_wait3A_245 = arith.constant 0 : i32
      %dma_wait3A_246 = tpu.memref_slice %arg4[%run_scoped3A_196, %add3A, %dma_wait3A, %dma_wait3A_245] : memref<4x32x79x128xi32, #tpu.memory_space<hbm>> -> memref<1x1x79x128xi32, #tpu.memory_space<hbm>>
      %dma_wait3A_247 = tpu.memref_squeeze %dma_wait3A_246 : memref<1x1x79x128xi32, #tpu.memory_space<hbm>> -> memref<79x128xi32, #tpu.memory_space<hbm>>
      %dma_wait3A_248 = arith.constant 0 : i32
      %dma_wait3A_249 = arith.constant 0 : i32
      %dma_wait3A_250 = tpu.memref_slice %arg4[%run_scoped3A_196, %add3A, %dma_wait3A_248, %dma_wait3A_249] : memref<4x32x79x128xi32, #tpu.memory_space<hbm>> -> memref<1x1x79x128xi32, #tpu.memory_space<hbm>>
      %dma_wait3A_251 = tpu.memref_squeeze %dma_wait3A_250 : memref<1x1x79x128xi32, #tpu.memory_space<hbm>> -> memref<79x128xi32, #tpu.memory_space<hbm>>
      tpu.wait_dma2 semaphore(%run_scoped3A_237 : memref<!tpu.dma_semaphore, #tpu.memory_space<semaphore_mem>>) src(%dma_wait3A_251 : memref<79x128xi32, #tpu.memory_space<hbm>>) dst(%arg10 : memref<79x128xi32, #tpu.memory_space<vmem>>)
      tpu.yield
    }) : () -> ()
    %barrier3A_197 = arith.constant 0 : index
    tpu.barrier barrier_id(%barrier3A_197)
    %scan3A_198 = arith.constant 0 : i32
    %scan3A_199 = arith.constant 0 : i32
    %scan3A_200 = arith.constant 79 : i32
    %scan3A_201 = arith.addi %scan3A_199, %scan3A_200 : i32
    %scan3A_202 = arith.constant 1 : i32
    scf.for %scan3A_237 = %scan3A_199 to %scan3A_201 step %scan3A_202  : i32 {
      %dma_start3A = arith.constant 0 : i32
      %dma_start3A_238 = tpu.memref_slice %arg10[%scan3A_237, %dma_start3A] : memref<79x128xi32, #tpu.memory_space<vmem>> -> memref<1x128xi32, #tpu.memory_space<vmem>>
      %dma_start3A_239 = tpu.memref_squeeze %dma_start3A_238 : memref<1x128xi32, #tpu.memory_space<vmem>> -> memref<128xi32, #tpu.memory_space<vmem>>
      %dma_start3A_240 = arith.constant 0 : i32
      %dma_start3A_241 = arith.constant 0 : i32
      %dma_start3A_242 = tpu.memref_slice %arg3[%dma_start3A_240, %dma_start3A_241] : memref<30000x128xf32, #tpu.memory_space<hbm>> -> memref<30000x128xf32, #tpu.memory_space<hbm>>
      tpu.enqueue_indirect_dma source(%dma_start3A_242 : memref<30000x128xf32, #tpu.memory_space<hbm>>) target(%arg12 : memref<128x128xf32, #tpu.memory_space<vmem>>) offsets(%dma_start3A_239 : memref<128xi32, #tpu.memory_space<vmem>>) semaphore(%arg13 : memref<!tpu.dma_semaphore, #tpu.memory_space<semaphore_mem>>)
      %dma_wait3A = arith.constant 0 : i32
      %dma_wait3A_243 = tpu.memref_slice %arg10[%scan3A_237, %dma_wait3A] : memref<79x128xi32, #tpu.memory_space<vmem>> -> memref<1x128xi32, #tpu.memory_space<vmem>>
      %dma_wait3A_244 = tpu.memref_squeeze %dma_wait3A_243 : memref<1x128xi32, #tpu.memory_space<vmem>> -> memref<128xi32, #tpu.memory_space<vmem>>
      %dma_wait3A_245 = arith.constant 0 : i32
      %dma_wait3A_246 = arith.constant 0 : i32
      %dma_wait3A_247 = tpu.memref_slice %arg3[%dma_wait3A_245, %dma_wait3A_246] : memref<30000x128xf32, #tpu.memory_space<hbm>> -> memref<30000x128xf32, #tpu.memory_space<hbm>>
      tpu.wait_indirect_dma semaphore(%arg13 : memref<!tpu.dma_semaphore, #tpu.memory_space<semaphore_mem>>) src(%dma_wait3A_247 : memref<30000x128xf32, #tpu.memory_space<hbm>>) dst(%arg12 : memref<128x128xf32, #tpu.memory_space<vmem>>)
      %dma_start3A_248 = arith.constant 0 : i32
      %dma_start3A_249 = tpu.memref_slice %arg11[%scan3A_237, %dma_start3A_248] : memref<79x128xi32, #tpu.memory_space<vmem>> -> memref<1x128xi32, #tpu.memory_space<vmem>>
      %dma_start3A_250 = tpu.memref_squeeze %dma_start3A_249 : memref<1x128xi32, #tpu.memory_space<vmem>> -> memref<128xi32, #tpu.memory_space<vmem>>
      %dma_start3A_251 = arith.constant 0 : i32
      %dma_start3A_252 = arith.constant 0 : i32
      %dma_start3A_253 = tpu.memref_slice %arg9[%dma_start3A_251, %dma_start3A_252] : memref<10240x128xf32, #tpu.memory_space<vmem_shared>> -> memref<10240x128xf32, #tpu.memory_space<vmem_shared>>
      tpu.enqueue_indirect_dma source(%arg12 : memref<128x128xf32, #tpu.memory_space<vmem>>) target(%dma_start3A_253 : memref<10240x128xf32, #tpu.memory_space<vmem_shared>>) offsets(%dma_start3A_250 : memref<128xi32, #tpu.memory_space<vmem>>) semaphore(%arg14 : memref<!tpu.dma_semaphore, #tpu.memory_space<semaphore_mem>>) {add = true}
    }
    %scan3A_203 = arith.constant 79 : i32
    %scan3A_204 = arith.constant 0 : i32
    %scan3A_205 = arith.constant 0 : i32
    %scan3A_206 = arith.constant 79 : i32
    %scan3A_207 = arith.addi %scan3A_205, %scan3A_206 : i32
    %scan3A_208 = arith.constant 1 : i32
    scf.for %scan3A_237 = %scan3A_205 to %scan3A_207 step %scan3A_208  : i32 {
      %dma_wait3A = arith.constant 0 : i32
      %dma_wait3A_238 = arith.constant 0 : i32
      %dma_wait3A_239 = tpu.memref_slice %arg11[%dma_wait3A, %dma_wait3A_238] : memref<79x128xi32, #tpu.memory_space<vmem>> -> memref<1x128xi32, #tpu.memory_space<vmem>>
      %dma_wait3A_240 = tpu.memref_squeeze %dma_wait3A_239 : memref<1x128xi32, #tpu.memory_space<vmem>> -> memref<128xi32, #tpu.memory_space<vmem>>
      %dma_wait3A_241 = arith.constant 0 : i32
      %dma_wait3A_242 = arith.constant 0 : i32
      %dma_wait3A_243 = tpu.memref_slice %arg9[%dma_wait3A_241, %dma_wait3A_242] : memref<10240x128xf32, #tpu.memory_space<vmem_shared>> -> memref<10240x128xf32, #tpu.memory_space<vmem_shared>>
      tpu.wait_indirect_dma semaphore(%arg14 : memref<!tpu.dma_semaphore, #tpu.memory_space<semaphore_mem>>) src(%arg12 : memref<128x128xf32, #tpu.memory_space<vmem>>) dst(%dma_wait3A_243 : memref<10240x128xf32, #tpu.memory_space<vmem_shared>>)
    }
    %scan3A_209 = arith.constant 79 : i32
    %barrier3A_210 = arith.constant 0 : index
    tpu.barrier barrier_id(%barrier3A_210)
    %mul3A_211 = arith.constant 640 : i32
    %mul3A_212 = arith.muli %arg1, %mul3A_211 : i32
    %add3A_213 = arith.constant 0 : i32
    %add3A_214 = arith.addi %mul3A_212, %add3A_213 : i32
    "tpu.region"() ({
      %run_scoped3A_237 = tpu.sem_alloc : memref<!tpu.dma_semaphore, #tpu.memory_space<semaphore_mem>>
      %dma_start3A = arith.constant 0 : i32
      %dma_start3A_238 = tpu.memref_slice %arg9[%add3A_214, %dma_start3A] : memref<10240x128xf32, #tpu.memory_space<vmem_shared>> -> memref<128x128xf32, #tpu.memory_space<vmem_shared>>
      %dma_start3A_239 = arith.constant 0 : i32
      %dma_start3A_240 = tpu.memref_slice %arg9[%add3A_214, %dma_start3A_239] : memref<10240x128xf32, #tpu.memory_space<vmem_shared>> -> memref<128x128xf32, #tpu.memory_space<vmem_shared>>
      tpu.enqueue_dma source(%dma_start3A_240 : memref<128x128xf32, #tpu.memory_space<vmem_shared>>) target(%arg12 : memref<128x128xf32, #tpu.memory_space<vmem>>) target_semaphore(%run_scoped3A_237 : memref<!tpu.dma_semaphore, #tpu.memory_space<semaphore_mem>>)
      %dma_wait3A = arith.constant 0 : i32
      %dma_wait3A_241 = tpu.memref_slice %arg9[%add3A_214, %dma_wait3A] : memref<10240x128xf32, #tpu.memory_space<vmem_shared>> -> memref<128x128xf32, #tpu.memory_space<vmem_shared>>
      %dma_wait3A_242 = arith.constant 0 : i32
      %dma_wait3A_243 = tpu.memref_slice %arg9[%add3A_214, %dma_wait3A_242] : memref<10240x128xf32, #tpu.memory_space<vmem_shared>> -> memref<128x128xf32, #tpu.memory_space<vmem_shared>>
      tpu.wait_dma2 semaphore(%run_scoped3A_237 : memref<!tpu.dma_semaphore, #tpu.memory_space<semaphore_mem>>) src(%dma_wait3A_243 : memref<128x128xf32, #tpu.memory_space<vmem_shared>>) dst(%arg12 : memref<128x128xf32, #tpu.memory_space<vmem>>)
      tpu.yield
    }) : () -> ()
    %run_scoped3A_215 = arith.constant 2 : i32
    "tpu.region"() ({
      %run_scoped3A_237 = tpu.sem_alloc : memref<!tpu.dma_semaphore, #tpu.memory_space<semaphore_mem>>
      %dma_start3A = arith.constant 0 : i32
      %dma_start3A_238 = tpu.memref_slice %arg8[%arg0, %run_scoped3A_215, %add3A_214, %dma_start3A] : memref<2x3x10240x128xf32, #tpu.memory_space<hbm>> -> memref<1x1x128x128xf32, #tpu.memory_space<hbm>>
      %dma_start3A_239 = tpu.memref_squeeze %dma_start3A_238 : memref<1x1x128x128xf32, #tpu.memory_space<hbm>> -> memref<128x128xf32, #tpu.memory_space<hbm>>
      %dma_start3A_240 = arith.constant 0 : i32
      %dma_start3A_241 = tpu.memref_slice %arg8[%arg0, %run_scoped3A_215, %add3A_214, %dma_start3A_240] : memref<2x3x10240x128xf32, #tpu.memory_space<hbm>> -> memref<1x1x128x128xf32, #tpu.memory_space<hbm>>
      %dma_start3A_242 = tpu.memref_squeeze %dma_start3A_241 : memref<1x1x128x128xf32, #tpu.memory_space<hbm>> -> memref<128x128xf32, #tpu.memory_space<hbm>>
      tpu.enqueue_dma source(%arg12 : memref<128x128xf32, #tpu.memory_space<vmem>>) target(%dma_start3A_242 : memref<128x128xf32, #tpu.memory_space<hbm>>) target_semaphore(%run_scoped3A_237 : memref<!tpu.dma_semaphore, #tpu.memory_space<semaphore_mem>>)
      %dma_wait3A = arith.constant 0 : i32
      %dma_wait3A_243 = tpu.memref_slice %arg8[%arg0, %run_scoped3A_215, %add3A_214, %dma_wait3A] : memref<2x3x10240x128xf32, #tpu.memory_space<hbm>> -> memref<1x1x128x128xf32, #tpu.memory_space<hbm>>
      %dma_wait3A_244 = tpu.memref_squeeze %dma_wait3A_243 : memref<1x1x128x128xf32, #tpu.memory_space<hbm>> -> memref<128x128xf32, #tpu.memory_space<hbm>>
      %dma_wait3A_245 = arith.constant 0 : i32
      %dma_wait3A_246 = tpu.memref_slice %arg8[%arg0, %run_scoped3A_215, %add3A_214, %dma_wait3A_245] : memref<2x3x10240x128xf32, #tpu.memory_space<hbm>> -> memref<1x1x128x128xf32, #tpu.memory_space<hbm>>
      %dma_wait3A_247 = tpu.memref_squeeze %dma_wait3A_246 : memref<1x1x128x128xf32, #tpu.memory_space<hbm>> -> memref<128x128xf32, #tpu.memory_space<hbm>>
      tpu.wait_dma2 semaphore(%run_scoped3A_237 : memref<!tpu.dma_semaphore, #tpu.memory_space<semaphore_mem>>) src(%arg12 : memref<128x128xf32, #tpu.memory_space<vmem>>) dst(%dma_wait3A_247 : memref<128x128xf32, #tpu.memory_space<hbm>>)
      tpu.yield
    }) : () -> ()
    %mul3A_216 = arith.constant 640 : i32
    %mul3A_217 = arith.muli %arg1, %mul3A_216 : i32
    %add3A_218 = arith.constant 128 : i32
    %add3A_219 = arith.addi %mul3A_217, %add3A_218 : i32
    "tpu.region"() ({
      %run_scoped3A_237 = tpu.sem_alloc : memref<!tpu.dma_semaphore, #tpu.memory_space<semaphore_mem>>
      %dma_start3A = arith.constant 0 : i32
      %dma_start3A_238 = tpu.memref_slice %arg9[%add3A_219, %dma_start3A] : memref<10240x128xf32, #tpu.memory_space<vmem_shared>> -> memref<128x128xf32, #tpu.memory_space<vmem_shared>>
      %dma_start3A_239 = arith.constant 0 : i32
      %dma_start3A_240 = tpu.memref_slice %arg9[%add3A_219, %dma_start3A_239] : memref<10240x128xf32, #tpu.memory_space<vmem_shared>> -> memref<128x128xf32, #tpu.memory_space<vmem_shared>>
      tpu.enqueue_dma source(%dma_start3A_240 : memref<128x128xf32, #tpu.memory_space<vmem_shared>>) target(%arg12 : memref<128x128xf32, #tpu.memory_space<vmem>>) target_semaphore(%run_scoped3A_237 : memref<!tpu.dma_semaphore, #tpu.memory_space<semaphore_mem>>)
      %dma_wait3A = arith.constant 0 : i32
      %dma_wait3A_241 = tpu.memref_slice %arg9[%add3A_219, %dma_wait3A] : memref<10240x128xf32, #tpu.memory_space<vmem_shared>> -> memref<128x128xf32, #tpu.memory_space<vmem_shared>>
      %dma_wait3A_242 = arith.constant 0 : i32
      %dma_wait3A_243 = tpu.memref_slice %arg9[%add3A_219, %dma_wait3A_242] : memref<10240x128xf32, #tpu.memory_space<vmem_shared>> -> memref<128x128xf32, #tpu.memory_space<vmem_shared>>
      tpu.wait_dma2 semaphore(%run_scoped3A_237 : memref<!tpu.dma_semaphore, #tpu.memory_space<semaphore_mem>>) src(%dma_wait3A_243 : memref<128x128xf32, #tpu.memory_space<vmem_shared>>) dst(%arg12 : memref<128x128xf32, #tpu.memory_space<vmem>>)
      tpu.yield
    }) : () -> ()
    %run_scoped3A_220 = arith.constant 2 : i32
    "tpu.region"() ({
      %run_scoped3A_237 = tpu.sem_alloc : memref<!tpu.dma_semaphore, #tpu.memory_space<semaphore_mem>>
      %dma_start3A = arith.constant 0 : i32
      %dma_start3A_238 = tpu.memref_slice %arg8[%arg0, %run_scoped3A_220, %add3A_219, %dma_start3A] : memref<2x3x10240x128xf32, #tpu.memory_space<hbm>> -> memref<1x1x128x128xf32, #tpu.memory_space<hbm>>
      %dma_start3A_239 = tpu.memref_squeeze %dma_start3A_238 : memref<1x1x128x128xf32, #tpu.memory_space<hbm>> -> memref<128x128xf32, #tpu.memory_space<hbm>>
      %dma_start3A_240 = arith.constant 0 : i32
      %dma_start3A_241 = tpu.memref_slice %arg8[%arg0, %run_scoped3A_220, %add3A_219, %dma_start3A_240] : memref<2x3x10240x128xf32, #tpu.memory_space<hbm>> -> memref<1x1x128x128xf32, #tpu.memory_space<hbm>>
      %dma_start3A_242 = tpu.memref_squeeze %dma_start3A_241 : memref<1x1x128x128xf32, #tpu.memory_space<hbm>> -> memref<128x128xf32, #tpu.memory_space<hbm>>
      tpu.enqueue_dma source(%arg12 : memref<128x128xf32, #tpu.memory_space<vmem>>) target(%dma_start3A_242 : memref<128x128xf32, #tpu.memory_space<hbm>>) target_semaphore(%run_scoped3A_237 : memref<!tpu.dma_semaphore, #tpu.memory_space<semaphore_mem>>)
      %dma_wait3A = arith.constant 0 : i32
      %dma_wait3A_243 = tpu.memref_slice %arg8[%arg0, %run_scoped3A_220, %add3A_219, %dma_wait3A] : memref<2x3x10240x128xf32, #tpu.memory_space<hbm>> -> memref<1x1x128x128xf32, #tpu.memory_space<hbm>>
      %dma_wait3A_244 = tpu.memref_squeeze %dma_wait3A_243 : memref<1x1x128x128xf32, #tpu.memory_space<hbm>> -> memref<128x128xf32, #tpu.memory_space<hbm>>
      %dma_wait3A_245 = arith.constant 0 : i32
      %dma_wait3A_246 = tpu.memref_slice %arg8[%arg0, %run_scoped3A_220, %add3A_219, %dma_wait3A_245] : memref<2x3x10240x128xf32, #tpu.memory_space<hbm>> -> memref<1x1x128x128xf32, #tpu.memory_space<hbm>>
      %dma_wait3A_247 = tpu.memref_squeeze %dma_wait3A_246 : memref<1x1x128x128xf32, #tpu.memory_space<hbm>> -> memref<128x128xf32, #tpu.memory_space<hbm>>
      tpu.wait_dma2 semaphore(%run_scoped3A_237 : memref<!tpu.dma_semaphore, #tpu.memory_space<semaphore_mem>>) src(%arg12 : memref<128x128xf32, #tpu.memory_space<vmem>>) dst(%dma_wait3A_247 : memref<128x128xf32, #tpu.memory_space<hbm>>)
      tpu.yield
    }) : () -> ()
    %mul3A_221 = arith.constant 640 : i32
    %mul3A_222 = arith.muli %arg1, %mul3A_221 : i32
    %add3A_223 = arith.constant 256 : i32
    %add3A_224 = arith.addi %mul3A_222, %add3A_223 : i32
    "tpu.region"() ({
      %run_scoped3A_237 = tpu.sem_alloc : memref<!tpu.dma_semaphore, #tpu.memory_space<semaphore_mem>>
      %dma_start3A = arith.constant 0 : i32
      %dma_start3A_238 = tpu.memref_slice %arg9[%add3A_224, %dma_start3A] : memref<10240x128xf32, #tpu.memory_space<vmem_shared>> -> memref<128x128xf32, #tpu.memory_space<vmem_shared>>
      %dma_start3A_239 = arith.constant 0 : i32
      %dma_start3A_240 = tpu.memref_slice %arg9[%add3A_224, %dma_start3A_239] : memref<10240x128xf32, #tpu.memory_space<vmem_shared>> -> memref<128x128xf32, #tpu.memory_space<vmem_shared>>
      tpu.enqueue_dma source(%dma_start3A_240 : memref<128x128xf32, #tpu.memory_space<vmem_shared>>) target(%arg12 : memref<128x128xf32, #tpu.memory_space<vmem>>) target_semaphore(%run_scoped3A_237 : memref<!tpu.dma_semaphore, #tpu.memory_space<semaphore_mem>>)
      %dma_wait3A = arith.constant 0 : i32
      %dma_wait3A_241 = tpu.memref_slice %arg9[%add3A_224, %dma_wait3A] : memref<10240x128xf32, #tpu.memory_space<vmem_shared>> -> memref<128x128xf32, #tpu.memory_space<vmem_shared>>
      %dma_wait3A_242 = arith.constant 0 : i32
      %dma_wait3A_243 = tpu.memref_slice %arg9[%add3A_224, %dma_wait3A_242] : memref<10240x128xf32, #tpu.memory_space<vmem_shared>> -> memref<128x128xf32, #tpu.memory_space<vmem_shared>>
      tpu.wait_dma2 semaphore(%run_scoped3A_237 : memref<!tpu.dma_semaphore, #tpu.memory_space<semaphore_mem>>) src(%dma_wait3A_243 : memref<128x128xf32, #tpu.memory_space<vmem_shared>>) dst(%arg12 : memref<128x128xf32, #tpu.memory_space<vmem>>)
      tpu.yield
    }) : () -> ()
    %run_scoped3A_225 = arith.constant 2 : i32
    "tpu.region"() ({
      %run_scoped3A_237 = tpu.sem_alloc : memref<!tpu.dma_semaphore, #tpu.memory_space<semaphore_mem>>
      %dma_start3A = arith.constant 0 : i32
      %dma_start3A_238 = tpu.memref_slice %arg8[%arg0, %run_scoped3A_225, %add3A_224, %dma_start3A] : memref<2x3x10240x128xf32, #tpu.memory_space<hbm>> -> memref<1x1x128x128xf32, #tpu.memory_space<hbm>>
      %dma_start3A_239 = tpu.memref_squeeze %dma_start3A_238 : memref<1x1x128x128xf32, #tpu.memory_space<hbm>> -> memref<128x128xf32, #tpu.memory_space<hbm>>
      %dma_start3A_240 = arith.constant 0 : i32
      %dma_start3A_241 = tpu.memref_slice %arg8[%arg0, %run_scoped3A_225, %add3A_224, %dma_start3A_240] : memref<2x3x10240x128xf32, #tpu.memory_space<hbm>> -> memref<1x1x128x128xf32, #tpu.memory_space<hbm>>
      %dma_start3A_242 = tpu.memref_squeeze %dma_start3A_241 : memref<1x1x128x128xf32, #tpu.memory_space<hbm>> -> memref<128x128xf32, #tpu.memory_space<hbm>>
      tpu.enqueue_dma source(%arg12 : memref<128x128xf32, #tpu.memory_space<vmem>>) target(%dma_start3A_242 : memref<128x128xf32, #tpu.memory_space<hbm>>) target_semaphore(%run_scoped3A_237 : memref<!tpu.dma_semaphore, #tpu.memory_space<semaphore_mem>>)
      %dma_wait3A = arith.constant 0 : i32
      %dma_wait3A_243 = tpu.memref_slice %arg8[%arg0, %run_scoped3A_225, %add3A_224, %dma_wait3A] : memref<2x3x10240x128xf32, #tpu.memory_space<hbm>> -> memref<1x1x128x128xf32, #tpu.memory_space<hbm>>
      %dma_wait3A_244 = tpu.memref_squeeze %dma_wait3A_243 : memref<1x1x128x128xf32, #tpu.memory_space<hbm>> -> memref<128x128xf32, #tpu.memory_space<hbm>>
      %dma_wait3A_245 = arith.constant 0 : i32
      %dma_wait3A_246 = tpu.memref_slice %arg8[%arg0, %run_scoped3A_225, %add3A_224, %dma_wait3A_245] : memref<2x3x10240x128xf32, #tpu.memory_space<hbm>> -> memref<1x1x128x128xf32, #tpu.memory_space<hbm>>
      %dma_wait3A_247 = tpu.memref_squeeze %dma_wait3A_246 : memref<1x1x128x128xf32, #tpu.memory_space<hbm>> -> memref<128x128xf32, #tpu.memory_space<hbm>>
      tpu.wait_dma2 semaphore(%run_scoped3A_237 : memref<!tpu.dma_semaphore, #tpu.memory_space<semaphore_mem>>) src(%arg12 : memref<128x128xf32, #tpu.memory_space<vmem>>) dst(%dma_wait3A_247 : memref<128x128xf32, #tpu.memory_space<hbm>>)
      tpu.yield
    }) : () -> ()
    %mul3A_226 = arith.constant 640 : i32
    %mul3A_227 = arith.muli %arg1, %mul3A_226 : i32
    %add3A_228 = arith.constant 384 : i32
    %add3A_229 = arith.addi %mul3A_227, %add3A_228 : i32
    "tpu.region"() ({
      %run_scoped3A_237 = tpu.sem_alloc : memref<!tpu.dma_semaphore, #tpu.memory_space<semaphore_mem>>
      %dma_start3A = arith.constant 0 : i32
      %dma_start3A_238 = tpu.memref_slice %arg9[%add3A_229, %dma_start3A] : memref<10240x128xf32, #tpu.memory_space<vmem_shared>> -> memref<128x128xf32, #tpu.memory_space<vmem_shared>>
      %dma_start3A_239 = arith.constant 0 : i32
      %dma_start3A_240 = tpu.memref_slice %arg9[%add3A_229, %dma_start3A_239] : memref<10240x128xf32, #tpu.memory_space<vmem_shared>> -> memref<128x128xf32, #tpu.memory_space<vmem_shared>>
      tpu.enqueue_dma source(%dma_start3A_240 : memref<128x128xf32, #tpu.memory_space<vmem_shared>>) target(%arg12 : memref<128x128xf32, #tpu.memory_space<vmem>>) target_semaphore(%run_scoped3A_237 : memref<!tpu.dma_semaphore, #tpu.memory_space<semaphore_mem>>)
      %dma_wait3A = arith.constant 0 : i32
      %dma_wait3A_241 = tpu.memref_slice %arg9[%add3A_229, %dma_wait3A] : memref<10240x128xf32, #tpu.memory_space<vmem_shared>> -> memref<128x128xf32, #tpu.memory_space<vmem_shared>>
      %dma_wait3A_242 = arith.constant 0 : i32
      %dma_wait3A_243 = tpu.memref_slice %arg9[%add3A_229, %dma_wait3A_242] : memref<10240x128xf32, #tpu.memory_space<vmem_shared>> -> memref<128x128xf32, #tpu.memory_space<vmem_shared>>
      tpu.wait_dma2 semaphore(%run_scoped3A_237 : memref<!tpu.dma_semaphore, #tpu.memory_space<semaphore_mem>>) src(%dma_wait3A_243 : memref<128x128xf32, #tpu.memory_space<vmem_shared>>) dst(%arg12 : memref<128x128xf32, #tpu.memory_space<vmem>>)
      tpu.yield
    }) : () -> ()
    %run_scoped3A_230 = arith.constant 2 : i32
    "tpu.region"() ({
      %run_scoped3A_237 = tpu.sem_alloc : memref<!tpu.dma_semaphore, #tpu.memory_space<semaphore_mem>>
      %dma_start3A = arith.constant 0 : i32
      %dma_start3A_238 = tpu.memref_slice %arg8[%arg0, %run_scoped3A_230, %add3A_229, %dma_start3A] : memref<2x3x10240x128xf32, #tpu.memory_space<hbm>> -> memref<1x1x128x128xf32, #tpu.memory_space<hbm>>
      %dma_start3A_239 = tpu.memref_squeeze %dma_start3A_238 : memref<1x1x128x128xf32, #tpu.memory_space<hbm>> -> memref<128x128xf32, #tpu.memory_space<hbm>>
      %dma_start3A_240 = arith.constant 0 : i32
      %dma_start3A_241 = tpu.memref_slice %arg8[%arg0, %run_scoped3A_230, %add3A_229, %dma_start3A_240] : memref<2x3x10240x128xf32, #tpu.memory_space<hbm>> -> memref<1x1x128x128xf32, #tpu.memory_space<hbm>>
      %dma_start3A_242 = tpu.memref_squeeze %dma_start3A_241 : memref<1x1x128x128xf32, #tpu.memory_space<hbm>> -> memref<128x128xf32, #tpu.memory_space<hbm>>
      tpu.enqueue_dma source(%arg12 : memref<128x128xf32, #tpu.memory_space<vmem>>) target(%dma_start3A_242 : memref<128x128xf32, #tpu.memory_space<hbm>>) target_semaphore(%run_scoped3A_237 : memref<!tpu.dma_semaphore, #tpu.memory_space<semaphore_mem>>)
      %dma_wait3A = arith.constant 0 : i32
      %dma_wait3A_243 = tpu.memref_slice %arg8[%arg0, %run_scoped3A_230, %add3A_229, %dma_wait3A] : memref<2x3x10240x128xf32, #tpu.memory_space<hbm>> -> memref<1x1x128x128xf32, #tpu.memory_space<hbm>>
      %dma_wait3A_244 = tpu.memref_squeeze %dma_wait3A_243 : memref<1x1x128x128xf32, #tpu.memory_space<hbm>> -> memref<128x128xf32, #tpu.memory_space<hbm>>
      %dma_wait3A_245 = arith.constant 0 : i32
      %dma_wait3A_246 = tpu.memref_slice %arg8[%arg0, %run_scoped3A_230, %add3A_229, %dma_wait3A_245] : memref<2x3x10240x128xf32, #tpu.memory_space<hbm>> -> memref<1x1x128x128xf32, #tpu.memory_space<hbm>>
      %dma_wait3A_247 = tpu.memref_squeeze %dma_wait3A_246 : memref<1x1x128x128xf32, #tpu.memory_space<hbm>> -> memref<128x128xf32, #tpu.memory_space<hbm>>
      tpu.wait_dma2 semaphore(%run_scoped3A_237 : memref<!tpu.dma_semaphore, #tpu.memory_space<semaphore_mem>>) src(%arg12 : memref<128x128xf32, #tpu.memory_space<vmem>>) dst(%dma_wait3A_247 : memref<128x128xf32, #tpu.memory_space<hbm>>)
      tpu.yield
    }) : () -> ()
    %mul3A_231 = arith.constant 640 : i32
    %mul3A_232 = arith.muli %arg1, %mul3A_231 : i32
    %add3A_233 = arith.constant 512 : i32
    %add3A_234 = arith.addi %mul3A_232, %add3A_233 : i32
    "tpu.region"() ({
      %run_scoped3A_237 = tpu.sem_alloc : memref<!tpu.dma_semaphore, #tpu.memory_space<semaphore_mem>>
      %dma_start3A = arith.constant 0 : i32
      %dma_start3A_238 = tpu.memref_slice %arg9[%add3A_234, %dma_start3A] : memref<10240x128xf32, #tpu.memory_space<vmem_shared>> -> memref<128x128xf32, #tpu.memory_space<vmem_shared>>
      %dma_start3A_239 = arith.constant 0 : i32
      %dma_start3A_240 = tpu.memref_slice %arg9[%add3A_234, %dma_start3A_239] : memref<10240x128xf32, #tpu.memory_space<vmem_shared>> -> memref<128x128xf32, #tpu.memory_space<vmem_shared>>
      tpu.enqueue_dma source(%dma_start3A_240 : memref<128x128xf32, #tpu.memory_space<vmem_shared>>) target(%arg12 : memref<128x128xf32, #tpu.memory_space<vmem>>) target_semaphore(%run_scoped3A_237 : memref<!tpu.dma_semaphore, #tpu.memory_space<semaphore_mem>>)
      %dma_wait3A = arith.constant 0 : i32
      %dma_wait3A_241 = tpu.memref_slice %arg9[%add3A_234, %dma_wait3A] : memref<10240x128xf32, #tpu.memory_space<vmem_shared>> -> memref<128x128xf32, #tpu.memory_space<vmem_shared>>
      %dma_wait3A_242 = arith.constant 0 : i32
      %dma_wait3A_243 = tpu.memref_slice %arg9[%add3A_234, %dma_wait3A_242] : memref<10240x128xf32, #tpu.memory_space<vmem_shared>> -> memref<128x128xf32, #tpu.memory_space<vmem_shared>>
      tpu.wait_dma2 semaphore(%run_scoped3A_237 : memref<!tpu.dma_semaphore, #tpu.memory_space<semaphore_mem>>) src(%dma_wait3A_243 : memref<128x128xf32, #tpu.memory_space<vmem_shared>>) dst(%arg12 : memref<128x128xf32, #tpu.memory_space<vmem>>)
      tpu.yield
    }) : () -> ()
    %run_scoped3A_235 = arith.constant 2 : i32
    "tpu.region"() ({
      %run_scoped3A_237 = tpu.sem_alloc : memref<!tpu.dma_semaphore, #tpu.memory_space<semaphore_mem>>
      %dma_start3A = arith.constant 0 : i32
      %dma_start3A_238 = tpu.memref_slice %arg8[%arg0, %run_scoped3A_235, %add3A_234, %dma_start3A] : memref<2x3x10240x128xf32, #tpu.memory_space<hbm>> -> memref<1x1x128x128xf32, #tpu.memory_space<hbm>>
      %dma_start3A_239 = tpu.memref_squeeze %dma_start3A_238 : memref<1x1x128x128xf32, #tpu.memory_space<hbm>> -> memref<128x128xf32, #tpu.memory_space<hbm>>
      %dma_start3A_240 = arith.constant 0 : i32
      %dma_start3A_241 = tpu.memref_slice %arg8[%arg0, %run_scoped3A_235, %add3A_234, %dma_start3A_240] : memref<2x3x10240x128xf32, #tpu.memory_space<hbm>> -> memref<1x1x128x128xf32, #tpu.memory_space<hbm>>
      %dma_start3A_242 = tpu.memref_squeeze %dma_start3A_241 : memref<1x1x128x128xf32, #tpu.memory_space<hbm>> -> memref<128x128xf32, #tpu.memory_space<hbm>>
      tpu.enqueue_dma source(%arg12 : memref<128x128xf32, #tpu.memory_space<vmem>>) target(%dma_start3A_242 : memref<128x128xf32, #tpu.memory_space<hbm>>) target_semaphore(%run_scoped3A_237 : memref<!tpu.dma_semaphore, #tpu.memory_space<semaphore_mem>>)
      %dma_wait3A = arith.constant 0 : i32
      %dma_wait3A_243 = tpu.memref_slice %arg8[%arg0, %run_scoped3A_235, %add3A_234, %dma_wait3A] : memref<2x3x10240x128xf32, #tpu.memory_space<hbm>> -> memref<1x1x128x128xf32, #tpu.memory_space<hbm>>
      %dma_wait3A_244 = tpu.memref_squeeze %dma_wait3A_243 : memref<1x1x128x128xf32, #tpu.memory_space<hbm>> -> memref<128x128xf32, #tpu.memory_space<hbm>>
      %dma_wait3A_245 = arith.constant 0 : i32
      %dma_wait3A_246 = tpu.memref_slice %arg8[%arg0, %run_scoped3A_235, %add3A_234, %dma_wait3A_245] : memref<2x3x10240x128xf32, #tpu.memory_space<hbm>> -> memref<1x1x128x128xf32, #tpu.memory_space<hbm>>
      %dma_wait3A_247 = tpu.memref_squeeze %dma_wait3A_246 : memref<1x1x128x128xf32, #tpu.memory_space<hbm>> -> memref<128x128xf32, #tpu.memory_space<hbm>>
      tpu.wait_dma2 semaphore(%run_scoped3A_237 : memref<!tpu.dma_semaphore, #tpu.memory_space<semaphore_mem>>) src(%arg12 : memref<128x128xf32, #tpu.memory_space<vmem>>) dst(%dma_wait3A_247 : memref<128x128xf32, #tpu.memory_space<hbm>>)
      tpu.yield
    }) : () -> ()
    %barrier3A_236 = arith.constant 0 : index
    tpu.barrier barrier_id(%barrier3A_236)
    return
  }
}

module attributes {stable_mosaic.version = 14 : i64} {
  func.func @body(%arg0: i32, %arg1: memref<400x1xi32, #tpu.memory_space<vmem>>, %arg2: memref<2x400x128xf32, #tpu.memory_space<vmem>>, %arg3: memref<2x3x400x128xf32, #tpu.memory_space<vmem>>, %arg4: memref<4x128x128xf32, #tpu.memory_space<vmem>>, %arg5: memref<4x128x128xf32, #tpu.memory_space<vmem>>, %arg6: memref<400x128xf32, #tpu.memory_space<vmem>>, %arg7: memref<3x400x128xf32, #tpu.memory_space<vmem>>) attributes {dimension_semantics = [#tpu.dimension_semantics<arbitrary>], iteration_bounds = array<i64: 25>, scalar_prefetch = 0 : i64, scratch_operands = 0 : i64, tpu.core_type = #tpu.core_type<tc>, window_params = [{transform_indices = @transform_0, window_bounds = array<i64: 400, 1>}, {transform_indices = @transform_1, window_bounds = array<i64: 2, 400, 128>}, {transform_indices = @transform_2, window_bounds = array<i64: 2, 3, 400, 128>}, {pipeline_mode = #tpu.pipeline_mode<synchronous>, transform_indices = @transform_3, window_bounds = array<i64: 4, 128, 128>}, {pipeline_mode = #tpu.pipeline_mode<synchronous>, transform_indices = @transform_4, window_bounds = array<i64: 4, 128, 128>}, {transform_indices = @transform_5, window_bounds = array<i64: 400, 128>}, {transform_indices = @transform_6, window_bounds = array<i64: 3, 400, 128>}]} {
    %get3A = arith.constant 0 : index
    %get3A_0 = arith.constant 0 : index
    %get3A_1 = vector.load %arg1[%get3A, %get3A_0] : memref<400x1xi32, #tpu.memory_space<vmem>>, vector<400x1xi32>
    %eq3A = arith.constant 0 : i32
    %eq3A_2 = vector.broadcast %eq3A : i32 to vector<400x1xi32>
    %eq3A_3 = arith.cmpi eq, %get3A_1, %eq3A_2 : vector<400x1xi32>
    %convert_element_type3A = arith.extui %eq3A_3 : vector<400x1xi1> to vector<400x1xi32>
    %convert_element_type3A_4 = arith.sitofp %convert_element_type3A : vector<400x1xi32> to vector<400x1xf32>
    %eq3A_5 = arith.constant 1 : i32
    %eq3A_6 = vector.broadcast %eq3A_5 : i32 to vector<400x1xi32>
    %eq3A_7 = arith.cmpi eq, %get3A_1, %eq3A_6 : vector<400x1xi32>
    %convert_element_type3A_8 = arith.extui %eq3A_7 : vector<400x1xi1> to vector<400x1xi32>
    %convert_element_type3A_9 = arith.sitofp %convert_element_type3A_8 : vector<400x1xi32> to vector<400x1xf32>
    %eq3A_10 = arith.constant 2 : i32
    %eq3A_11 = vector.broadcast %eq3A_10 : i32 to vector<400x1xi32>
    %eq3A_12 = arith.cmpi eq, %get3A_1, %eq3A_11 : vector<400x1xi32>
    %convert_element_type3A_13 = arith.extui %eq3A_12 : vector<400x1xi1> to vector<400x1xi32>
    %convert_element_type3A_14 = arith.sitofp %convert_element_type3A_13 : vector<400x1xi32> to vector<400x1xf32>
    %eq3A_15 = arith.constant 3 : i32
    %eq3A_16 = vector.broadcast %eq3A_15 : i32 to vector<400x1xi32>
    %eq3A_17 = arith.cmpi eq, %get3A_1, %eq3A_16 : vector<400x1xi32>
    %convert_element_type3A_18 = arith.extui %eq3A_17 : vector<400x1xi1> to vector<400x1xi32>
    %convert_element_type3A_19 = arith.sitofp %convert_element_type3A_18 : vector<400x1xi32> to vector<400x1xf32>
    %get3A_20 = arith.constant 0 : index
    %get3A_21 = arith.constant 0 : index
    %get3A_22 = arith.constant 0 : index
    %get3A_23 = vector.load %arg2[%get3A_20, %get3A_21, %get3A_22] : memref<2x400x128xf32, #tpu.memory_space<vmem>>, vector<1x400x128xf32>
    %get3A_24 = vector.shape_cast %get3A_23 : vector<1x400x128xf32> to vector<400x128xf32>
    %get3A_25 = arith.constant 1 : index
    %get3A_26 = arith.constant 0 : index
    %get3A_27 = arith.constant 0 : index
    %get3A_28 = vector.load %arg2[%get3A_25, %get3A_26, %get3A_27] : memref<2x400x128xf32, #tpu.memory_space<vmem>>, vector<1x400x128xf32>
    %get3A_29 = vector.shape_cast %get3A_28 : vector<1x400x128xf32> to vector<400x128xf32>
    %add3A = arith.addf %get3A_24, %get3A_29 : vector<400x128xf32>
    %broadcast_in_dim3A = arith.constant 0.000000e+00 : f32
    %broadcast_in_dim3A_30 = vector.broadcast %broadcast_in_dim3A : f32 to vector<400x128xf32>
    %mul3A = vector.broadcast %convert_element_type3A_4 : vector<400x1xf32> to vector<400x128xf32>
    %mul3A_31 = arith.mulf %add3A, %mul3A : vector<400x128xf32>
    %get3A_32 = arith.constant 0 : index
    %get3A_33 = arith.constant 0 : index
    %get3A_34 = arith.constant 0 : index
    %get3A_35 = vector.load %arg4[%get3A_32, %get3A_33, %get3A_34] : memref<4x128x128xf32, #tpu.memory_space<vmem>>, vector<1x128x128xf32>
    %get3A_36 = vector.shape_cast %get3A_35 : vector<1x128x128xf32> to vector<128x128xf32>
    %dot_general3A = arith.constant dense<0.000000e+00> : vector<400x128xf32>
    %dot_general3A_37 = tpu.matmul %mul3A_31, %get3A_36, %dot_general3A {dimension_numbers = #tpu.dot_dimension_numbers<[1], [0], [0], [1], [0, 0, 1, 1], [], []>, transpose_lhs_hint = false} : vector<400x128xf32>, vector<128x128xf32>, vector<400x128xf32> -> vector<400x128xf32>
    %add3A_38 = arith.addf %broadcast_in_dim3A_30, %dot_general3A_37 : vector<400x128xf32>
    %mul3A_39 = vector.broadcast %convert_element_type3A_9 : vector<400x1xf32> to vector<400x128xf32>
    %mul3A_40 = arith.mulf %add3A, %mul3A_39 : vector<400x128xf32>
    %get3A_41 = arith.constant 1 : index
    %get3A_42 = arith.constant 0 : index
    %get3A_43 = arith.constant 0 : index
    %get3A_44 = vector.load %arg4[%get3A_41, %get3A_42, %get3A_43] : memref<4x128x128xf32, #tpu.memory_space<vmem>>, vector<1x128x128xf32>
    %get3A_45 = vector.shape_cast %get3A_44 : vector<1x128x128xf32> to vector<128x128xf32>
    %dot_general3A_46 = arith.constant dense<0.000000e+00> : vector<400x128xf32>
    %dot_general3A_47 = tpu.matmul %mul3A_40, %get3A_45, %dot_general3A_46 {dimension_numbers = #tpu.dot_dimension_numbers<[1], [0], [0], [1], [0, 0, 1, 1], [], []>, transpose_lhs_hint = false} : vector<400x128xf32>, vector<128x128xf32>, vector<400x128xf32> -> vector<400x128xf32>
    %add3A_48 = arith.addf %add3A_38, %dot_general3A_47 : vector<400x128xf32>
    %mul3A_49 = vector.broadcast %convert_element_type3A_14 : vector<400x1xf32> to vector<400x128xf32>
    %mul3A_50 = arith.mulf %add3A, %mul3A_49 : vector<400x128xf32>
    %get3A_51 = arith.constant 2 : index
    %get3A_52 = arith.constant 0 : index
    %get3A_53 = arith.constant 0 : index
    %get3A_54 = vector.load %arg4[%get3A_51, %get3A_52, %get3A_53] : memref<4x128x128xf32, #tpu.memory_space<vmem>>, vector<1x128x128xf32>
    %get3A_55 = vector.shape_cast %get3A_54 : vector<1x128x128xf32> to vector<128x128xf32>
    %dot_general3A_56 = arith.constant dense<0.000000e+00> : vector<400x128xf32>
    %dot_general3A_57 = tpu.matmul %mul3A_50, %get3A_55, %dot_general3A_56 {dimension_numbers = #tpu.dot_dimension_numbers<[1], [0], [0], [1], [0, 0, 1, 1], [], []>, transpose_lhs_hint = false} : vector<400x128xf32>, vector<128x128xf32>, vector<400x128xf32> -> vector<400x128xf32>
    %add3A_58 = arith.addf %add3A_48, %dot_general3A_57 : vector<400x128xf32>
    %mul3A_59 = vector.broadcast %convert_element_type3A_19 : vector<400x1xf32> to vector<400x128xf32>
    %mul3A_60 = arith.mulf %add3A, %mul3A_59 : vector<400x128xf32>
    %get3A_61 = arith.constant 3 : index
    %get3A_62 = arith.constant 0 : index
    %get3A_63 = arith.constant 0 : index
    %get3A_64 = vector.load %arg4[%get3A_61, %get3A_62, %get3A_63] : memref<4x128x128xf32, #tpu.memory_space<vmem>>, vector<1x128x128xf32>
    %get3A_65 = vector.shape_cast %get3A_64 : vector<1x128x128xf32> to vector<128x128xf32>
    %dot_general3A_66 = arith.constant dense<0.000000e+00> : vector<400x128xf32>
    %dot_general3A_67 = tpu.matmul %mul3A_60, %get3A_65, %dot_general3A_66 {dimension_numbers = #tpu.dot_dimension_numbers<[1], [0], [0], [1], [0, 0, 1, 1], [], []>, transpose_lhs_hint = false} : vector<400x128xf32>, vector<128x128xf32>, vector<400x128xf32> -> vector<400x128xf32>
    %add3A_68 = arith.addf %add3A_58, %dot_general3A_67 : vector<400x128xf32>
    %swap3A = arith.constant 0 : index
    %swap3A_69 = arith.constant 0 : index
    %swap3A_70 = vector.load %arg6[%swap3A, %swap3A_69] : memref<400x128xf32, #tpu.memory_space<vmem>>, vector<400x128xf32>
    tpu.vector_store %arg6[%swap3A, %swap3A_69], %add3A_68 {strides = array<i32>} : memref<400x128xf32, #tpu.memory_space<vmem>>, vector<400x128xf32>,
    %get3A_71 = arith.constant 0 : index
    %get3A_72 = arith.constant 0 : index
    %get3A_73 = arith.constant 0 : index
    %get3A_74 = arith.constant 0 : index
    %get3A_75 = vector.load %arg3[%get3A_71, %get3A_72, %get3A_73, %get3A_74] : memref<2x3x400x128xf32, #tpu.memory_space<vmem>>, vector<1x1x400x128xf32>
    %get3A_76 = vector.shape_cast %get3A_75 : vector<1x1x400x128xf32> to vector<400x128xf32>
    %get3A_77 = arith.constant 1 : index
    %get3A_78 = arith.constant 0 : index
    %get3A_79 = arith.constant 0 : index
    %get3A_80 = arith.constant 0 : index
    %get3A_81 = vector.load %arg3[%get3A_77, %get3A_78, %get3A_79, %get3A_80] : memref<2x3x400x128xf32, #tpu.memory_space<vmem>>, vector<1x1x400x128xf32>
    %get3A_82 = vector.shape_cast %get3A_81 : vector<1x1x400x128xf32> to vector<400x128xf32>
    %add3A_83 = arith.addf %get3A_76, %get3A_82 : vector<400x128xf32>
    %broadcast_in_dim3A_84 = arith.constant 0.000000e+00 : f32
    %broadcast_in_dim3A_85 = vector.broadcast %broadcast_in_dim3A_84 : f32 to vector<400x128xf32>
    %mul3A_86 = vector.broadcast %convert_element_type3A_4 : vector<400x1xf32> to vector<400x128xf32>
    %mul3A_87 = arith.mulf %add3A_83, %mul3A_86 : vector<400x128xf32>
    %get3A_88 = arith.constant 0 : index
    %get3A_89 = arith.constant 0 : index
    %get3A_90 = arith.constant 0 : index
    %get3A_91 = vector.load %arg5[%get3A_88, %get3A_89, %get3A_90] : memref<4x128x128xf32, #tpu.memory_space<vmem>>, vector<1x128x128xf32>
    %get3A_92 = vector.shape_cast %get3A_91 : vector<1x128x128xf32> to vector<128x128xf32>
    %dot_general3A_93 = arith.constant dense<0.000000e+00> : vector<400x128xf32>
    %dot_general3A_94 = tpu.matmul %mul3A_87, %get3A_92, %dot_general3A_93 {dimension_numbers = #tpu.dot_dimension_numbers<[1], [0], [0], [1], [0, 0, 1, 1], [], []>, transpose_lhs_hint = false} : vector<400x128xf32>, vector<128x128xf32>, vector<400x128xf32> -> vector<400x128xf32>
    %add3A_95 = arith.addf %broadcast_in_dim3A_85, %dot_general3A_94 : vector<400x128xf32>
    %mul3A_96 = vector.broadcast %convert_element_type3A_9 : vector<400x1xf32> to vector<400x128xf32>
    %mul3A_97 = arith.mulf %add3A_83, %mul3A_96 : vector<400x128xf32>
    %get3A_98 = arith.constant 1 : index
    %get3A_99 = arith.constant 0 : index
    %get3A_100 = arith.constant 0 : index
    %get3A_101 = vector.load %arg5[%get3A_98, %get3A_99, %get3A_100] : memref<4x128x128xf32, #tpu.memory_space<vmem>>, vector<1x128x128xf32>
    %get3A_102 = vector.shape_cast %get3A_101 : vector<1x128x128xf32> to vector<128x128xf32>
    %dot_general3A_103 = arith.constant dense<0.000000e+00> : vector<400x128xf32>
    %dot_general3A_104 = tpu.matmul %mul3A_97, %get3A_102, %dot_general3A_103 {dimension_numbers = #tpu.dot_dimension_numbers<[1], [0], [0], [1], [0, 0, 1, 1], [], []>, transpose_lhs_hint = false} : vector<400x128xf32>, vector<128x128xf32>, vector<400x128xf32> -> vector<400x128xf32>
    %add3A_105 = arith.addf %add3A_95, %dot_general3A_104 : vector<400x128xf32>
    %mul3A_106 = vector.broadcast %convert_element_type3A_14 : vector<400x1xf32> to vector<400x128xf32>
    %mul3A_107 = arith.mulf %add3A_83, %mul3A_106 : vector<400x128xf32>
    %get3A_108 = arith.constant 2 : index
    %get3A_109 = arith.constant 0 : index
    %get3A_110 = arith.constant 0 : index
    %get3A_111 = vector.load %arg5[%get3A_108, %get3A_109, %get3A_110] : memref<4x128x128xf32, #tpu.memory_space<vmem>>, vector<1x128x128xf32>
    %get3A_112 = vector.shape_cast %get3A_111 : vector<1x128x128xf32> to vector<128x128xf32>
    %dot_general3A_113 = arith.constant dense<0.000000e+00> : vector<400x128xf32>
    %dot_general3A_114 = tpu.matmul %mul3A_107, %get3A_112, %dot_general3A_113 {dimension_numbers = #tpu.dot_dimension_numbers<[1], [0], [0], [1], [0, 0, 1, 1], [], []>, transpose_lhs_hint = false} : vector<400x128xf32>, vector<128x128xf32>, vector<400x128xf32> -> vector<400x128xf32>
    %add3A_115 = arith.addf %add3A_105, %dot_general3A_114 : vector<400x128xf32>
    %mul3A_116 = vector.broadcast %convert_element_type3A_19 : vector<400x1xf32> to vector<400x128xf32>
    %mul3A_117 = arith.mulf %add3A_83, %mul3A_116 : vector<400x128xf32>
    %get3A_118 = arith.constant 3 : index
    %get3A_119 = arith.constant 0 : index
    %get3A_120 = arith.constant 0 : index
    %get3A_121 = vector.load %arg5[%get3A_118, %get3A_119, %get3A_120] : memref<4x128x128xf32, #tpu.memory_space<vmem>>, vector<1x128x128xf32>
    %get3A_122 = vector.shape_cast %get3A_121 : vector<1x128x128xf32> to vector<128x128xf32>
    %dot_general3A_123 = arith.constant dense<0.000000e+00> : vector<400x128xf32>
    %dot_general3A_124 = tpu.matmul %mul3A_117, %get3A_122, %dot_general3A_123 {dimension_numbers = #tpu.dot_dimension_numbers<[1], [0], [0], [1], [0, 0, 1, 1], [], []>, transpose_lhs_hint = false} : vector<400x128xf32>, vector<128x128xf32>, vector<400x128xf32> -> vector<400x128xf32>
    %add3A_125 = arith.addf %add3A_115, %dot_general3A_124 : vector<400x128xf32>
    %swap3A_126 = arith.constant 0 : index
    %swap3A_127 = arith.constant 0 : index
    %swap3A_128 = arith.constant 0 : index
    %swap3A_129 = vector.load %arg7[%swap3A_126, %swap3A_127, %swap3A_128] : memref<3x400x128xf32, #tpu.memory_space<vmem>>, vector<1x400x128xf32>
    %swap3A_130 = vector.shape_cast %swap3A_129 : vector<1x400x128xf32> to vector<400x128xf32>
    %swap3A_131 = vector.shape_cast %add3A_125 : vector<400x128xf32> to vector<1x400x128xf32>
    tpu.vector_store %arg7[%swap3A_126, %swap3A_127, %swap3A_128], %swap3A_131 {strides = array<i32>} : memref<3x400x128xf32, #tpu.memory_space<vmem>>, vector<1x400x128xf32>,
    %get3A_132 = arith.constant 0 : index
    %get3A_133 = arith.constant 1 : index
    %get3A_134 = arith.constant 0 : index
    %get3A_135 = arith.constant 0 : index
    %get3A_136 = vector.load %arg3[%get3A_132, %get3A_133, %get3A_134, %get3A_135] : memref<2x3x400x128xf32, #tpu.memory_space<vmem>>, vector<1x1x400x128xf32>
    %get3A_137 = vector.shape_cast %get3A_136 : vector<1x1x400x128xf32> to vector<400x128xf32>
    %get3A_138 = arith.constant 1 : index
    %get3A_139 = arith.constant 1 : index
    %get3A_140 = arith.constant 0 : index
    %get3A_141 = arith.constant 0 : index
    %get3A_142 = vector.load %arg3[%get3A_138, %get3A_139, %get3A_140, %get3A_141] : memref<2x3x400x128xf32, #tpu.memory_space<vmem>>, vector<1x1x400x128xf32>
    %get3A_143 = vector.shape_cast %get3A_142 : vector<1x1x400x128xf32> to vector<400x128xf32>
    %add3A_144 = arith.addf %get3A_137, %get3A_143 : vector<400x128xf32>
    %broadcast_in_dim3A_145 = arith.constant 0.000000e+00 : f32
    %broadcast_in_dim3A_146 = vector.broadcast %broadcast_in_dim3A_145 : f32 to vector<400x128xf32>
    %mul3A_147 = vector.broadcast %convert_element_type3A_4 : vector<400x1xf32> to vector<400x128xf32>
    %mul3A_148 = arith.mulf %add3A_144, %mul3A_147 : vector<400x128xf32>
    %get3A_149 = arith.constant 0 : index
    %get3A_150 = arith.constant 0 : index
    %get3A_151 = arith.constant 0 : index
    %get3A_152 = vector.load %arg5[%get3A_149, %get3A_150, %get3A_151] : memref<4x128x128xf32, #tpu.memory_space<vmem>>, vector<1x128x128xf32>
    %get3A_153 = vector.shape_cast %get3A_152 : vector<1x128x128xf32> to vector<128x128xf32>
    %dot_general3A_154 = arith.constant dense<0.000000e+00> : vector<400x128xf32>
    %dot_general3A_155 = tpu.matmul %mul3A_148, %get3A_153, %dot_general3A_154 {dimension_numbers = #tpu.dot_dimension_numbers<[1], [0], [0], [1], [0, 0, 1, 1], [], []>, transpose_lhs_hint = false} : vector<400x128xf32>, vector<128x128xf32>, vector<400x128xf32> -> vector<400x128xf32>
    %add3A_156 = arith.addf %broadcast_in_dim3A_146, %dot_general3A_155 : vector<400x128xf32>
    %mul3A_157 = vector.broadcast %convert_element_type3A_9 : vector<400x1xf32> to vector<400x128xf32>
    %mul3A_158 = arith.mulf %add3A_144, %mul3A_157 : vector<400x128xf32>
    %get3A_159 = arith.constant 1 : index
    %get3A_160 = arith.constant 0 : index
    %get3A_161 = arith.constant 0 : index
    %get3A_162 = vector.load %arg5[%get3A_159, %get3A_160, %get3A_161] : memref<4x128x128xf32, #tpu.memory_space<vmem>>, vector<1x128x128xf32>
    %get3A_163 = vector.shape_cast %get3A_162 : vector<1x128x128xf32> to vector<128x128xf32>
    %dot_general3A_164 = arith.constant dense<0.000000e+00> : vector<400x128xf32>
    %dot_general3A_165 = tpu.matmul %mul3A_158, %get3A_163, %dot_general3A_164 {dimension_numbers = #tpu.dot_dimension_numbers<[1], [0], [0], [1], [0, 0, 1, 1], [], []>, transpose_lhs_hint = false} : vector<400x128xf32>, vector<128x128xf32>, vector<400x128xf32> -> vector<400x128xf32>
    %add3A_166 = arith.addf %add3A_156, %dot_general3A_165 : vector<400x128xf32>
    %mul3A_167 = vector.broadcast %convert_element_type3A_14 : vector<400x1xf32> to vector<400x128xf32>
    %mul3A_168 = arith.mulf %add3A_144, %mul3A_167 : vector<400x128xf32>
    %get3A_169 = arith.constant 2 : index
    %get3A_170 = arith.constant 0 : index
    %get3A_171 = arith.constant 0 : index
    %get3A_172 = vector.load %arg5[%get3A_169, %get3A_170, %get3A_171] : memref<4x128x128xf32, #tpu.memory_space<vmem>>, vector<1x128x128xf32>
    %get3A_173 = vector.shape_cast %get3A_172 : vector<1x128x128xf32> to vector<128x128xf32>
    %dot_general3A_174 = arith.constant dense<0.000000e+00> : vector<400x128xf32>
    %dot_general3A_175 = tpu.matmul %mul3A_168, %get3A_173, %dot_general3A_174 {dimension_numbers = #tpu.dot_dimension_numbers<[1], [0], [0], [1], [0, 0, 1, 1], [], []>, transpose_lhs_hint = false} : vector<400x128xf32>, vector<128x128xf32>, vector<400x128xf32> -> vector<400x128xf32>
    %add3A_176 = arith.addf %add3A_166, %dot_general3A_175 : vector<400x128xf32>
    %mul3A_177 = vector.broadcast %convert_element_type3A_19 : vector<400x1xf32> to vector<400x128xf32>
    %mul3A_178 = arith.mulf %add3A_144, %mul3A_177 : vector<400x128xf32>
    %get3A_179 = arith.constant 3 : index
    %get3A_180 = arith.constant 0 : index
    %get3A_181 = arith.constant 0 : index
    %get3A_182 = vector.load %arg5[%get3A_179, %get3A_180, %get3A_181] : memref<4x128x128xf32, #tpu.memory_space<vmem>>, vector<1x128x128xf32>
    %get3A_183 = vector.shape_cast %get3A_182 : vector<1x128x128xf32> to vector<128x128xf32>
    %dot_general3A_184 = arith.constant dense<0.000000e+00> : vector<400x128xf32>
    %dot_general3A_185 = tpu.matmul %mul3A_178, %get3A_183, %dot_general3A_184 {dimension_numbers = #tpu.dot_dimension_numbers<[1], [0], [0], [1], [0, 0, 1, 1], [], []>, transpose_lhs_hint = false} : vector<400x128xf32>, vector<128x128xf32>, vector<400x128xf32> -> vector<400x128xf32>
    %add3A_186 = arith.addf %add3A_176, %dot_general3A_185 : vector<400x128xf32>
    %swap3A_187 = arith.constant 1 : index
    %swap3A_188 = arith.constant 0 : index
    %swap3A_189 = arith.constant 0 : index
    %swap3A_190 = vector.load %arg7[%swap3A_187, %swap3A_188, %swap3A_189] : memref<3x400x128xf32, #tpu.memory_space<vmem>>, vector<1x400x128xf32>
    %swap3A_191 = vector.shape_cast %swap3A_190 : vector<1x400x128xf32> to vector<400x128xf32>
    %swap3A_192 = vector.shape_cast %add3A_186 : vector<400x128xf32> to vector<1x400x128xf32>
    tpu.vector_store %arg7[%swap3A_187, %swap3A_188, %swap3A_189], %swap3A_192 {strides = array<i32>} : memref<3x400x128xf32, #tpu.memory_space<vmem>>, vector<1x400x128xf32>,
    %get3A_193 = arith.constant 0 : index
    %get3A_194 = arith.constant 2 : index
    %get3A_195 = arith.constant 0 : index
    %get3A_196 = arith.constant 0 : index
    %get3A_197 = vector.load %arg3[%get3A_193, %get3A_194, %get3A_195, %get3A_196] : memref<2x3x400x128xf32, #tpu.memory_space<vmem>>, vector<1x1x400x128xf32>
    %get3A_198 = vector.shape_cast %get3A_197 : vector<1x1x400x128xf32> to vector<400x128xf32>
    %get3A_199 = arith.constant 1 : index
    %get3A_200 = arith.constant 2 : index
    %get3A_201 = arith.constant 0 : index
    %get3A_202 = arith.constant 0 : index
    %get3A_203 = vector.load %arg3[%get3A_199, %get3A_200, %get3A_201, %get3A_202] : memref<2x3x400x128xf32, #tpu.memory_space<vmem>>, vector<1x1x400x128xf32>
    %get3A_204 = vector.shape_cast %get3A_203 : vector<1x1x400x128xf32> to vector<400x128xf32>
    %add3A_205 = arith.addf %get3A_198, %get3A_204 : vector<400x128xf32>
    %broadcast_in_dim3A_206 = arith.constant 0.000000e+00 : f32
    %broadcast_in_dim3A_207 = vector.broadcast %broadcast_in_dim3A_206 : f32 to vector<400x128xf32>
    %mul3A_208 = vector.broadcast %convert_element_type3A_4 : vector<400x1xf32> to vector<400x128xf32>
    %mul3A_209 = arith.mulf %add3A_205, %mul3A_208 : vector<400x128xf32>
    %get3A_210 = arith.constant 0 : index
    %get3A_211 = arith.constant 0 : index
    %get3A_212 = arith.constant 0 : index
    %get3A_213 = vector.load %arg5[%get3A_210, %get3A_211, %get3A_212] : memref<4x128x128xf32, #tpu.memory_space<vmem>>, vector<1x128x128xf32>
    %get3A_214 = vector.shape_cast %get3A_213 : vector<1x128x128xf32> to vector<128x128xf32>
    %dot_general3A_215 = arith.constant dense<0.000000e+00> : vector<400x128xf32>
    %dot_general3A_216 = tpu.matmul %mul3A_209, %get3A_214, %dot_general3A_215 {dimension_numbers = #tpu.dot_dimension_numbers<[1], [0], [0], [1], [0, 0, 1, 1], [], []>, transpose_lhs_hint = false} : vector<400x128xf32>, vector<128x128xf32>, vector<400x128xf32> -> vector<400x128xf32>
    %add3A_217 = arith.addf %broadcast_in_dim3A_207, %dot_general3A_216 : vector<400x128xf32>
    %mul3A_218 = vector.broadcast %convert_element_type3A_9 : vector<400x1xf32> to vector<400x128xf32>
    %mul3A_219 = arith.mulf %add3A_205, %mul3A_218 : vector<400x128xf32>
    %get3A_220 = arith.constant 1 : index
    %get3A_221 = arith.constant 0 : index
    %get3A_222 = arith.constant 0 : index
    %get3A_223 = vector.load %arg5[%get3A_220, %get3A_221, %get3A_222] : memref<4x128x128xf32, #tpu.memory_space<vmem>>, vector<1x128x128xf32>
    %get3A_224 = vector.shape_cast %get3A_223 : vector<1x128x128xf32> to vector<128x128xf32>
    %dot_general3A_225 = arith.constant dense<0.000000e+00> : vector<400x128xf32>
    %dot_general3A_226 = tpu.matmul %mul3A_219, %get3A_224, %dot_general3A_225 {dimension_numbers = #tpu.dot_dimension_numbers<[1], [0], [0], [1], [0, 0, 1, 1], [], []>, transpose_lhs_hint = false} : vector<400x128xf32>, vector<128x128xf32>, vector<400x128xf32> -> vector<400x128xf32>
    %add3A_227 = arith.addf %add3A_217, %dot_general3A_226 : vector<400x128xf32>
    %mul3A_228 = vector.broadcast %convert_element_type3A_14 : vector<400x1xf32> to vector<400x128xf32>
    %mul3A_229 = arith.mulf %add3A_205, %mul3A_228 : vector<400x128xf32>
    %get3A_230 = arith.constant 2 : index
    %get3A_231 = arith.constant 0 : index
    %get3A_232 = arith.constant 0 : index
    %get3A_233 = vector.load %arg5[%get3A_230, %get3A_231, %get3A_232] : memref<4x128x128xf32, #tpu.memory_space<vmem>>, vector<1x128x128xf32>
    %get3A_234 = vector.shape_cast %get3A_233 : vector<1x128x128xf32> to vector<128x128xf32>
    %dot_general3A_235 = arith.constant dense<0.000000e+00> : vector<400x128xf32>
    %dot_general3A_236 = tpu.matmul %mul3A_229, %get3A_234, %dot_general3A_235 {dimension_numbers = #tpu.dot_dimension_numbers<[1], [0], [0], [1], [0, 0, 1, 1], [], []>, transpose_lhs_hint = false} : vector<400x128xf32>, vector<128x128xf32>, vector<400x128xf32> -> vector<400x128xf32>
    %add3A_237 = arith.addf %add3A_227, %dot_general3A_236 : vector<400x128xf32>
    %mul3A_238 = vector.broadcast %convert_element_type3A_19 : vector<400x1xf32> to vector<400x128xf32>
    %mul3A_239 = arith.mulf %add3A_205, %mul3A_238 : vector<400x128xf32>
    %get3A_240 = arith.constant 3 : index
    %get3A_241 = arith.constant 0 : index
    %get3A_242 = arith.constant 0 : index
    %get3A_243 = vector.load %arg5[%get3A_240, %get3A_241, %get3A_242] : memref<4x128x128xf32, #tpu.memory_space<vmem>>, vector<1x128x128xf32>
    %get3A_244 = vector.shape_cast %get3A_243 : vector<1x128x128xf32> to vector<128x128xf32>
    %dot_general3A_245 = arith.constant dense<0.000000e+00> : vector<400x128xf32>
    %dot_general3A_246 = tpu.matmul %mul3A_239, %get3A_244, %dot_general3A_245 {dimension_numbers = #tpu.dot_dimension_numbers<[1], [0], [0], [1], [0, 0, 1, 1], [], []>, transpose_lhs_hint = false} : vector<400x128xf32>, vector<128x128xf32>, vector<400x128xf32> -> vector<400x128xf32>
    %add3A_247 = arith.addf %add3A_237, %dot_general3A_246 : vector<400x128xf32>
    %swap3A_248 = arith.constant 2 : index
    %swap3A_249 = arith.constant 0 : index
    %swap3A_250 = arith.constant 0 : index
    %swap3A_251 = vector.load %arg7[%swap3A_248, %swap3A_249, %swap3A_250] : memref<3x400x128xf32, #tpu.memory_space<vmem>>, vector<1x400x128xf32>
    %swap3A_252 = vector.shape_cast %swap3A_251 : vector<1x400x128xf32> to vector<400x128xf32>
    %swap3A_253 = vector.shape_cast %add3A_247 : vector<400x128xf32> to vector<1x400x128xf32>
    tpu.vector_store %arg7[%swap3A_248, %swap3A_249, %swap3A_250], %swap3A_253 {strides = array<i32>} : memref<3x400x128xf32, #tpu.memory_space<vmem>>, vector<1x400x128xf32>,
    return
  }
  func.func @transform_0(%arg0: i32) -> (i32, i32) {
    %c0_i32 = arith.constant 0 : i32
    %c0_i32_0 = arith.constant 0 : i32
    return %arg0, %c0_i32 : i32, i32
  }
  func.func @transform_1(%arg0: i32) -> (i32, i32, i32) {
    %c0_i32 = arith.constant 0 : i32
    %c0_i32_0 = arith.constant 0 : i32
    %c0_i32_1 = arith.constant 0 : i32
    return %c0_i32, %arg0, %c0_i32_0 : i32, i32, i32
  }
  func.func @transform_2(%arg0: i32) -> (i32, i32, i32, i32) {
    %c0_i32 = arith.constant 0 : i32
    %c0_i32_0 = arith.constant 0 : i32
    %c0_i32_1 = arith.constant 0 : i32
    %c0_i32_2 = arith.constant 0 : i32
    return %c0_i32, %c0_i32_0, %arg0, %c0_i32_1 : i32, i32, i32, i32
  }
  func.func @transform_3(%arg0: i32) -> (i32, i32, i32) {
    %c0_i32 = arith.constant 0 : i32
    %c0_i32_0 = arith.constant 0 : i32
    %c0_i32_1 = arith.constant 0 : i32
    %c0_i32_2 = arith.constant 0 : i32
    return %c0_i32, %c0_i32_0, %c0_i32_1 : i32, i32, i32
  }
  func.func @transform_4(%arg0: i32) -> (i32, i32, i32) {
    %c0_i32 = arith.constant 0 : i32
    %c0_i32_0 = arith.constant 0 : i32
    %c0_i32_1 = arith.constant 0 : i32
    %c0_i32_2 = arith.constant 0 : i32
    return %c0_i32, %c0_i32_0, %c0_i32_1 : i32, i32, i32
  }
  func.func @transform_5(%arg0: i32) -> (i32, i32) {
    %c0_i32 = arith.constant 0 : i32
    %c0_i32_0 = arith.constant 0 : i32
    return %arg0, %c0_i32 : i32, i32
  }
  func.func @transform_6(%arg0: i32) -> (i32, i32, i32) {
    %c0_i32 = arith.constant 0 : i32
    %c0_i32_0 = arith.constant 0 : i32
    %c0_i32_1 = arith.constant 0 : i32
    return %c0_i32, %arg0, %c0_i32_0 : i32, i32, i32
  }
}

</mosaic_0001>

<sc_bundles>
// kernel: kernel.4.cloned.1.call-start
scs
__scs_entry_jumppad:
0x0: {  	(pc) =	sbr.rel $0x88, $3  }
0x1: {  	(tag) =	ssettag $0x0;
	lr =	simm.s32 $0x1  }
0x2: {  	[smem:$0x3F9B] =	sst lr;
	_ =	strace $0xD0000000  }
0x3: {  	_ = 	snop  }
0x4: {  	_ = 	snop  }
0x5: {  	_ = 	snop  }
0x6: {  	_ = 	snop  }
0x7: {  	_ = 	snop  }
__scs_overlays_trampoline_lowered:
0x8: {  	[smem:$0x3FAA] =	sst s0  }
0x9: {  	[smem:$0x3FAB] =	sst s1  }
0xa: {  	[smem:$0x3FAC] =	sst s2  }
0xb: {  	[smem:$0x3FAD] =	sst s3  }
0xc: {  	[smem:$0x3FAE] =	sst s4  }
0xd: {  	[smem:$0x3FAF] =	sst s5  }
0xe: {  	[smem:$0x3FB0] =	sst s6  }
0xf: {  	[smem:$0x3FB1] =	sst s7  }
0x10: {  	[smem:$0x3FB2] =	sst s8  }
0x11: {  	[smem:$0x3FB3] =	sst s9;
	s0 =	simm.s32 @!p0 $0x0  }
0x12: {  	s1 =	sld [smem:$0x3F99];
	s0 =	simm.s32 @p0 $0x1  }
0x13: {  	[smem:$0x3FB4] =	sst s0;
	s0 =	simm.s32 @!p1 $0x0  }
0x14: {  	s2 =	sld [smem:$0x3F98];
	s0 =	simm.s32 @p1 $0x1  }
0x15: {  	[smem:$0x3FB5] =	sst s0;
	s0 =	simm.s32 @!p2 $0x0  }
0x16: {  	s3 =	sld [smem:$0x3FDB];
	s0 =	simm.s32 @p2 $0x1  }
0x17: {  	s4 =	simm.s32 $0x1BF5;
	[smem:$0x3FB7] =	sst s0  }
0x18: {  	s0 =	sld [smem:$0x3F9A];
	_ =	swait.ge [sflag:s4], $0x0  }
0x19: {  	s7 =	sld [smem:$0x3F9B]  }
0x1a: {  	s8 =	sadd.s32 $0xFFFFE003, lr  }
0x1b: {  	s9 =	sadd.s32 $0xFFFFFEF7, lr;
	s5 =	simm.s32 $0xFFFFFFFF;
	p2 =	slt.u32 s8, $0xFFFFF086  }
0x1c: {  	p1 =	slt.u32 s9, $0xF7A;
	s5 =	simm.s32 @!p2 $0x0  }
0x1d: {  	s5 =	simm.s32 @p1 $0x1;
	p0 =	seq.s32 s7, s2  }
0x1e: {  	s7 =	smul.u32 @!p0 $0xF7A, s2;
	p2 =	seq.s32 @!p0 s5, $0x0  }
0x1f: {  	s9 =	smul.u32 $0xF7A, s1;
	s8 =	simm.s32 @!p0 $0x1BF5;
	p2 =	por !p2, p0  }
0x20: {  	[sflag:s8] =	ssyncset.s32 @!p0 $0xFFFFF086;
	s6 =	sadd.s32 @!p0 s3, s7;
	s7 =	simm.s32 @!p0 $0x108  }
0x21: {  	s3 =	sadd.s32 s3, s9;
	s6 =	sadd.s32 @!p0 $0x88, s6;
	s7 =	simm.s32 @p2 $0x1082  }
0x22: {  	[simem:s7], [sflag:s8] =	dma.local @!p0 [hbm:s6], $0xF7A  }
0x23: {  	s9 =	sor.u32 $0xD0000000, s2;
	s6 =	simm.s32 $0x108;
	_ =	swait.ge @!p0 [sflag:s8], $0x0  }
0x24: {  	s3 =	sadd.s32 $0x88, s3;
	s6 =	simm.s32 @!p1 $0x1082;
	[sflag:s4] =	ssyncset.s32 $0xFFFFF086  }
0x25: {  	[simem:s6], [sflag:s4] =	dma.local [hbm:s3], $0xF7A  }
0x26: {  	[smem:$0x3F9B] =	sst s1;
	(tag) =	ssettag s2;
	_ =	strace s9  }
0x27: {  	s1 =	sld [smem:$0x3FAB]  }
0x28: {  	s2 =	sld [smem:$0x3FAC]  }
0x29: {  	s4 =	sld [smem:$0x3FAE]  }
0x2a: {  	p0 =	seq.s32 s5, $0x0;
	s5 =	sld [smem:$0x3FAF]  }
0x2b: {  	s6 =	sld [smem:$0x3FB0]  }
0x2c: {  	s7 =	sld [smem:$0x3FB1]  }
0x2d: {  	s3 =	simm.s32 $0x108;
	s8 =	sld [smem:$0x3FB2]  }
0x2e: {  	s3 =	simm.s32 @!p0 $0x1082;
	s9 =	sld [smem:$0x3FB3]  }
0x2f: {  	lr =	sadd.s32 s0, s3;
	s0 =	sld [smem:$0x3FAA]  }
0x30: {  	s3 =	sld [smem:$0x3FAD]  }
0x31: {  	[smem:$0x3FB6] =	sst s10  }
0x32: {  	s10 =	sld [smem:$0x3FB4];
	_ =	sdelay $0x3  }
0x33: {  	p0 =	seq.s32 s10, $0x1;
	s10 =	sld [smem:$0x3FB6];
	_ =	sdelay $0x3  }
0x34: {  	[smem:$0x3FB6] =	sst s10  }
0x35: {  	s10 =	sld [smem:$0x3FB5];
	_ =	sdelay $0x3  }
0x36: {  	p1 =	seq.s32 s10, $0x1;
	s10 =	sld [smem:$0x3FB6];
	_ =	sdelay $0x3  }
0x37: {  	[smem:$0x3FB6] =	sst s10  }
0x38: {  	s10 =	sld [smem:$0x3FB7]  }
0x39: {  	_ = 	snop;
	(pc) =	sbr.ind lr, $3  }
0x3a: {  	_ = 	snop  }
0x3b: {  	_ = 	snop  }
0x3c: {  	p2 =	seq.s32 s10, $0x1;
	s10 =	sld [smem:$0x3FB6]  }
0x3d: {  	_ =	shalt  }
0x3e: {  	_ =	shalt  }
0x3f: {  	_ =	shalt  }
0x40: {  	_ =	shalt  }
0x41: {  	_ =	shalt  }
0x42: {  	_ =	shalt  }
0x43: {  	_ =	shalt  }
0x44: {  	_ =	shalt  }
0x45: {  	_ =	shalt  }
0x46: {  	_ =	shalt  }
0x47: {  	_ =	shalt  }
0x48: {  	_ =	shalt  }
0x49: {  	_ =	shalt  }
0x4a: {  	_ =	shalt  }
0x4b: {  	_ =	shalt  }
0x4c: {  	_ =	shalt  }
0x4d: {  	_ =	shalt  }
0x4e: {  	_ =	shalt  }
0x4f: {  	_ =	shalt  }
0x50: {  	_ =	shalt  }
0x51: {  	_ =	shalt  }
0x52: {  	_ =	shalt  }
0x53: {  	_ =	shalt  }
0x54: {  	_ =	shalt  }
0x55: {  	_ =	shalt  }
0x56: {  	_ =	shalt  }
0x57: {  	_ =	shalt  }
0x58: {  	_ =	shalt  }
0x59: {  	_ =	shalt  }
0x5a: {  	_ =	shalt  }
0x5b: {  	_ =	shalt  }
0x5c: {  	_ =	shalt  }
0x5d: {  	_ =	shalt  }
0x5e: {  	_ =	shalt  }
0x5f: {  	_ =	shalt  }
0x60: {  	_ =	shalt  }
0x61: {  	_ =	shalt  }
0x62: {  	_ =	shalt  }
0x63: {  	_ =	shalt  }
0x64: {  	_ =	shalt  }
0x65: {  	_ =	shalt  }
0x66: {  	_ =	shalt  }
0x67: {  	_ =	shalt  }
0x68: {  	_ =	shalt  }
0x69: {  	_ =	shalt  }
0x6a: {  	_ =	shalt  }
0x6b: {  	_ =	shalt  }
0x6c: {  	_ =	shalt  }
0x6d: {  	_ =	shalt  }
0x6e: {  	_ =	shalt  }
0x6f: {  	_ =	shalt  }
0x70: {  	_ =	shalt  }
0x71: {  	_ =	shalt  }
0x72: {  	_ =	shalt  }
0x73: {  	_ =	shalt  }
0x74: {  	_ =	shalt  }
0x75: {  	_ =	shalt  }
0x76: {  	_ =	shalt  }
0x77: {  	_ =	shalt  }
0x78: {  	_ =	shalt  }
0x79: {  	_ =	shalt  }
0x7a: {  	_ =	shalt  }
0x7b: {  	_ =	shalt  }
0x7c: {  	_ =	shalt  }
0x7d: {  	_ =	shalt  }
0x7e: {  	_ =	shalt  }
0x7f: {  	_ =	shalt  }
0x80: {  	_ =	shalt  }
0x81: {  	_ =	shalt  }
0x82: {  	_ =	shalt  }
0x83: {  	_ =	shalt  }
0x84: {  	_ =	shalt  }
0x85: {  	_ =	shalt  }
0x86: {  	_ =	shalt  }
0x87: {  	_ =	shalt  }
.Lfunc_end0:
.L_simem_size_0:
called_computation_lowered:
.L_overlay_start_0:
0x88: {  	s2 =	sld [smem:$0x3FD9]  }
0x89: {  	s3 =	sld [smem:$0x3FFE];
	_ =	sdelay $0x1  }
0x8a: {  	s1 =	srdreg.scid  }
0x8b: {  	s0 =	sand.u32 $0x1, s1  }
0x8c: {  	s14 =	sshll.u32 s0, $0xA;
	s2 =	sadd.s32 s3, s2  }
0x8d: {  	s2 =	sadd.s32 s2, s14  }
0x8e: {  	[smem:$0x3FC2] =	sst s2  }
0x8f: {  	_ = 	snop  }
0x90: {  	s2 =	sld [smem:$0x3FD0];
	_ =	sdelay $0x2  }
0x91: {  	s4 =	simm.s32 $0xA;
	s5 =	simm.s32 $0x10;
	s15 =	sld [smem:$0x3FC9]  }
0x92: {  	[smem:s5], [sflag:s4] =	dma.local [hbm:s2], $0x1  }
0x93: {  	_ =	swait.eq [sflag:s4], $0x1  }
0x94: {  	[sflag:s4] =	ssyncset.done $0x0  }
0x95: {  	s16 =	sld [smem:$0x10];
	[sflag:s4] =	ssyncadd.s32 $0xFFFFFFFF  }
0x96: {  	s17 =	sld [smem:$0x11];
	(tm) =	ssettm $0x1  }
0x97: {  	s18 =	sld [smem:$0x3FFB];
	_ =	sdelay $0x3  }
0x98: {  	_ =	strace s18  }
0x99: {  	s5 =	sld [smem:$0x3FFC];
	_ =	sdelay $0x3  }
0x9a: {  	_ =	strace s5  }
0x9b: {  	s5 =	sld [smem:$0x3FFD];
	_ =	sdelay $0x3  }
0x9c: {  	_ =	strace s5  }
0x9d: {  	_ =	strace $0x8FFFFFFF  }
0x9e: {  	s19 =	sld [smem:$0x3FDB];
	_ =	sdelay $0x1  }
0x9f: {  	s6 =	simm.s32 $_scs_section_size  }
0xa0: {  	s7 =	simm.s32 $_size__tile_overlayer_lowered;
	s8 =	simm.s32 $_tile_overlayer_lowered  }
0xa1: {  	s22 =	simm.s32 $0x1BFF;
	s21 =	sshll.u32 s8, $0x1;
	s5 =	sadd.s32 s6, s19  }
0xa2: {  	s9 =	simm.s32 $0x0;
	s20 =	sshll.u32 s7, $0x1;
	s7 =	sadd.s32 s21, s5  }
0xa3: {  	[timem:s9], [sflag:s22] =	dma.local [hbm:s7], s20  }
0xa4: {  	_ =	swait.ge [sflag:s22], s20  }
0xa5: {  	s6 =	ssub.s32 $0x0, s20;
	[sflag:s22] =	ssyncset.done $0x0  }
0xa6: {  	[sflag:s22] =	ssyncadd.s32 s6;
	_ =	sdelay $0x1  }
0xa7: {  	s23 =	simm.s32 $0x1B8B  }
0xa8: {  	_ =	swait.ge [sflag:s23], $0x1  }
0xa9: {  	[sflag:s23] =	ssyncset.done $0x0  }
0xaa: {  	s25 =	simm.s32 $0x1B8E;
	s24 =	sld [smem:$0x3FFE];
	[sflag:s23] =	ssyncadd.s32 $0xFFFFFFFF  }
0xab: {  	s26 =	simm.s32 $execute0_lowered;
	[smem:$0x3FD2] =	sst s25  }
0xac: {  	s7 =	sshll.u32 s26, $0x1;
	_ =	strace $0x80000046;
	[dreg:$0x1] =	wrdreg $0xFFFFFFFF  }
0xad: {  	s28 =	simm.s32 $_size_execute0_lowered;
	s5 =	sadd.s32 s5, s7;
	[dreg:$0x0] =	wrdreg $0x0  }
0xae: {  	s7 =	sshll.u32 s28, $0x1;
	[dreg:$0x2] =	wrdreg s5  }
0xaf: {  	[dreg:$0x3] =	wrdreg s7  }
0xb0: {  	[dreg:$0x4] =	wrdreg $0xC0  }
0xb1: {  	_ =	task [dreg:s9], $0x5FFFF  }
0xb2: {  	[dreg:$0x1] =	wrdreg $0xFFFFFFFF  }
0xb3: {  	[dreg:$0x0] =	wrdreg $0x60  }
0xb4: {  	[dreg:$0x2] =	wrdreg s15  }
0xb5: {  	[dreg:$0x3] =	wrdreg s16  }
0xb6: {  	[dreg:$0x4] =	wrdreg s24  }
0xb7: {  	[dreg:$0x5] =	wrdreg s17  }
0xb8: {  	[dreg:$0x6] =	wrdreg $0x0  }
0xb9: {  	[dreg:$0x7] =	wrdreg $0x9  }
0xba: {  	_ =	task.clear_ibuf [dreg:s9], $0x8FFFF;
	_ =	strace $0x90000046  }
0xbb: {  	s29 =	simm.s32 $0x9;
	_ =	strace $0x80000048  }
0xbc: {  	_ =	swait.ge [sflag:s29], $0x1  }
0xbd: {  	[sflag:s29] =	ssyncadd.s32 $0xFFFFFFFF  }
0xbe: {  	_ =	strace $0x90000048  }
0xbf: {  	_ =	sfence  }
0xc0: {  	s30 =	sld [smem:$0x0];
	_ =	sdelay $0x2  }
0xc1: {  	s31 =	sshll.u32 s1, $0xD;
	s1 =	sshrl.u32 s1, $0x2  }
0xc2: {  	s3 =	sand.u32 $0x4000, s31;
	s1 =	sadd.s32 s1, s30  }
0xc3: {  	s0 =	sor.u32 s3, s0;
	s1 =	sshll.u32 s1, $0x11  }
0xc4: {  	s0 =	sor.u32 s1, s0  }
0xc5: {  	s0 =	sadd.s32 $0x8F2B, s0  }
0xc6: {  	[sflag:s0] =	ssyncadd.remote.s32 $0x1  }
0xc7: {  	_ =	sfence.sel $0xFFFF  }
0xc8: {  	[dreg:$0x0] =	wrdreg $0xFFFFFFFF;
	(pc) =	sbr.abs _section_cstart, $3  }
0xc9: {  	[dreg:$0x1] =	wrdreg $0xFFFFFFFF  }
0xca: {  	_ =	task.clear_ibuf [dreg:s9], $0x2FFFF;
	_ =	strace $0x9FFFFFFF  }
0xcb: {  	(tm) =	ssettm $0x7FFFFFFF  }
tec
execute0_lowered:
.L_overlay_start_1:
0x0: {  	(tag) =	ssettag $0x1  }
0x1: {  	s0 =	rddreg [dreg:$0x0]  }
0x2: {  	s1 =	rddreg [dreg:$0x1]  }
0x3: {  	s2 =	srdreg.scid;
	s3 =	rddreg [dreg:$0x2]  }
0x4: {  	s7 =	rddreg [dreg:$0x3];
	s14 =	stileid.u32  }
0x5: {  	s4 =	rddreg [dreg:$0x4];
	s28 =	simm.s32 $0x2;
	s29 =	simm.s32 $0x0  }
0x6: {  	s2 =	sand.u32 $0x1, s2;
	s9 =	smul.u32 $0x50000, s14;
	s12 =	sadd.s32 $0x29400, s3  }
0x7: {  	s5 =	sshll.u32 s2, $0x4;
	s10 =	ssub.s32 $0x2, s2;
	s16 =	smul.u32 $0x140000, s2  }
0x8: {  	s2 =	smul.u32 $0x3C0000, s2;
	s6 =	sor.u32 s14, s5;
	s5 =	simm.s32 $0x0  }
0x9: {  	s13 =	sshrl.u32 s10, $0x1;
	s9 =	sshrl.u32 s9, $0x2;
	s14 =	smul.u32 $0x14000, s14  }
0xa: {  	s6 =	smul.u32 $0x2800, s6;
	[smem:$0x7FF] =	sst s5;
	s13 =	ssub.s32 s10, s13  }
0xb: {  	_ =	strace $0x80000047;
	s31 =	sadd.s32 $0x4000, s14;
	s15 =	sadd.s32 $0x8000, s14  }
0xc: {  	s17 =	sadd.s32 $0xC000, s14;
	s18 =	sadd.s32 $0x10000, s14;
	s19 =	sadd.s32 s14, s16  }
0xd: {  	s24 =	sadd.s32 s14, s2;
	s8 =	sshrl.u32 s6, $0x3;
	s6 =	sadd.s32 $0x28C00, s3  }
0xe: {  	s10 =	sadd.s32 s15, s4;
	s20 =	sadd.s32 s16, s31;
	s19 =	sshrl.u32 s19, $0x3  }
0xf: {  	s21 =	sadd.s32 s16, s15;
	s22 =	sadd.s32 s16, s17;
	s16 =	sadd.s32 s16, s18  }
0x10: {  	s25 =	sadd.s32 s2, s15;
	s26 =	sadd.s32 s2, s17;
	s11 =	sadd.s32 s8, s3  }
0x11: {  	s3 =	sadd.s32 $0x79400, s3;
	s7 =	sadd.s32 s7, s8;
	s8 =	sadd.s32 s9, s4  }
0x12: {  	s9 =	sadd.s32 s31, s4;
	s20 =	sshrl.u32 s20, $0x3;
	s19 =	sadd.s32 s12, s19  }
0x13: {  	s21 =	sshrl.u32 s21, $0x3;
	s23 =	sshrl.u32 s22, $0x3;
	[dreg:$0x6] =	wrdreg s7  }
0x14: {  	s16 =	sshrl.u32 s16, $0x3;
	s30 =	sshrl.u32 s25, $0x3;
	[dreg:$0x7] =	wrdreg s19  }
0x15: {  	s20 =	sadd.s32 s12, s20;
	s19 =	sadd.s32 s12, s21;
	s7 =	sadd.s32 s2, s31  }
0x16: {  	s2 =	sadd.s32 s2, s18;
	s31 =	sshrl.u32 s26, $0x3;
	[dreg:$0x8] =	wrdreg s20  }
0x17: {  	s14 =	sadd.s32 $0x14C00, s11;
	s15 =	sadd.s32 $0x1EC00, s11;
	[dreg:$0x9] =	wrdreg s19  }
0x18: {  	s19 =	sadd.s32 s12, s23;
	s12 =	sadd.s32 s12, s16;
	s16 =	sadd.s32 s17, s4  }
0x19: {  	s17 =	sadd.s32 s18, s4;
	s7 =	sshrl.u32 s7, $0x3;
	[dreg:$0xe] =	wrdreg s14  }
0x1a: {  	s20 =	sadd.s32 s3, s30;
	s21 =	sadd.s32 s3, s31;
	[dreg:$0xf] =	wrdreg s15  }
0x1b: {  	s2 =	sshrl.u32 s2, $0x3;
	s23 =	smax.u32 s13, $0x1;
	[dreg:$0xa] =	wrdreg s19  }
0x1c: {  	s15 =	simm.s32 $0x3;
	[dreg:$0xb] =	wrdreg s12;
	s12 =	sshrl.u32 s24, $0x3  }
0x1d: {  	s19 =	sadd.s32 s3, s7;
	s22 =	sadd.s32 s3, s2;
	s7 =	sadd.s32 $0xC00, s11  }
0x1e: {  	[dreg:$0x10] =	wrdreg s23;
	s26 =	sadd.s32 $0x28000, s20;
	s30 =	sadd.s32 $0x28000, s21  }
0x1f: {  	s13 =	sadd.s32 $0x50000, s21;
	s23 =	simm.s32 $0x19000;
	[dreg:$0xc] =	wrdreg s7  }
0x20: {  	s18 =	sadd.s32 s3, s12;
	s12 =	sadd.s32 $0xAC00, s11;
	[dreg:$0x13] =	wrdreg s26  }
0x21: {  	s25 =	sadd.s32 $0x28000, s19;
	[dreg:$0x14] =	wrdreg s30;
	s31 =	sadd.s32 $0x28000, s22  }
0x22: {  	s11 =	sadd.s32 $0x50000, s19;
	s14 =	sadd.s32 $0x50000, s22;
	[dreg:$0xd] =	wrdreg s12  }
0x23: {  	s26 =	simm.s32 $0x1;
	s24 =	sadd.s32 $0x28000, s18;
	[dreg:$0x12] =	wrdreg s25  }
0x24: {  	[dreg:$0x15] =	wrdreg s31;
	s7 =	sadd.s32 $0x50000, s18;
	s12 =	sadd.s32 $0x50000, s20  }
0x25: {  	s25 =	simm.s32 $0x80;
	[dreg:$0x11] =	wrdreg s24;
	s24 =	simm.s32 $0x14000  }
.LBB2_1:
0x26: {  	s2 =	rddreg [dreg:$0x6];
	s3 =	simm.s32 $0x16800  }
0x27: {  	[tilespmem:s3], [sflag:$0x3] =	stream.linear.gather [hbm4b:s2+s5], $0x2780, $0x38;
	[tilespmem:$0x1D000] =	vst v63  }
0x28: {  	_ =	swait.ge [sflag:s15], $0x2780  }
0x29: {  	[sflag:s15] =	ssyncset.done $0x0  }
0x2a: {  	[sflag:s15] =	ssyncadd.s32 $0xFFFFD880  }
0x2b: {  	[tilespmem:s23], [sflag:$0x3] =	stream.linear.gather [hbm4b:s6+s5], $0x4000, $0x38;
	[tilespmem:$0x1D000] =	vst v63  }
0x2c: {  	_ =	swait.ge [sflag:s15], $0x4000  }
0x2d: {  	[sflag:s15] =	ssyncset.done $0x0  }
0x2e: {  	[sflag:s15] =	ssyncadd.s32 $0xFFFFC000  }
0x2f: {  	[spmem:s8] =	stream.linear.scatter [tilespmem:s23], [sflag:$0x3], $0x4000, $0x38;
	[tilespmem:$0x1D000] =	vst v63  }
0x30: {  	_ =	swait.ge [sflag:s15], $0x4000  }
0x31: {  	[sflag:s15] =	ssyncset.done $0x0  }
0x32: {  	[sflag:s15] =	ssyncadd.s32 $0xFFFFC000  }
0x33: {  	[spmem:s9] =	stream.linear.scatter [tilespmem:s23], [sflag:$0x3], $0x4000, $0x38;
	[tilespmem:$0x1D000] =	vst v63  }
0x34: {  	_ =	swait.ge [sflag:s15], $0x4000  }
0x35: {  	[sflag:s15] =	ssyncset.done $0x0  }
0x36: {  	[sflag:s15] =	ssyncadd.s32 $0xFFFFC000  }
0x37: {  	[spmem:s10] =	stream.linear.scatter [tilespmem:s23], [sflag:$0x3], $0x4000, $0x38;
	[tilespmem:$0x1D000] =	vst v63  }
0x38: {  	_ =	swait.ge [sflag:s15], $0x4000  }
0x39: {  	[sflag:s15] =	ssyncset.done $0x0  }
0x3a: {  	[sflag:s15] =	ssyncadd.s32 $0xFFFFC000  }
0x3b: {  	[spmem:s16] =	stream.linear.scatter [tilespmem:s23], [sflag:$0x3], $0x4000, $0x38;
	[tilespmem:$0x1D000] =	vst v63  }
0x3c: {  	_ =	swait.ge [sflag:s15], $0x4000  }
0x3d: {  	[sflag:s15] =	ssyncset.done $0x0  }
0x3e: {  	[sflag:s15] =	ssyncadd.s32 $0xFFFFC000  }
0x3f: {  	[spmem:s17] =	stream.linear.scatter [tilespmem:s23], [sflag:$0x3], $0x4000, $0x38;
	[tilespmem:$0x1D000] =	vst v63  }
0x40: {  	_ =	swait.ge [sflag:s15], $0x4000  }
0x41: {  	[sflag:s15] =	ssyncset.done $0x0  }
0x42: {  	s3 =	rddreg [dreg:$0xc];
	[sflag:s15] =	ssyncadd.s32 $0xFFFFC000  }
0x43: {  	[tilespmem:s24], [sflag:$0x3] =	stream.linear.gather [hbm4b:s3+s5], $0x2780, $0x38;
	[tilespmem:$0x1D000] =	vst v63  }
0x44: {  	_ =	swait.ge [sflag:s15], $0x2780  }
0x45: {  	[sflag:s15] =	ssyncset.done $0x0  }
0x46: {  	[sflag:s15] =	ssyncadd.s32 $0xFFFFD880  }
0x47: {  	s2 =	simm.s32 $0x14000;
	[bflag:$0x0] =	sbarrier.arrive $0xFFFF  }
0x48: {  	[tilespmem:s23], [sflag:$0x1] =	stream.indirect.gather [hbm4b:s0+s25], $0x80, s2, s25, $0xb8;
	[tilespmem:$0x1D000] =	vst v63  }
0x49: {  	_ =	swait.ge [sflag:s26], $0x4000  }
0x4a: {  	s30 =	simm.s32 $0x80;
	[sflag:s26] =	ssyncset.done $0x0  }
0x4b: {  	s31 =	simm.s32 $0x400;
	s3 =	simm.s32 $0x16800;
	[sflag:s26] =	ssyncadd.s32 $0xFFFFC000  }
.LBB2_2:
0x4c: {  	[spmem:s4] =	stream.indirect.scatter.add.f32 [tilespmem:s23], [sflag:$0x2], $0x80, s3, s25, $0xb8;
	[tilespmem:$0x1D000] =	vst v63  }
0x4d: {  	p0 =	sne.s32 s31, $0x9C00  }
.Ltmp0:
0x4e: {  	s2 =	sshra.s32 s31, $0x2;
	s3 =	sadd.s32 $0x14000, s30;
	(pc) =	sbr.rel @p0 .LBB2_2-.Ltmp0, $4  }
0x4f: {  	[tilespmem:s23], [sflag:$0x1] =	stream.indirect.gather [hbm4b:s0+s25], $0x80, s3, s25, $0xb8;
	[tilespmem:$0x1D000] =	vst v63  }
0x50: {  	s31 =	sadd.s32 $0x200, s31;
	_ =	swait.ge [sflag:s26], $0x4000  }
0x51: {  	[sflag:s26] =	ssyncset.done $0x0  }
0x52: {  	s3 =	sadd.s32 $0x16800, s30;
	s30 =	smov.u32 s2;
	[sflag:s26] =	ssyncadd.s32 $0xFFFFC000  }
0x53: {  	[spmem:s4] =	stream.indirect.scatter.add.f32 [tilespmem:s23], [sflag:$0x2], $0x80, s3, s25, $0xb8;
	[tilespmem:$0x1D000] =	vst v63  }
0x54: {  	s2 =	sadd.s32 $0x14000, s30  }
0x55: {  	[tilespmem:s23], [sflag:$0x1] =	stream.indirect.gather [hbm4b:s0+s25], $0x80, s2, s25, $0xb8;
	[tilespmem:$0x1D000] =	vst v63  }
0x56: {  	_ =	swait.ge [sflag:s26], $0x4000  }
0x57: {  	[sflag:s26] =	ssyncset.done $0x0  }
0x58: {  	s31 =	sadd.s32 $0x16800, s30;
	[sflag:s26] =	ssyncadd.s32 $0xFFFFC000  }
0x59: {  	[spmem:s4] =	stream.indirect.scatter.add.f32 [tilespmem:s23], [sflag:$0x2], $0x80, s31, s25, $0xb8;
	[tilespmem:$0x1D000] =	vst v63  }
0x5a: {  	_ =	swait.ge [sflag:s28], $0x4000  }
0x5b: {  	s30 =	simm.s32 $0x4E;
	[sflag:s28] =	ssyncset.done $0x0  }
.LBB2_4:
0x5c: {  	p0 =	sne.s32 s30, $0x1;
	s30 =	sadd.s32 $0xFFFFFFFF, s30;
	[sflag:s28] =	ssyncadd.s32 $0xFFFFC000  }
.Ltmp1:
0x5d: {  	(pc) =	sbr.rel @p0 .LBB2_4-.Ltmp1, $3  }
0x5e: {  	_ =	sdelay $0x1  }
0x5f: {  	_ =	swait.ge [sflag:s28], $0x4000  }
0x60: {  	[sflag:s28] =	ssyncset.done $0x0  }
0x61: {  	[sflag:s28] =	ssyncadd.s32 $0xFFFFC000  }
0x62: {  	[bflag:$0x0] =	sbarrier.arrive $0xFFFF  }
0x63: {  	[tilespmem:s23], [sflag:$0x3] =	stream.linear.gather [spmem:s8], $0x4000, $0x38;
	[tilespmem:$0x1D000] =	vst v63  }
0x64: {  	_ =	swait.ge [sflag:s15], $0x4000  }
0x65: {  	[sflag:s15] =	ssyncset.done $0x0  }
0x66: {  	s2 =	simm.s32 $0x0;
	s3 =	rddreg [dreg:$0x7];
	[sflag:s15] =	ssyncadd.s32 $0xFFFFC000  }
0x67: {  	[hbm4b:s3+s2] =	stream.linear.scatter [tilespmem:s23], [sflag:$0x3], $0x4000, $0x38;
	[tilespmem:$0x1D000] =	vst v63  }
0x68: {  	_ =	swait.ge [sflag:s15], $0x4000  }
0x69: {  	[sflag:s15] =	ssyncset.done $0x0  }
0x6a: {  	[sflag:s15] =	ssyncadd.s32 $0xFFFFC000  }
0x6b: {  	[tilespmem:s23], [sflag:$0x3] =	stream.linear.gather [spmem:s9], $0x4000, $0x38;
	[tilespmem:$0x1D000] =	vst v63  }
0x6c: {  	_ =	swait.ge [sflag:s15], $0x4000  }
0x6d: {  	[sflag:s15] =	ssyncset.done $0x0  }
0x6e: {  	s3 =	rddreg [dreg:$0x8];
	[sflag:s15] =	ssyncadd.s32 $0xFFFFC000  }
0x6f: {  	[hbm4b:s3+s2] =	stream.linear.scatter [tilespmem:s23], [sflag:$0x3], $0x4000, $0x38;
	[tilespmem:$0x1D000] =	vst v63  }
0x70: {  	_ =	swait.ge [sflag:s15], $0x4000  }
0x71: {  	[sflag:s15] =	ssyncset.done $0x0  }
0x72: {  	[sflag:s15] =	ssyncadd.s32 $0xFFFFC000  }
0x73: {  	[tilespmem:s23], [sflag:$0x3] =	stream.linear.gather [spmem:s10], $0x4000, $0x38;
	[tilespmem:$0x1D000] =	vst v63  }
0x74: {  	_ =	swait.ge [sflag:s15], $0x4000  }
0x75: {  	[sflag:s15] =	ssyncset.done $0x0  }
0x76: {  	s3 =	rddreg [dreg:$0x9];
	[sflag:s15] =	ssyncadd.s32 $0xFFFFC000  }
0x77: {  	[hbm4b:s3+s2] =	stream.linear.scatter [tilespmem:s23], [sflag:$0x3], $0x4000, $0x38;
	[tilespmem:$0x1D000] =	vst v63  }
0x78: {  	_ =	swait.ge [sflag:s15], $0x4000  }
0x79: {  	[sflag:s15] =	ssyncset.done $0x0  }
0x7a: {  	[sflag:s15] =	ssyncadd.s32 $0xFFFFC000  }
0x7b: {  	[tilespmem:s23], [sflag:$0x3] =	stream.linear.gather [spmem:s16], $0x4000, $0x38;
	[tilespmem:$0x1D000] =	vst v63  }
0x7c: {  	_ =	swait.ge [sflag:s15], $0x4000  }
0x7d: {  	[sflag:s15] =	ssyncset.done $0x0  }
0x7e: {  	s3 =	rddreg [dreg:$0xa];
	[sflag:s15] =	ssyncadd.s32 $0xFFFFC000  }
0x7f: {  	[hbm4b:s3+s2] =	stream.linear.scatter [tilespmem:s23], [sflag:$0x3], $0x4000, $0x38;
	[tilespmem:$0x1D000] =	vst v63  }
0x80: {  	_ =	swait.ge [sflag:s15], $0x4000  }
0x81: {  	[sflag:s15] =	ssyncset.done $0x0  }
0x82: {  	[sflag:s15] =	ssyncadd.s32 $0xFFFFC000  }
0x83: {  	[tilespmem:s23], [sflag:$0x3] =	stream.linear.gather [spmem:s17], $0x4000, $0x38;
	[tilespmem:$0x1D000] =	vst v63  }
0x84: {  	_ =	swait.ge [sflag:s15], $0x4000  }
0x85: {  	[sflag:s15] =	ssyncset.done $0x0  }
0x86: {  	s3 =	rddreg [dreg:$0xb];
	[sflag:s15] =	ssyncadd.s32 $0xFFFFC000  }
0x87: {  	[hbm4b:s3+s2] =	stream.linear.scatter [tilespmem:s23], [sflag:$0x3], $0x4000, $0x38;
	[tilespmem:$0x1D000] =	vst v63  }
0x88: {  	_ =	swait.ge [sflag:s15], $0x4000  }
0x89: {  	[sflag:s15] =	ssyncset.done $0x0  }
0x8a: {  	[sflag:s15] =	ssyncadd.s32 $0xFFFFC000  }
0x8b: {  	[bflag:$0x0] =	sbarrier.arrive $0xFFFF  }
0x8c: {  	[tilespmem:s23], [sflag:$0x3] =	stream.linear.gather [hbm4b:s6+s2], $0x4000, $0x38;
	[tilespmem:$0x1D000] =	vst v63  }
0x8d: {  	_ =	swait.ge [sflag:s15], $0x4000  }
0x8e: {  	[sflag:s15] =	ssyncset.done $0x0  }
0x8f: {  	[sflag:s15] =	ssyncadd.s32 $0xFFFFC000  }
0x90: {  	[spmem:s8] =	stream.linear.scatter [tilespmem:s23], [sflag:$0x3], $0x4000, $0x38;
	[tilespmem:$0x1D000] =	vst v63  }
0x91: {  	_ =	swait.ge [sflag:s15], $0x4000  }
0x92: {  	[sflag:s15] =	ssyncset.done $0x0  }
0x93: {  	[sflag:s15] =	ssyncadd.s32 $0xFFFFC000  }
0x94: {  	[spmem:s9] =	stream.linear.scatter [tilespmem:s23], [sflag:$0x3], $0x4000, $0x38;
	[tilespmem:$0x1D000] =	vst v63  }
0x95: {  	_ =	swait.ge [sflag:s15], $0x4000  }
0x96: {  	[sflag:s15] =	ssyncset.done $0x0  }
0x97: {  	[sflag:s15] =	ssyncadd.s32 $0xFFFFC000  }
0x98: {  	[spmem:s10] =	stream.linear.scatter [tilespmem:s23], [sflag:$0x3], $0x4000, $0x38;
	[tilespmem:$0x1D000] =	vst v63  }
0x99: {  	_ =	swait.ge [sflag:s15], $0x4000  }
0x9a: {  	[sflag:s15] =	ssyncset.done $0x0  }
0x9b: {  	[sflag:s15] =	ssyncadd.s32 $0xFFFFC000  }
0x9c: {  	[spmem:s16] =	stream.linear.scatter [tilespmem:s23], [sflag:$0x3], $0x4000, $0x38;
	[tilespmem:$0x1D000] =	vst v63  }
0x9d: {  	_ =	swait.ge [sflag:s15], $0x4000  }
0x9e: {  	[sflag:s15] =	ssyncset.done $0x0  }
0x9f: {  	[sflag:s15] =	ssyncadd.s32 $0xFFFFC000  }
0xa0: {  	[spmem:s17] =	stream.linear.scatter [tilespmem:s23], [sflag:$0x3], $0x4000, $0x38;
	[tilespmem:$0x1D000] =	vst v63  }
0xa1: {  	_ =	swait.ge [sflag:s15], $0x4000  }
0xa2: {  	[sflag:s15] =	ssyncset.done $0x0  }
0xa3: {  	s3 =	rddreg [dreg:$0xd];
	[sflag:s15] =	ssyncadd.s32 $0xFFFFC000  }
0xa4: {  	[tilespmem:s24], [sflag:$0x3] =	stream.linear.gather [hbm4b:s3+s2], $0x2780, $0x38;
	[tilespmem:$0x1D000] =	vst v63  }
0xa5: {  	_ =	swait.ge [sflag:s15], $0x2780  }
0xa6: {  	[sflag:s15] =	ssyncset.done $0x0  }
0xa7: {  	[sflag:s15] =	ssyncadd.s32 $0xFFFFD880  }
0xa8: {  	s3 =	simm.s32 $0x14000;
	[bflag:$0x0] =	sbarrier.arrive $0xFFFF  }
0xa9: {  	[tilespmem:s23], [sflag:$0x1] =	stream.indirect.gather [hbm4b:s1+s25], $0x80, s3, s25, $0xb8;
	[tilespmem:$0x1D000] =	vst v63  }
0xaa: {  	_ =	swait.ge [sflag:s26], $0x4000  }
0xab: {  	s30 =	simm.s32 $0x80;
	[sflag:s26] =	ssyncset.done $0x0  }
0xac: {  	s31 =	simm.s32 $0x400;
	s3 =	simm.s32 $0x16800;
	[sflag:s26] =	ssyncadd.s32 $0xFFFFC000  }
.LBB2_6:
0xad: {  	[spmem:s4] =	stream.indirect.scatter.add.f32 [tilespmem:s23], [sflag:$0x2], $0x80, s3, s25, $0xb8;
	[tilespmem:$0x1D000] =	vst v63  }
0xae: {  	p0 =	sne.s32 s31, $0x9C00  }
.Ltmp2:
0xaf: {  	s2 =	sshra.s32 s31, $0x2;
	s3 =	sadd.s32 $0x14000, s30;
	(pc) =	sbr.rel @p0 .LBB2_6-.Ltmp2, $4  }
0xb0: {  	[tilespmem:s23], [sflag:$0x1] =	stream.indirect.gather [hbm4b:s1+s25], $0x80, s3, s25, $0xb8;
	[tilespmem:$0x1D000] =	vst v63  }
0xb1: {  	s31 =	sadd.s32 $0x200, s31;
	_ =	swait.ge [sflag:s26], $0x4000  }
0xb2: {  	[sflag:s26] =	ssyncset.done $0x0  }
0xb3: {  	s3 =	sadd.s32 $0x16800, s30;
	s30 =	smov.u32 s2;
	[sflag:s26] =	ssyncadd.s32 $0xFFFFC000  }
0xb4: {  	[spmem:s4] =	stream.indirect.scatter.add.f32 [tilespmem:s23], [sflag:$0x2], $0x80, s3, s25, $0xb8;
	[tilespmem:$0x1D000] =	vst v63  }
0xb5: {  	s2 =	sadd.s32 $0x14000, s30  }
0xb6: {  	[tilespmem:s23], [sflag:$0x1] =	stream.indirect.gather [hbm4b:s1+s25], $0x80, s2, s25, $0xb8;
	[tilespmem:$0x1D000] =	vst v63  }
0xb7: {  	_ =	swait.ge [sflag:s26], $0x4000  }
0xb8: {  	[sflag:s26] =	ssyncset.done $0x0  }
0xb9: {  	s31 =	sadd.s32 $0x16800, s30;
	[sflag:s26] =	ssyncadd.s32 $0xFFFFC000  }
0xba: {  	[spmem:s4] =	stream.indirect.scatter.add.f32 [tilespmem:s23], [sflag:$0x2], $0x80, s31, s25, $0xb8;
	[tilespmem:$0x1D000] =	vst v63  }
0xbb: {  	_ =	swait.ge [sflag:s28], $0x4000  }
0xbc: {  	s30 =	simm.s32 $0x4E;
	[sflag:s28] =	ssyncset.done $0x0  }
.LBB2_8:
0xbd: {  	p0 =	sne.s32 s30, $0x1;
	s30 =	sadd.s32 $0xFFFFFFFF, s30;
	[sflag:s28] =	ssyncadd.s32 $0xFFFFC000  }
.Ltmp3:
0xbe: {  	(pc) =	sbr.rel @p0 .LBB2_8-.Ltmp3, $3  }
0xbf: {  	_ =	sdelay $0x1  }
0xc0: {  	_ =	swait.ge [sflag:s28], $0x4000  }
0xc1: {  	[sflag:s28] =	ssyncset.done $0x0  }
0xc2: {  	[sflag:s28] =	ssyncadd.s32 $0xFFFFC000  }
0xc3: {  	[bflag:$0x0] =	sbarrier.arrive $0xFFFF  }
0xc4: {  	[tilespmem:s23], [sflag:$0x3] =	stream.linear.gather [spmem:s8], $0x4000, $0x38;
	[tilespmem:$0x1D000] =	vst v63  }
0xc5: {  	_ =	swait.ge [sflag:s15], $0x4000  }
0xc6: {  	[sflag:s15] =	ssyncset.done $0x0  }
0xc7: {  	s2 =	simm.s32 $0x0;
	[sflag:s15] =	ssyncadd.s32 $0xFFFFC000  }
0xc8: {  	[hbm4b:s18+s2] =	stream.linear.scatter [tilespmem:s23], [sflag:$0x3], $0x4000, $0x38;
	[tilespmem:$0x1D000] =	vst v63  }
0xc9: {  	_ =	swait.ge [sflag:s15], $0x4000  }
0xca: {  	[sflag:s15] =	ssyncset.done $0x0  }
0xcb: {  	[sflag:s15] =	ssyncadd.s32 $0xFFFFC000  }
0xcc: {  	[tilespmem:s23], [sflag:$0x3] =	stream.linear.gather [spmem:s9], $0x4000, $0x38;
	[tilespmem:$0x1D000] =	vst v63  }
0xcd: {  	_ =	swait.ge [sflag:s15], $0x4000  }
0xce: {  	[sflag:s15] =	ssyncset.done $0x0  }
0xcf: {  	[sflag:s15] =	ssyncadd.s32 $0xFFFFC000  }
0xd0: {  	[hbm4b:s19+s2] =	stream.linear.scatter [tilespmem:s23], [sflag:$0x3], $0x4000, $0x38;
	[tilespmem:$0x1D000] =	vst v63  }
0xd1: {  	_ =	swait.ge [sflag:s15], $0x4000  }
0xd2: {  	[sflag:s15] =	ssyncset.done $0x0  }
0xd3: {  	[sflag:s15] =	ssyncadd.s32 $0xFFFFC000  }
0xd4: {  	[tilespmem:s23], [sflag:$0x3] =	stream.linear.gather [spmem:s10], $0x4000, $0x38;
	[tilespmem:$0x1D000] =	vst v63  }
0xd5: {  	_ =	swait.ge [sflag:s15], $0x4000  }
0xd6: {  	[sflag:s15] =	ssyncset.done $0x0  }
0xd7: {  	[sflag:s15] =	ssyncadd.s32 $0xFFFFC000  }
0xd8: {  	[hbm4b:s20+s2] =	stream.linear.scatter [tilespmem:s23], [sflag:$0x3], $0x4000, $0x38;
	[tilespmem:$0x1D000] =	vst v63  }
0xd9: {  	_ =	swait.ge [sflag:s15], $0x4000  }
0xda: {  	[sflag:s15] =	ssyncset.done $0x0  }
0xdb: {  	[sflag:s15] =	ssyncadd.s32 $0xFFFFC000  }
0xdc: {  	[tilespmem:s23], [sflag:$0x3] =	stream.linear.gather [spmem:s16], $0x4000, $0x38;
	[tilespmem:$0x1D000] =	vst v63  }
0xdd: {  	_ =	swait.ge [sflag:s15], $0x4000  }
0xde: {  	[sflag:s15] =	ssyncset.done $0x0  }
0xdf: {  	[sflag:s15] =	ssyncadd.s32 $0xFFFFC000  }
0xe0: {  	[hbm4b:s21+s2] =	stream.linear.scatter [tilespmem:s23], [sflag:$0x3], $0x4000, $0x38;
	[tilespmem:$0x1D000] =	vst v63  }
0xe1: {  	_ =	swait.ge [sflag:s15], $0x4000  }
0xe2: {  	[sflag:s15] =	ssyncset.done $0x0  }
0xe3: {  	[sflag:s15] =	ssyncadd.s32 $0xFFFFC000  }
0xe4: {  	[tilespmem:s23], [sflag:$0x3] =	stream.linear.gather [spmem:s17], $0x4000, $0x38;
	[tilespmem:$0x1D000] =	vst v63  }
0xe5: {  	_ =	swait.ge [sflag:s15], $0x4000  }
0xe6: {  	[sflag:s15] =	ssyncset.done $0x0  }
0xe7: {  	[sflag:s15] =	ssyncadd.s32 $0xFFFFC000  }
0xe8: {  	[hbm4b:s22+s2] =	stream.linear.scatter [tilespmem:s23], [sflag:$0x3], $0x4000, $0x38;
	[tilespmem:$0x1D000] =	vst v63  }
0xe9: {  	_ =	swait.ge [sflag:s15], $0x4000  }
0xea: {  	[sflag:s15] =	ssyncset.done $0x0  }
0xeb: {  	[sflag:s15] =	ssyncadd.s32 $0xFFFFC000  }
0xec: {  	[bflag:$0x0] =	sbarrier.arrive $0xFFFF  }
0xed: {  	[tilespmem:s23], [sflag:$0x3] =	stream.linear.gather [hbm4b:s6+s2], $0x4000, $0x38;
	[tilespmem:$0x1D000] =	vst v63  }
0xee: {  	_ =	swait.ge [sflag:s15], $0x4000  }
0xef: {  	[sflag:s15] =	ssyncset.done $0x0  }
0xf0: {  	[sflag:s15] =	ssyncadd.s32 $0xFFFFC000  }
0xf1: {  	[spmem:s8] =	stream.linear.scatter [tilespmem:s23], [sflag:$0x3], $0x4000, $0x38;
	[tilespmem:$0x1D000] =	vst v63  }
0xf2: {  	_ =	swait.ge [sflag:s15], $0x4000  }
0xf3: {  	[sflag:s15] =	ssyncset.done $0x0  }
0xf4: {  	[sflag:s15] =	ssyncadd.s32 $0xFFFFC000  }
0xf5: {  	[spmem:s9] =	stream.linear.scatter [tilespmem:s23], [sflag:$0x3], $0x4000, $0x38;
	[tilespmem:$0x1D000] =	vst v63  }
0xf6: {  	_ =	swait.ge [sflag:s15], $0x4000  }
0xf7: {  	[sflag:s15] =	ssyncset.done $0x0  }
0xf8: {  	[sflag:s15] =	ssyncadd.s32 $0xFFFFC000  }
0xf9: {  	[spmem:s10] =	stream.linear.scatter [tilespmem:s23], [sflag:$0x3], $0x4000, $0x38;
	[tilespmem:$0x1D000] =	vst v63  }
0xfa: {  	_ =	swait.ge [sflag:s15], $0x4000  }
0xfb: {  	[sflag:s15] =	ssyncset.done $0x0  }
0xfc: {  	[sflag:s15] =	ssyncadd.s32 $0xFFFFC000  }
0xfd: {  	[spmem:s16] =	stream.linear.scatter [tilespmem:s23], [sflag:$0x3], $0x4000, $0x38;
	[tilespmem:$0x1D000] =	vst v63  }
0xfe: {  	_ =	swait.ge [sflag:s15], $0x4000  }
0xff: {  	[sflag:s15] =	ssyncset.done $0x0  }
0x100: {  	[sflag:s15] =	ssyncadd.s32 $0xFFFFC000  }
0x101: {  	[spmem:s17] =	stream.linear.scatter [tilespmem:s23], [sflag:$0x3], $0x4000, $0x38;
	[tilespmem:$0x1D000] =	vst v63  }
0x102: {  	_ =	swait.ge [sflag:s15], $0x4000  }
0x103: {  	[sflag:s15] =	ssyncset.done $0x0  }
0x104: {  	s3 =	rddreg [dreg:$0xe];
	[sflag:s15] =	ssyncadd.s32 $0xFFFFC000  }
0x105: {  	[tilespmem:s24], [sflag:$0x3] =	stream.linear.gather [hbm4b:s3+s2], $0x2780, $0x38;
	[tilespmem:$0x1D000] =	vst v63  }
0x106: {  	_ =	swait.ge [sflag:s15], $0x2780  }
0x107: {  	[sflag:s15] =	ssyncset.done $0x0  }
0x108: {  	[sflag:s15] =	ssyncadd.s32 $0xFFFFD880  }
0x109: {  	s3 =	simm.s32 $0x14000;
	[bflag:$0x0] =	sbarrier.arrive $0xFFFF  }
0x10a: {  	[tilespmem:s23], [sflag:$0x1] =	stream.indirect.gather [hbm4b:s1+s25], $0x80, s3, s25, $0xb8;
	[tilespmem:$0x1D000] =	vst v63  }
0x10b: {  	_ =	swait.ge [sflag:s26], $0x4000  }
0x10c: {  	s30 =	simm.s32 $0x80;
	[sflag:s26] =	ssyncset.done $0x0  }
0x10d: {  	s31 =	simm.s32 $0x400;
	s3 =	simm.s32 $0x16800;
	[sflag:s26] =	ssyncadd.s32 $0xFFFFC000  }
.LBB2_10:
0x10e: {  	[spmem:s4] =	stream.indirect.scatter.add.f32 [tilespmem:s23], [sflag:$0x2], $0x80, s3, s25, $0xb8;
	[tilespmem:$0x1D000] =	vst v63  }
0x10f: {  	p0 =	sne.s32 s31, $0x9C00  }
.Ltmp4:
0x110: {  	s2 =	sshra.s32 s31, $0x2;
	s3 =	sadd.s32 $0x14000, s30;
	(pc) =	sbr.rel @p0 .LBB2_10-.Ltmp4, $4  }
0x111: {  	[tilespmem:s23], [sflag:$0x1] =	stream.indirect.gather [hbm4b:s1+s25], $0x80, s3, s25, $0xb8;
	[tilespmem:$0x1D000] =	vst v63  }
0x112: {  	s31 =	sadd.s32 $0x200, s31;
	_ =	swait.ge [sflag:s26], $0x4000  }
0x113: {  	[sflag:s26] =	ssyncset.done $0x0  }
0x114: {  	s3 =	sadd.s32 $0x16800, s30;
	s30 =	smov.u32 s2;
	[sflag:s26] =	ssyncadd.s32 $0xFFFFC000  }
0x115: {  	[spmem:s4] =	stream.indirect.scatter.add.f32 [tilespmem:s23], [sflag:$0x2], $0x80, s3, s25, $0xb8;
	[tilespmem:$0x1D000] =	vst v63  }
0x116: {  	s2 =	sadd.s32 $0x14000, s30  }
0x117: {  	[tilespmem:s23], [sflag:$0x1] =	stream.indirect.gather [hbm4b:s1+s25], $0x80, s2, s25, $0xb8;
	[tilespmem:$0x1D000] =	vst v63  }
0x118: {  	_ =	swait.ge [sflag:s26], $0x4000  }
0x119: {  	[sflag:s26] =	ssyncset.done $0x0  }
0x11a: {  	s31 =	sadd.s32 $0x16800, s30;
	[sflag:s26] =	ssyncadd.s32 $0xFFFFC000  }
0x11b: {  	[spmem:s4] =	stream.indirect.scatter.add.f32 [tilespmem:s23], [sflag:$0x2], $0x80, s31, s25, $0xb8;
	[tilespmem:$0x1D000] =	vst v63  }
0x11c: {  	_ =	swait.ge [sflag:s28], $0x4000  }
0x11d: {  	s30 =	simm.s32 $0x4E;
	[sflag:s28] =	ssyncset.done $0x0  }
.LBB2_12:
0x11e: {  	p0 =	sne.s32 s30, $0x1;
	s30 =	sadd.s32 $0xFFFFFFFF, s30;
	[sflag:s28] =	ssyncadd.s32 $0xFFFFC000  }
.Ltmp5:
0x11f: {  	(pc) =	sbr.rel @p0 .LBB2_12-.Ltmp5, $3  }
0x120: {  	_ =	sdelay $0x1  }
0x121: {  	_ =	swait.ge [sflag:s28], $0x4000  }
0x122: {  	[sflag:s28] =	ssyncset.done $0x0  }
0x123: {  	[sflag:s28] =	ssyncadd.s32 $0xFFFFC000  }
0x124: {  	[bflag:$0x0] =	sbarrier.arrive $0xFFFF  }
0x125: {  	[tilespmem:s23], [sflag:$0x3] =	stream.linear.gather [spmem:s8], $0x4000, $0x38;
	[tilespmem:$0x1D000] =	vst v63  }
0x126: {  	_ =	swait.ge [sflag:s15], $0x4000  }
0x127: {  	[sflag:s15] =	ssyncset.done $0x0  }
0x128: {  	s2 =	simm.s32 $0x0;
	s3 =	rddreg [dreg:$0x11];
	[sflag:s15] =	ssyncadd.s32 $0xFFFFC000  }
0x129: {  	[hbm4b:s3+s2] =	stream.linear.scatter [tilespmem:s23], [sflag:$0x3], $0x4000, $0x38;
	[tilespmem:$0x1D000] =	vst v63  }
0x12a: {  	_ =	swait.ge [sflag:s15], $0x4000  }
0x12b: {  	[sflag:s15] =	ssyncset.done $0x0  }
0x12c: {  	[sflag:s15] =	ssyncadd.s32 $0xFFFFC000  }
0x12d: {  	[tilespmem:s23], [sflag:$0x3] =	stream.linear.gather [spmem:s9], $0x4000, $0x38;
	[tilespmem:$0x1D000] =	vst v63  }
0x12e: {  	_ =	swait.ge [sflag:s15], $0x4000  }
0x12f: {  	[sflag:s15] =	ssyncset.done $0x0  }
0x130: {  	s3 =	rddreg [dreg:$0x12];
	[sflag:s15] =	ssyncadd.s32 $0xFFFFC000  }
0x131: {  	[hbm4b:s3+s2] =	stream.linear.scatter [tilespmem:s23], [sflag:$0x3], $0x4000, $0x38;
	[tilespmem:$0x1D000] =	vst v63  }
0x132: {  	_ =	swait.ge [sflag:s15], $0x4000  }
0x133: {  	[sflag:s15] =	ssyncset.done $0x0  }
0x134: {  	[sflag:s15] =	ssyncadd.s32 $0xFFFFC000  }
0x135: {  	[tilespmem:s23], [sflag:$0x3] =	stream.linear.gather [spmem:s10], $0x4000, $0x38;
	[tilespmem:$0x1D000] =	vst v63  }
0x136: {  	_ =	swait.ge [sflag:s15], $0x4000  }
0x137: {  	[sflag:s15] =	ssyncset.done $0x0  }
0x138: {  	s3 =	rddreg [dreg:$0x13];
	[sflag:s15] =	ssyncadd.s32 $0xFFFFC000  }
0x139: {  	[hbm4b:s3+s2] =	stream.linear.scatter [tilespmem:s23], [sflag:$0x3], $0x4000, $0x38;
	[tilespmem:$0x1D000] =	vst v63  }
0x13a: {  	_ =	swait.ge [sflag:s15], $0x4000  }
0x13b: {  	[sflag:s15] =	ssyncset.done $0x0  }
0x13c: {  	[sflag:s15] =	ssyncadd.s32 $0xFFFFC000  }
0x13d: {  	[tilespmem:s23], [sflag:$0x3] =	stream.linear.gather [spmem:s16], $0x4000, $0x38;
	[tilespmem:$0x1D000] =	vst v63  }
0x13e: {  	_ =	swait.ge [sflag:s15], $0x4000  }
0x13f: {  	[sflag:s15] =	ssyncset.done $0x0  }
0x140: {  	s3 =	rddreg [dreg:$0x14];
	[sflag:s15] =	ssyncadd.s32 $0xFFFFC000  }
0x141: {  	[hbm4b:s3+s2] =	stream.linear.scatter [tilespmem:s23], [sflag:$0x3], $0x4000, $0x38;
	[tilespmem:$0x1D000] =	vst v63  }
0x142: {  	_ =	swait.ge [sflag:s15], $0x4000  }
0x143: {  	[sflag:s15] =	ssyncset.done $0x0  }
0x144: {  	[sflag:s15] =	ssyncadd.s32 $0xFFFFC000  }
0x145: {  	[tilespmem:s23], [sflag:$0x3] =	stream.linear.gather [spmem:s17], $0x4000, $0x38;
	[tilespmem:$0x1D000] =	vst v63  }
0x146: {  	_ =	swait.ge [sflag:s15], $0x4000  }
0x147: {  	[sflag:s15] =	ssyncset.done $0x0  }
0x148: {  	s3 =	rddreg [dreg:$0x15];
	[sflag:s15] =	ssyncadd.s32 $0xFFFFC000  }
0x149: {  	[hbm4b:s3+s2] =	stream.linear.scatter [tilespmem:s23], [sflag:$0x3], $0x4000, $0x38;
	[tilespmem:$0x1D000] =	vst v63  }
0x14a: {  	_ =	swait.ge [sflag:s15], $0x4000  }
0x14b: {  	[sflag:s15] =	ssyncset.done $0x0  }
0x14c: {  	[sflag:s15] =	ssyncadd.s32 $0xFFFFC000  }
0x14d: {  	[bflag:$0x0] =	sbarrier.arrive $0xFFFF  }
0x14e: {  	[tilespmem:s23], [sflag:$0x3] =	stream.linear.gather [hbm4b:s6+s2], $0x4000, $0x38;
	[tilespmem:$0x1D000] =	vst v63  }
0x14f: {  	_ =	swait.ge [sflag:s15], $0x4000  }
0x150: {  	[sflag:s15] =	ssyncset.done $0x0  }
0x151: {  	[sflag:s15] =	ssyncadd.s32 $0xFFFFC000  }
0x152: {  	[spmem:s8] =	stream.linear.scatter [tilespmem:s23], [sflag:$0x3], $0x4000, $0x38;
	[tilespmem:$0x1D000] =	vst v63  }
0x153: {  	_ =	swait.ge [sflag:s15], $0x4000  }
0x154: {  	[sflag:s15] =	ssyncset.done $0x0  }
0x155: {  	[sflag:s15] =	ssyncadd.s32 $0xFFFFC000  }
0x156: {  	[spmem:s9] =	stream.linear.scatter [tilespmem:s23], [sflag:$0x3], $0x4000, $0x38;
	[tilespmem:$0x1D000] =	vst v63  }
0x157: {  	_ =	swait.ge [sflag:s15], $0x4000  }
0x158: {  	[sflag:s15] =	ssyncset.done $0x0  }
0x159: {  	[sflag:s15] =	ssyncadd.s32 $0xFFFFC000  }
0x15a: {  	[spmem:s10] =	stream.linear.scatter [tilespmem:s23], [sflag:$0x3], $0x4000, $0x38;
	[tilespmem:$0x1D000] =	vst v63  }
0x15b: {  	_ =	swait.ge [sflag:s15], $0x4000  }
0x15c: {  	[sflag:s15] =	ssyncset.done $0x0  }
0x15d: {  	[sflag:s15] =	ssyncadd.s32 $0xFFFFC000  }
0x15e: {  	[spmem:s16] =	stream.linear.scatter [tilespmem:s23], [sflag:$0x3], $0x4000, $0x38;
	[tilespmem:$0x1D000] =	vst v63  }
0x15f: {  	_ =	swait.ge [sflag:s15], $0x4000  }
0x160: {  	[sflag:s15] =	ssyncset.done $0x0  }
0x161: {  	[sflag:s15] =	ssyncadd.s32 $0xFFFFC000  }
0x162: {  	[spmem:s17] =	stream.linear.scatter [tilespmem:s23], [sflag:$0x3], $0x4000, $0x38;
	[tilespmem:$0x1D000] =	vst v63  }
0x163: {  	_ =	swait.ge [sflag:s15], $0x4000  }
0x164: {  	[sflag:s15] =	ssyncset.done $0x0  }
0x165: {  	s3 =	rddreg [dreg:$0xf];
	[sflag:s15] =	ssyncadd.s32 $0xFFFFC000  }
0x166: {  	[tilespmem:s24], [sflag:$0x3] =	stream.linear.gather [hbm4b:s3+s2], $0x2780, $0x38;
	[tilespmem:$0x1D000] =	vst v63  }
0x167: {  	_ =	swait.ge [sflag:s15], $0x2780  }
0x168: {  	[sflag:s15] =	ssyncset.done $0x0  }
0x169: {  	[sflag:s15] =	ssyncadd.s32 $0xFFFFD880  }
0x16a: {  	s3 =	simm.s32 $0x14000;
	[bflag:$0x0] =	sbarrier.arrive $0xFFFF  }
0x16b: {  	[tilespmem:s23], [sflag:$0x1] =	stream.indirect.gather [hbm4b:s1+s25], $0x80, s3, s25, $0xb8;
	[tilespmem:$0x1D000] =	vst v63  }
0x16c: {  	_ =	swait.ge [sflag:s26], $0x4000  }
0x16d: {  	s30 =	simm.s32 $0x80;
	[sflag:s26] =	ssyncset.done $0x0  }
0x16e: {  	s31 =	simm.s32 $0x400;
	s3 =	simm.s32 $0x16800;
	[sflag:s26] =	ssyncadd.s32 $0xFFFFC000  }
.LBB2_14:
0x16f: {  	[spmem:s4] =	stream.indirect.scatter.add.f32 [tilespmem:s23], [sflag:$0x2], $0x80, s3, s25, $0xb8;
	[tilespmem:$0x1D000] =	vst v63  }
0x170: {  	p0 =	sne.s32 s31, $0x9C00  }
.Ltmp6:
0x171: {  	s2 =	sshra.s32 s31, $0x2;
	s3 =	sadd.s32 $0x14000, s30;
	(pc) =	sbr.rel @p0 .LBB2_14-.Ltmp6, $4  }
0x172: {  	[tilespmem:s23], [sflag:$0x1] =	stream.indirect.gather [hbm4b:s1+s25], $0x80, s3, s25, $0xb8;
	[tilespmem:$0x1D000] =	vst v63  }
0x173: {  	s31 =	sadd.s32 $0x200, s31;
	_ =	swait.ge [sflag:s26], $0x4000  }
0x174: {  	[sflag:s26] =	ssyncset.done $0x0  }
0x175: {  	s3 =	sadd.s32 $0x16800, s30;
	s30 =	smov.u32 s2;
	[sflag:s26] =	ssyncadd.s32 $0xFFFFC000  }
0x176: {  	[spmem:s4] =	stream.indirect.scatter.add.f32 [tilespmem:s23], [sflag:$0x2], $0x80, s3, s25, $0xb8;
	[tilespmem:$0x1D000] =	vst v63  }
0x177: {  	s2 =	sadd.s32 $0x14000, s30  }
0x178: {  	[tilespmem:s23], [sflag:$0x1] =	stream.indirect.gather [hbm4b:s1+s25], $0x80, s2, s25, $0xb8;
	[tilespmem:$0x1D000] =	vst v63  }
0x179: {  	_ =	swait.ge [sflag:s26], $0x4000  }
0x17a: {  	[sflag:s26] =	ssyncset.done $0x0  }
0x17b: {  	s31 =	sadd.s32 $0x16800, s30;
	[sflag:s26] =	ssyncadd.s32 $0xFFFFC000  }
0x17c: {  	[spmem:s4] =	stream.indirect.scatter.add.f32 [tilespmem:s23], [sflag:$0x2], $0x80, s31, s25, $0xb8;
	[tilespmem:$0x1D000] =	vst v63  }
0x17d: {  	_ =	swait.ge [sflag:s28], $0x4000  }
0x17e: {  	s30 =	simm.s32 $0x4E;
	[sflag:s28] =	ssyncset.done $0x0  }
.LBB2_16:
0x17f: {  	p0 =	sne.s32 s30, $0x1;
	s30 =	sadd.s32 $0xFFFFFFFF, s30;
	[sflag:s28] =	ssyncadd.s32 $0xFFFFC000  }
.Ltmp7:
0x180: {  	(pc) =	sbr.rel @p0 .LBB2_16-.Ltmp7, $3  }
0x181: {  	_ =	sdelay $0x1  }
0x182: {  	_ =	swait.ge [sflag:s28], $0x4000  }
0x183: {  	[sflag:s28] =	ssyncset.done $0x0  }
0x184: {  	[sflag:s28] =	ssyncadd.s32 $0xFFFFC000  }
0x185: {  	[bflag:$0x0] =	sbarrier.arrive $0xFFFF  }
0x186: {  	[tilespmem:s23], [sflag:$0x3] =	stream.linear.gather [spmem:s8], $0x4000, $0x38;
	[tilespmem:$0x1D000] =	vst v63  }
0x187: {  	_ =	swait.ge [sflag:s15], $0x4000  }
0x188: {  	[sflag:s15] =	ssyncset.done $0x0  }
0x189: {  	[sflag:s15] =	ssyncadd.s32 $0xFFFFC000  }
0x18a: {  	[hbm4b:s7+s5] =	stream.linear.scatter [tilespmem:s23], [sflag:$0x3], $0x4000, $0x38;
	[tilespmem:$0x1D000] =	vst v63  }
0x18b: {  	_ =	swait.ge [sflag:s15], $0x4000  }
0x18c: {  	[sflag:s15] =	ssyncset.done $0x0  }
0x18d: {  	[sflag:s15] =	ssyncadd.s32 $0xFFFFC000  }
0x18e: {  	[tilespmem:s23], [sflag:$0x3] =	stream.linear.gather [spmem:s9], $0x4000, $0x38;
	[tilespmem:$0x1D000] =	vst v63  }
0x18f: {  	_ =	swait.ge [sflag:s15], $0x4000  }
0x190: {  	[sflag:s15] =	ssyncset.done $0x0  }
0x191: {  	[sflag:s15] =	ssyncadd.s32 $0xFFFFC000  }
0x192: {  	[hbm4b:s11+s5] =	stream.linear.scatter [tilespmem:s23], [sflag:$0x3], $0x4000, $0x38;
	[tilespmem:$0x1D000] =	vst v63  }
0x193: {  	_ =	swait.ge [sflag:s15], $0x4000  }
0x194: {  	[sflag:s15] =	ssyncset.done $0x0  }
0x195: {  	[sflag:s15] =	ssyncadd.s32 $0xFFFFC000  }
0x196: {  	[tilespmem:s23], [sflag:$0x3] =	stream.linear.gather [spmem:s10], $0x4000, $0x38;
	[tilespmem:$0x1D000] =	vst v63  }
0x197: {  	_ =	swait.ge [sflag:s15], $0x4000  }
0x198: {  	[sflag:s15] =	ssyncset.done $0x0  }
0x199: {  	[sflag:s15] =	ssyncadd.s32 $0xFFFFC000  }
0x19a: {  	[hbm4b:s12+s5] =	stream.linear.scatter [tilespmem:s23], [sflag:$0x3], $0x4000, $0x38;
	[tilespmem:$0x1D000] =	vst v63  }
0x19b: {  	_ =	swait.ge [sflag:s15], $0x4000  }
0x19c: {  	[sflag:s15] =	ssyncset.done $0x0  }
0x19d: {  	[sflag:s15] =	ssyncadd.s32 $0xFFFFC000  }
0x19e: {  	[tilespmem:s23], [sflag:$0x3] =	stream.linear.gather [spmem:s16], $0x4000, $0x38;
	[tilespmem:$0x1D000] =	vst v63  }
0x19f: {  	_ =	swait.ge [sflag:s15], $0x4000  }
0x1a0: {  	[sflag:s15] =	ssyncset.done $0x0  }
0x1a1: {  	[sflag:s15] =	ssyncadd.s32 $0xFFFFC000  }
0x1a2: {  	[hbm4b:s13+s5] =	stream.linear.scatter [tilespmem:s23], [sflag:$0x3], $0x4000, $0x38;
	[tilespmem:$0x1D000] =	vst v63  }
0x1a3: {  	_ =	swait.ge [sflag:s15], $0x4000  }
0x1a4: {  	[sflag:s15] =	ssyncset.done $0x0  }
0x1a5: {  	[sflag:s15] =	ssyncadd.s32 $0xFFFFC000  }
0x1a6: {  	[tilespmem:s23], [sflag:$0x3] =	stream.linear.gather [spmem:s17], $0x4000, $0x38;
	[tilespmem:$0x1D000] =	vst v63  }
0x1a7: {  	_ =	swait.ge [sflag:s15], $0x4000  }
0x1a8: {  	[sflag:s15] =	ssyncset.done $0x0  }
0x1a9: {  	[sflag:s15] =	ssyncadd.s32 $0xFFFFC000  }
0x1aa: {  	[hbm4b:s14+s5] =	stream.linear.scatter [tilespmem:s23], [sflag:$0x3], $0x4000, $0x38;
	[tilespmem:$0x1D000] =	vst v63  }
0x1ab: {  	_ =	swait.ge [sflag:s15], $0x4000  }
0x1ac: {  	s29 =	sadd.s32 $0x1, s29;
	s2 =	rddreg [dreg:$0x10]  }
0x1ad: {  	p0 =	sne.s32 s29, s2  }
.Ltmp8:
0x1ae: {  	_ = 	snop;
	(pc) =	sbr.rel @p0 .LBB2_1-.Ltmp8, $3  }
0x1af: {  	[sflag:s15] =	ssyncset.done $0x0  }
0x1b0: {  	[sflag:s15] =	ssyncadd.s32 $0xFFFFC000  }
0x1b1: {  	[bflag:$0x0] =	sbarrier.arrive $0xFFFF;
	_ =	sdelay $0x1  }
0x1b2: {  	_ =	sfence.sel $0x180000  }
0x1b3: {  	[bflag:$0x0] =	sbarrier.arrive $0xFFFF  }
0x1b4: {  	_ =	strace $0x90000047  }
0x1b5: {  	s0 =	stileid.u32;
	[bflag:$0x2] =	sbarrier.arrive $0xFFFF  }
0x1b6: {  	p0 =	sne.s32 s0, $0x0;
	s0 =	rddreg [dreg:$0x5]  }
0x1b7: {  	s0 =	sadd.s32 @!p0 $0x100000, s0  }
0x1b8: {  	[sflag:s0] =	ssyncadd.tile.s32 @!p0 $0x1;
	_ =	shalt  }
.Lfunc_end2:
_tile_overlayer_lowered:
.L_overlay_start_2:
0x1b9: {  	(tag) =	ssettag $0x2  }
0x1ba: {  	s0 =	rddreg [dreg:$0x0];
	s2 =	stileid.u32  }
0x1bb: {  	s1 =	rddreg [dreg:$0x1];
	p0 =	sne.s32 s2, $0x0  }
0x1bc: {  	s3 =	rddreg [dreg:$0x2];
	[bflag:$0x3] =	sbarrier.arrive $0xFFFF;
	s2 =	simm.s32 @!p0 $0x1C03  }
0x1bd: {  	[timem:s3], [sflag:s2] =	dma.local @!p0 [hbm:s0], s1  }
0x1be: {  	s0 =	simm.s32 @!p0 $0x3  }
0x1bf: {  	_ =	swait.ge @!p0 [sflag:s0], s1  }
0x1c0: {  	s1 =	ssub.s32 @!p0 $0x0, s1;
	[sflag:s0] =	ssyncset.done @!p0 $0x0  }
0x1c1: {  	[sflag:s0] =	ssyncadd.s32 @!p0 s1  }
0x1c2: {  	[bflag:$0x3] =	sbarrier.arrive $0xFFFF  }
0x1c3: {  	_ =	shalt  }

</sc_bundles>
